<compile_context>
chip_gen: v7x
topology: tpu7x:2x2x1
jax: 0.10.2.dev20260603
libtpu: 0.0.44.dev20260713+nightly
codegen_flags: <defaults>
</compile_context>

<pallas_src>
import functools

import jax
import jax.numpy as jnp
from jax import lax
from jax.experimental import pallas as pl
from jax.experimental.pallas import tpu as pltpu
from jax.experimental.pallas import tpu_sc as plsc

N = 10000
E = 320000
H = 128
NPAD = 10240

NC = 2
NS = 16
NW = NC * NS
EPW = E // NW
CH = 50
NCH = EPW // CH
GCH = 40
NG = NCH // GCH
NBUF = 4
NQUAD = GCH // NBUF
CHD = 80
NCHD = EPW // CHD
RPT = NPAD // NS

R = 2000
GRID = N // R

_MESH = dict(core_axis_name="c", subcore_axis_name="s", num_cores=NC,
             num_subcores=NS)



def _sc_deg_body(dst_hbm, out_hbm, dstv, onesv, bounce, acc):
    cid = lax.axis_index("c")
    sid = lax.axis_index("s")
    wid = sid * NC + cid

    def _z(i, _):
        bounce[pl.ds(i * 16, 16)] = jnp.zeros((16,), jnp.float32)
        return 0
    lax.fori_loop(0, RPT // 16, _z, 0)
    pltpu.sync_copy(bounce, acc.at[pl.ds(sid * RPT, RPT)])

    def _o(i, _):
        onesv[pl.ds(i * 16, 16)] = jnp.ones((16,), jnp.float32)
        return 0
    lax.fori_loop(0, CHD // 16, _o, 0)

    plsc.subcore_barrier()

    pltpu.sync_copy(dst_hbm.at[wid], dstv)

    def _chunk(j, _):
        pltpu.sync_copy(onesv, acc.at[dstv.at[j]], add=True)
        return 0
    lax.fori_loop(0, NCHD, _chunk, 0)

    plsc.subcore_barrier()

    pltpu.sync_copy(acc.at[pl.ds(sid * RPT, RPT)], bounce)
    pltpu.sync_copy(bounce, out_hbm.at[cid, pl.ds(sid * RPT, RPT)])


_sc_deg = pl.kernel(
    _sc_deg_body,
    out_type=jax.ShapeDtypeStruct((NC, NPAD), jnp.float32),
    mesh=plsc.VectorSubcoreMesh(**_MESH),
    scratch_types=[
        pltpu.VMEM((NCHD, CHD), jnp.int32),
        pltpu.VMEM((CHD,), jnp.float32),
        pltpu.VMEM((RPT,), jnp.float32),
        pltpu.VMEM_SHARED((NPAD,), jnp.float32),
    ],
)


def _sc_agg_body(zp_hbm, src_hbm, dst_hbm, zeros_hbm, out_hbm, srcv, dstv,
                 rows0, rows1, rows2, rows3, acc,
                 sg0, sg1, sg2, sg3, ss0, ss1, ss2, ss3):
    cid = lax.axis_index("c")
    sid = lax.axis_index("s")
    wid = sid * NC + cid
    rows = (rows0, rows1, rows2, rows3)
    sgs = (sg0, sg1, sg2, sg3)
    sss = (ss0, ss1, ss2, ss3)

    pltpu.sync_copy(zeros_hbm, acc.at[pl.ds(sid * RPT, RPT)])

    plsc.subcore_barrier()

    def _drain_scatter(q):
        pltpu.make_async_copy(rows[q], acc.at[dstv.at[0]], sss[q]).wait()

    def _grp(g, _):
        @pl.when(g > 0)
        def _():
            for q in range(NBUF):
                _drain_scatter(q)

        pltpu.sync_copy(src_hbm.at[wid, g], srcv)
        pltpu.sync_copy(dst_hbm.at[wid, g], dstv)

        def _quad(t, _):
            for q in range(NBUF):
                @pl.when(t > 0)
                def _():
                    _drain_scatter(q)
                pltpu.async_copy(zp_hbm.at[srcv.at[NBUF * t + q]], rows[q],
                                 sgs[q])
            for q in range(NBUF):
                pltpu.make_async_copy(zp_hbm.at[srcv.at[0]], rows[q],
                                      sgs[q]).wait()
                pltpu.async_copy(rows[q], acc.at[dstv.at[NBUF * t + q]],
                                 sss[q], add=True)
            return 0
        lax.fori_loop(0, NQUAD, _quad, 0)
        return 0
    lax.fori_loop(0, NG, _grp, 0)

    for q in range(NBUF):
        _drain_scatter(q)
    plsc.subcore_barrier()

    pltpu.sync_copy(acc.at[pl.ds(sid * RPT, RPT)],
                    out_hbm.at[cid, pl.ds(sid * RPT, RPT)])


_sc_agg = pl.kernel(
    _sc_agg_body,
    out_type=jax.ShapeDtypeStruct((NC, NPAD, H), jnp.float32),
    mesh=plsc.VectorSubcoreMesh(**_MESH),
    scratch_types=[
        pltpu.VMEM((GCH, CH), jnp.int32),
        pltpu.VMEM((GCH, CH), jnp.int32),
        pltpu.VMEM((CH, H), jnp.float32),
        pltpu.VMEM((CH, H), jnp.float32),
        pltpu.VMEM((CH, H), jnp.float32),
        pltpu.VMEM((CH, H), jnp.float32),
        pltpu.VMEM_SHARED((NPAD, H), jnp.float32),
        pltpu.SemaphoreType.DMA,
        pltpu.SemaphoreType.DMA,
        pltpu.SemaphoreType.DMA,
        pltpu.SemaphoreType.DMA,
        pltpu.SemaphoreType.DMA,
        pltpu.SemaphoreType.DMA,
        pltpu.SemaphoreType.DMA,
        pltpu.SemaphoreType.DMA,
    ],
)




_DOT = functools.partial(jnp.dot, preferred_element_type=jnp.float32,
                         precision=lax.Precision.HIGHEST)


C = 2
JH = 3 * H


def _tc_pre_body(x_ref, d0_ref, d1_ref, w_ref, jkw_ref, jkb_ref, clsw_ref,
                 clsb_ref, zp_ref, dinv_ref, m_ref, c2_ref):
    deg = d0_ref[...] + d1_ref[...] + 1.0
    dinv = lax.rsqrt(deg)
    zp_ref[...] = dinv * _DOT(x_ref[...], w_ref[...])
    dinv_ref[...] = dinv
    m_ref[...] = _DOT(jkw_ref[...], clsw_ref[...])
    c2_ref[...] = _DOT(jkb_ref[...], clsw_ref[...]) + clsb_ref[...]


_tc_pre = pl.pallas_call(
    _tc_pre_body,
    grid=(GRID,),
    in_specs=[
        pl.BlockSpec((R, H), lambda i: (i, 0)),
        pl.BlockSpec((R, 1), lambda i: (i, 0)),
        pl.BlockSpec((R, 1), lambda i: (i, 0)),
        pl.BlockSpec((H, H), lambda i: (0, 0)),
        pl.BlockSpec((JH, H), lambda i: (0, 0)),
        pl.BlockSpec((1, H), lambda i: (0, 0)),
        pl.BlockSpec((H, C), lambda i: (0, 0)),
        pl.BlockSpec((1, C), lambda i: (0, 0)),
    ],
    out_specs=[
        pl.BlockSpec((R, H), lambda i: (i, 0)),
        pl.BlockSpec((R, 1), lambda i: (i, 0)),
        pl.BlockSpec((JH, C), lambda i: (0, 0)),
        pl.BlockSpec((1, C), lambda i: (0, 0)),
    ],
    out_shape=[
        jax.ShapeDtypeStruct((N, H), jnp.float32),
        jax.ShapeDtypeStruct((N, 1), jnp.float32),
        jax.ShapeDtypeStruct((JH, C), jnp.float32),
        jax.ShapeDtypeStruct((1, C), jnp.float32),
    ],
)


def _layer_h(p_ref, zp_ref, dinv_ref, g_ref, be_ref, rm_ref, rv_ref, b_ref):
    accum = p_ref[0] + p_ref[1] + zp_ref[...]
    dinv = dinv_ref[...]
    pre = dinv * accum + b_ref[...]
    a = g_ref[...] * lax.rsqrt(rv_ref[...] + 1e-5)
    return jnp.maximum(pre * a + (be_ref[...] - rm_ref[...] * a), 0.0)


def _tc_mid0_body(p_ref, zp_ref, dinv_ref, g_ref, be_ref, rm_ref, rv_ref,
                  b_ref, wn_ref, m_ref, c2_ref, zpo_ref, l_ref):
    h = _layer_h(p_ref, zp_ref, dinv_ref, g_ref, be_ref, rm_ref, rv_ref, b_ref)
    zpo_ref[...] = dinv_ref[...] * _DOT(h, wn_ref[...])
    l_ref[...] = _DOT(h, m_ref[...]) + c2_ref[...]


def _tc_mid1_body(p_ref, zp_ref, dinv_ref, g_ref, be_ref, rm_ref, rv_ref,
                  b_ref, wn_ref, m_ref, lin_ref, zpo_ref, l_ref):
    h = _layer_h(p_ref, zp_ref, dinv_ref, g_ref, be_ref, rm_ref, rv_ref, b_ref)
    zpo_ref[...] = dinv_ref[...] * _DOT(h, wn_ref[...])
    l_ref[...] = lin_ref[...] + _DOT(h, m_ref[...])


def _tc_fin_body(p_ref, zp_ref, dinv_ref, g_ref, be_ref, rm_ref, rv_ref,
                 b_ref, m_ref, lin_ref, out_ref):
    h = _layer_h(p_ref, zp_ref, dinv_ref, g_ref, be_ref, rm_ref, rv_ref, b_ref)
    out_ref[...] = lin_ref[...] + _DOT(h, m_ref[...])


def _row_specs():
    return [
        pl.BlockSpec((2, R, H), lambda i: (0, i, 0)),
        pl.BlockSpec((R, H), lambda i: (i, 0)),
        pl.BlockSpec((R, 1), lambda i: (i, 0)),
        pl.BlockSpec((1, H), lambda i: (0, 0)),
        pl.BlockSpec((1, H), lambda i: (0, 0)),
        pl.BlockSpec((1, H), lambda i: (0, 0)),
        pl.BlockSpec((1, H), lambda i: (0, 0)),
        pl.BlockSpec((1, H), lambda i: (0, 0)),
    ]


_W_SPEC = pl.BlockSpec((H, H), lambda i: (0, 0))
_M_SPEC = pl.BlockSpec((H, C), lambda i: (0, 0))
_C2_SPEC = pl.BlockSpec((1, C), lambda i: (0, 0))
_L_SPEC = pl.BlockSpec((R, C), lambda i: (i, 0))

_tc_mid0 = pl.pallas_call(
    _tc_mid0_body,
    grid=(GRID,),
    in_specs=_row_specs() + [_W_SPEC, _M_SPEC, _C2_SPEC],
    out_specs=[
        pl.BlockSpec((R, H), lambda i: (i, 0)),
        _L_SPEC,
    ],
    out_shape=[
        jax.ShapeDtypeStruct((N, H), jnp.float32),
        jax.ShapeDtypeStruct((N, C), jnp.float32),
    ],
)

_tc_mid1 = pl.pallas_call(
    _tc_mid1_body,
    grid=(GRID,),
    in_specs=_row_specs() + [_W_SPEC, _M_SPEC, _L_SPEC],
    out_specs=[
        pl.BlockSpec((R, H), lambda i: (i, 0)),
        _L_SPEC,
    ],
    out_shape=[
        jax.ShapeDtypeStruct((N, H), jnp.float32),
        jax.ShapeDtypeStruct((N, C), jnp.float32),
    ],
)

_tc_fin = pl.pallas_call(
    _tc_fin_body,
    grid=(GRID,),
    in_specs=_row_specs() + [_M_SPEC, _L_SPEC],
    out_specs=pl.BlockSpec((R, C), lambda i: (i, 0)),
    out_shape=jax.ShapeDtypeStruct((N, C), jnp.float32),
)



def kernel(x, edge_index, W0, b0, W1, b1, W2, b2,
           g0, be0, rm0, rv0, g1, be1, rm1, rv1, g2, be2, rm2, rv2,
           jkW, jkb, clsW, clsb):
    src4 = edge_index[0].reshape(NW, NG, GCH, CH)
    dst4 = edge_index[1].reshape(NW, NG, GCH, CH)
    zrows = jnp.zeros((RPT, H), jnp.float32)

    degp = _sc_deg(edge_index[1].reshape(NW, NCHD, CHD))
    zp, dinv, m, c2 = _tc_pre(x, degp[0, :N, None], degp[1, :N, None], W0,
                              jkW, jkb.reshape(1, H), clsW,
                              clsb.reshape(1, C))

    p = _sc_agg(zp, src4, dst4, zrows)
    zp, l = _tc_mid0(p, zp, dinv, g0.reshape(1, H), be0.reshape(1, H),
                     rm0.reshape(1, H), rv0.reshape(1, H), b0.reshape(1, H),
                     W1, m[:H], c2)

    p = _sc_agg(zp, src4, dst4, zrows)
    zp, l = _tc_mid1(p, zp, dinv, g1.reshape(1, H), be1.reshape(1, H),
                     rm1.reshape(1, H), rv1.reshape(1, H), b1.reshape(1, H),
                     W2, m[H:2 * H], l)

    p = _sc_agg(zp, src4, dst4, zrows)
    logits = _tc_fin(p, zp, dinv, g2.reshape(1, H), be2.reshape(1, H),
                     rm2.reshape(1, H), rv2.reshape(1, H), b2.reshape(1, H),
                     m[2 * H:], l)
    return logits

# --- scband reference (transcript-rebuilt; emitter-appended) ---
"""Pipeline reference for scband-jknet-gcn-82454782148694 (READ-ONLY COPY).

The authoritative reference and input builder live on the scoring server;
editing this copy changes nothing except your own understanding.
"""

import jax, jax.numpy as jnp
import numpy as np

N = 10000
E = 320000
D_IN = 128
H = 128
NUM_LAYERS = 3
C = 2


def _gcn_conv(x, W, b, src, dst, n):
    # PyG-style GCNConv: linear transform, add self loops, symmetric normalization, scatter-add
    h = x @ W
    sl = jnp.arange(n, dtype=src.dtype)
    s = jnp.concatenate([src, sl])
    d = jnp.concatenate([dst, sl])
    deg = jnp.zeros((n,), h.dtype).at[d].add(1.0)
    dinv = jnp.where(deg > 0, deg ** -0.5, 0.0)
    norm = dinv[s] * dinv[d]
    out = jax.ops.segment_sum(h[s] * norm[:, None], d, num_segments=n)
    return out + b


def _bn_eval(h, g, be, rm, rv):
    # BatchNorm1d in eval mode (running statistics), eps=1e-5
    return (h - rm) * jax.lax.rsqrt(rv + 1e-5) * g + be


def setup_inputs(seed: int = 0) -> dict:
    key = jax.random.key(seed)
    ks = jax.random.split(key, 32)
    inp = {}
    inp["x"] = jax.random.normal(ks[0], (N, D_IN), dtype=jnp.float32)
    inp["edge_index"] = jax.random.randint(ks[1], (2, E), 0, N, dtype=jnp.int32)
    dims = [(D_IN, H), (H, H), (H, H)]
    for i, (fi, fo) in enumerate(dims):
        inp[f"W{i}"] = jax.random.normal(ks[2 + 2 * i], (fi, fo), dtype=jnp.float32) * (1.0 / np.sqrt(fi))
        inp[f"b{i}"] = jax.random.normal(ks[3 + 2 * i], (fo,), dtype=jnp.float32) * 0.01
    for i in range(NUM_LAYERS):
        inp[f"g{i}"] = 1.0 + 0.1 * jax.random.normal(ks[8 + 4 * i], (H,), dtype=jnp.float32)
        inp[f"be{i}"] = 0.1 * jax.random.normal(ks[9 + 4 * i], (H,), dtype=jnp.float32)
        inp[f"rm{i}"] = 0.1 * jax.random.normal(ks[10 + 4 * i], (H,), dtype=jnp.float32)
        inp[f"rv{i}"] = 0.5 + jax.random.uniform(ks[11 + 4 * i], (H,), dtype=jnp.float32)
    inp["jkW"] = jax.random.normal(ks[20], (H * NUM_LAYERS, H), dtype=jnp.float32) * (1.0 / np.sqrt(H * NUM_LAYERS))
    inp["jkb"] = jax.random.normal(ks[21], (H,), dtype=jnp.float32) * 0.01
    inp["clsW"] = jax.random.normal(ks[22], (H, C), dtype=jnp.float32) * (1.0 / np.sqrt(H))
    inp["clsb"] = jax.random.normal(ks[23], (C,), dtype=jnp.float32) * 0.01
    return inp


def reference(x, edge_index, W0, b0, W1, b1, W2, b2,
              g0, be0, rm0, rv0, g1, be1, rm1, rv1, g2, be2, rm2, rv2,
              jkW, jkb, clsW, clsb):
    src = edge_index[0]
    dst = edge_index[1]
    Ws = [(W0, b0), (W1, b1), (W2, b2)]
    bns = [(g0, be0, rm0, rv0), (g1, be1, rm1, rv1), (g2, be2, rm2, rv2)]
    h = x
    outs = []
    for i in range(NUM_LAYERS):
        W, b = Ws[i]
        g, be, rm, rv = bns[i]
        h = _gcn_conv(h, W, b, src, dst, N)
        h = _bn_eval(h, g, be, rm, rv)
        h = jax.nn.relu(h)
        # dropout is identity in eval mode
        outs.append(h)
    hcat = jnp.concatenate(outs, axis=-1)  # JK 'cat' mode
    hj = hcat @ jkW + jkb
    logits = hj @ clsW + clsb
    return logits

if __name__ == "__main__":
    import jax
    _d = setup_inputs()
    print(jax.jit(kernel)(*tuple(_d.values())))

</pallas_src>

<mosaic_0001>
#map = affine_map<(d0, d1) -> (0, 0)>
#map1 = affine_map<(d0, d1) -> (0, 0, 0, 0)>
#map2 = affine_map<(d0, d1) -> (0, 0, 0)>
module attributes {stable_mosaic.version = 14 : i64} {
  func.func @_sc_agg_body(%arg0: i32, %arg1: i32, %arg2: memref<10000x128xf32, #tpu.memory_space<hbm>>, %arg3: memref<32x5x40x50xi32, #tpu.memory_space<hbm>>, %arg4: memref<32x5x40x50xi32, #tpu.memory_space<hbm>>, %arg5: memref<640x128xf32, #tpu.memory_space<hbm>>, %arg6: memref<2x10240x128xf32, #tpu.memory_space<hbm>>, %arg7: memref<40x50xi32, #tpu.memory_space<vmem>>, %arg8: memref<40x50xi32, #tpu.memory_space<vmem>>, %arg9: memref<50x128xf32, #tpu.memory_space<vmem>>, %arg10: memref<50x128xf32, #tpu.memory_space<vmem>>, %arg11: memref<50x128xf32, #tpu.memory_space<vmem>>, %arg12: memref<50x128xf32, #tpu.memory_space<vmem>>, %arg13: memref<10240x128xf32, #tpu.memory_space<vmem_shared>>, %arg14: memref<!tpu.dma_semaphore, #tpu.memory_space<semaphore_mem>>, %arg15: memref<!tpu.dma_semaphore, #tpu.memory_space<semaphore_mem>>, %arg16: memref<!tpu.dma_semaphore, #tpu.memory_space<semaphore_mem>>, %arg17: memref<!tpu.dma_semaphore, #tpu.memory_space<semaphore_mem>>, %arg18: memref<!tpu.dma_semaphore, #tpu.memory_space<semaphore_mem>>, %arg19: memref<!tpu.dma_semaphore, #tpu.memory_space<semaphore_mem>>, %arg20: memref<!tpu.dma_semaphore, #tpu.memory_space<semaphore_mem>>, %arg21: memref<!tpu.dma_semaphore, #tpu.memory_space<semaphore_mem>>) attributes {dimension_semantics = [#tpu.dimension_semantics<core_parallel>, #tpu.dimension_semantics<subcore_parallel>], iteration_bounds = array<i64: 2, 16>, scalar_prefetch = 0 : i64, scratch_operands = 15 : i64, tpu.core_type = #tpu.core_type<sc_vector_subcore>, window_params = [{transform_indices = #map}, {transform_indices = #map1}, {transform_indices = #map1}, {transform_indices = #map}, {transform_indices = #map2}]} {
    %mul3A = arith.constant 2 : i32
    %mul3A_0 = arith.muli %arg1, %mul3A : i32
    %add3A = arith.addi %mul3A_0, %arg0 : i32
    %mul3A_1 = arith.constant 640 : i32
    %mul3A_2 = arith.muli %arg1, %mul3A_1 : i32
    "tpu.region"() ({
      %run_scoped3A = tpu.sem_alloc : memref<!tpu.dma_semaphore, #tpu.memory_space<semaphore_mem>>
      %dma_start3A = arith.constant 0 : i32
      %dma_start3A_41 = tpu.memref_slice %arg13[%mul3A_2, %dma_start3A] : memref<10240x128xf32, #tpu.memory_space<vmem_shared>> -> memref<640x128xf32, #tpu.memory_space<vmem_shared>>
      tpu.enqueue_dma source(%arg5 : memref<640x128xf32, #tpu.memory_space<hbm>>) target(%dma_start3A_41 : memref<640x128xf32, #tpu.memory_space<vmem_shared>>) target_semaphore(%run_scoped3A : memref<!tpu.dma_semaphore, #tpu.memory_space<semaphore_mem>>)
      %dma_wait3A_42 = arith.constant 0 : i32
      %dma_wait3A_43 = tpu.memref_slice %arg13[%mul3A_2, %dma_wait3A_42] : memref<10240x128xf32, #tpu.memory_space<vmem_shared>> -> memref<640x128xf32, #tpu.memory_space<vmem_shared>>
      tpu.wait_dma2 semaphore(%run_scoped3A : memref<!tpu.dma_semaphore, #tpu.memory_space<semaphore_mem>>) src(%arg5 : memref<640x128xf32, #tpu.memory_space<hbm>>) dst(%dma_wait3A_43 : memref<640x128xf32, #tpu.memory_space<vmem_shared>>)
      tpu.yield
    }) : () -> ()
    %barrier3A = arith.constant 0 : index
    tpu.barrier barrier_id(%barrier3A)
    %scan3A = arith.constant 0 : i32
    %scan3A_3 = arith.constant 0 : i32
    %scan3A_4 = arith.constant 5 : i32
    %scan3A_5 = arith.addi %scan3A_3, %scan3A_4 : i32
    %scan3A_6 = arith.constant 1 : i32
    %scan3A_7 = scf.for %scan3A_41 = %scan3A_3 to %scan3A_5 step %scan3A_6 iter_args(%scan3A_42 = %scan3A) -> (i32)  : i32 {
      %gt3A = arith.constant 0 : i32
      %gt3A_43 = arith.cmpi sgt, %scan3A_41, %gt3A : i32
      %convert_element_type3A = arith.extui %gt3A_43 : i1 to i32
      %cond3A = arith.constant 0 : i32
      %cond3A_44 = arith.cmpi ne, %convert_element_type3A, %cond3A : i32
      scf.if %cond3A_44 {
        %dma_wait3A_53 = arith.constant 0 : i32
        %dma_wait3A_54 = arith.constant 0 : i32
        %dma_wait3A_55 = tpu.memref_slice %arg8[%dma_wait3A_53, %dma_wait3A_54] : memref<40x50xi32, #tpu.memory_space<vmem>> -> memref<1x50xi32, #tpu.memory_space<vmem>>
        %dma_wait3A_56 = tpu.memref_squeeze %dma_wait3A_55 : memref<1x50xi32, #tpu.memory_space<vmem>> -> memref<50xi32, #tpu.memory_space<vmem>>
        %dma_wait3A_57 = arith.constant 0 : i32
        %dma_wait3A_58 = arith.constant 0 : i32
        %dma_wait3A_59 = tpu.memref_slice %arg13[%dma_wait3A_57, %dma_wait3A_58] : memref<10240x128xf32, #tpu.memory_space<vmem_shared>> -> memref<10240x128xf32, #tpu.memory_space<vmem_shared>>
        tpu.wait_indirect_dma semaphore(%arg18 : memref<!tpu.dma_semaphore, #tpu.memory_space<semaphore_mem>>) src(%arg9 : memref<50x128xf32, #tpu.memory_space<vmem>>) dst(%dma_wait3A_59 : memref<10240x128xf32, #tpu.memory_space<vmem_shared>>)
        %dma_wait3A_60 = arith.constant 0 : i32
        %dma_wait3A_61 = arith.constant 0 : i32
        %dma_wait3A_62 = tpu.memref_slice %arg8[%dma_wait3A_60, %dma_wait3A_61] : memref<40x50xi32, #tpu.memory_space<vmem>> -> memref<1x50xi32, #tpu.memory_space<vmem>>
        %dma_wait3A_63 = tpu.memref_squeeze %dma_wait3A_62 : memref<1x50xi32, #tpu.memory_space<vmem>> -> memref<50xi32, #tpu.memory_space<vmem>>
        %dma_wait3A_64 = arith.constant 0 : i32
        %dma_wait3A_65 = arith.constant 0 : i32
        %dma_wait3A_66 = tpu.memref_slice %arg13[%dma_wait3A_64, %dma_wait3A_65] : memref<10240x128xf32, #tpu.memory_space<vmem_shared>> -> memref<10240x128xf32, #tpu.memory_space<vmem_shared>>
        tpu.wait_indirect_dma semaphore(%arg19 : memref<!tpu.dma_semaphore, #tpu.memory_space<semaphore_mem>>) src(%arg10 : memref<50x128xf32, #tpu.memory_space<vmem>>) dst(%dma_wait3A_66 : memref<10240x128xf32, #tpu.memory_space<vmem_shared>>)
        %dma_wait3A_67 = arith.constant 0 : i32
        %dma_wait3A_68 = arith.constant 0 : i32
        %dma_wait3A_69 = tpu.memref_slice %arg8[%dma_wait3A_67, %dma_wait3A_68] : memref<40x50xi32, #tpu.memory_space<vmem>> -> memref<1x50xi32, #tpu.memory_space<vmem>>
        %dma_wait3A_70 = tpu.memref_squeeze %dma_wait3A_69 : memref<1x50xi32, #tpu.memory_space<vmem>> -> memref<50xi32, #tpu.memory_space<vmem>>
        %dma_wait3A_71 = arith.constant 0 : i32
        %dma_wait3A_72 = arith.constant 0 : i32
        %dma_wait3A_73 = tpu.memref_slice %arg13[%dma_wait3A_71, %dma_wait3A_72] : memref<10240x128xf32, #tpu.memory_space<vmem_shared>> -> memref<10240x128xf32, #tpu.memory_space<vmem_shared>>
        tpu.wait_indirect_dma semaphore(%arg20 : memref<!tpu.dma_semaphore, #tpu.memory_space<semaphore_mem>>) src(%arg11 : memref<50x128xf32, #tpu.memory_space<vmem>>) dst(%dma_wait3A_73 : memref<10240x128xf32, #tpu.memory_space<vmem_shared>>)
        %dma_wait3A_74 = arith.constant 0 : i32
        %dma_wait3A_75 = arith.constant 0 : i32
        %dma_wait3A_76 = tpu.memref_slice %arg8[%dma_wait3A_74, %dma_wait3A_75] : memref<40x50xi32, #tpu.memory_space<vmem>> -> memref<1x50xi32, #tpu.memory_space<vmem>>
        %dma_wait3A_77 = tpu.memref_squeeze %dma_wait3A_76 : memref<1x50xi32, #tpu.memory_space<vmem>> -> memref<50xi32, #tpu.memory_space<vmem>>
        %dma_wait3A_78 = arith.constant 0 : i32
        %dma_wait3A_79 = arith.constant 0 : i32
        %dma_wait3A_80 = tpu.memref_slice %arg13[%dma_wait3A_78, %dma_wait3A_79] : memref<10240x128xf32, #tpu.memory_space<vmem_shared>> -> memref<10240x128xf32, #tpu.memory_space<vmem_shared>>
        tpu.wait_indirect_dma semaphore(%arg21 : memref<!tpu.dma_semaphore, #tpu.memory_space<semaphore_mem>>) src(%arg12 : memref<50x128xf32, #tpu.memory_space<vmem>>) dst(%dma_wait3A_80 : memref<10240x128xf32, #tpu.memory_space<vmem_shared>>)
      } else {
      }
      "tpu.region"() ({
        %run_scoped3A = tpu.sem_alloc : memref<!tpu.dma_semaphore, #tpu.memory_space<semaphore_mem>>
        %dma_start3A = arith.constant 0 : i32
        %dma_start3A_53 = arith.constant 0 : i32
        %dma_start3A_54 = tpu.memref_slice %arg3[%add3A, %scan3A_41, %dma_start3A, %dma_start3A_53] : memref<32x5x40x50xi32, #tpu.memory_space<hbm>> -> memref<1x1x40x50xi32, #tpu.memory_space<hbm>>
        %dma_start3A_55 = tpu.memref_squeeze %dma_start3A_54 : memref<1x1x40x50xi32, #tpu.memory_space<hbm>> -> memref<40x50xi32, #tpu.memory_space<hbm>>
        %dma_start3A_56 = arith.constant 0 : i32
        %dma_start3A_57 = arith.constant 0 : i32
        %dma_start3A_58 = tpu.memref_slice %arg3[%add3A, %scan3A_41, %dma_start3A_56, %dma_start3A_57] : memref<32x5x40x50xi32, #tpu.memory_space<hbm>> -> memref<1x1x40x50xi32, #tpu.memory_space<hbm>>
        %dma_start3A_59 = tpu.memref_squeeze %dma_start3A_58 : memref<1x1x40x50xi32, #tpu.memory_space<hbm>> -> memref<40x50xi32, #tpu.memory_space<hbm>>
        tpu.enqueue_dma source(%dma_start3A_59 : memref<40x50xi32, #tpu.memory_space<hbm>>) target(%arg7 : memref<40x50xi32, #tpu.memory_space<vmem>>) target_semaphore(%run_scoped3A : memref<!tpu.dma_semaphore, #tpu.memory_space<semaphore_mem>>)
        %dma_wait3A_60 = arith.constant 0 : i32
        %dma_wait3A_61 = arith.constant 0 : i32
        %dma_wait3A_62 = tpu.memref_slice %arg3[%add3A, %scan3A_41, %dma_wait3A_60, %dma_wait3A_61] : memref<32x5x40x50xi32, #tpu.memory_space<hbm>> -> memref<1x1x40x50xi32, #tpu.memory_space<hbm>>
        %dma_wait3A_63 = tpu.memref_squeeze %dma_wait3A_62 : memref<1x1x40x50xi32, #tpu.memory_space<hbm>> -> memref<40x50xi32, #tpu.memory_space<hbm>>
        %dma_wait3A_64 = arith.constant 0 : i32
        %dma_wait3A_65 = arith.constant 0 : i32
        %dma_wait3A_66 = tpu.memref_slice %arg3[%add3A, %scan3A_41, %dma_wait3A_64, %dma_wait3A_65] : memref<32x5x40x50xi32, #tpu.memory_space<hbm>> -> memref<1x1x40x50xi32, #tpu.memory_space<hbm>>
        %dma_wait3A_67 = tpu.memref_squeeze %dma_wait3A_66 : memref<1x1x40x50xi32, #tpu.memory_space<hbm>> -> memref<40x50xi32, #tpu.memory_space<hbm>>
        tpu.wait_dma2 semaphore(%run_scoped3A : memref<!tpu.dma_semaphore, #tpu.memory_space<semaphore_mem>>) src(%dma_wait3A_67 : memref<40x50xi32, #tpu.memory_space<hbm>>) dst(%arg7 : memref<40x50xi32, #tpu.memory_space<vmem>>)
        tpu.yield
      }) : () -> ()
      "tpu.region"() ({
        %run_scoped3A = tpu.sem_alloc : memref<!tpu.dma_semaphore, #tpu.memory_space<semaphore_mem>>
        %dma_start3A = arith.constant 0 : i32
        %dma_start3A_53 = arith.constant 0 : i32
        %dma_start3A_54 = tpu.memref_slice %arg4[%add3A, %scan3A_41, %dma_start3A, %dma_start3A_53] : memref<32x5x40x50xi32, #tpu.memory_space<hbm>> -> memref<1x1x40x50xi32, #tpu.memory_space<hbm>>
        %dma_start3A_55 = tpu.memref_squeeze %dma_start3A_54 : memref<1x1x40x50xi32, #tpu.memory_space<hbm>> -> memref<40x50xi32, #tpu.memory_space<hbm>>
        %dma_start3A_56 = arith.constant 0 : i32
        %dma_start3A_57 = arith.constant 0 : i32
        %dma_start3A_58 = tpu.memref_slice %arg4[%add3A, %scan3A_41, %dma_start3A_56, %dma_start3A_57] : memref<32x5x40x50xi32, #tpu.memory_space<hbm>> -> memref<1x1x40x50xi32, #tpu.memory_space<hbm>>
        %dma_start3A_59 = tpu.memref_squeeze %dma_start3A_58 : memref<1x1x40x50xi32, #tpu.memory_space<hbm>> -> memref<40x50xi32, #tpu.memory_space<hbm>>
        tpu.enqueue_dma source(%dma_start3A_59 : memref<40x50xi32, #tpu.memory_space<hbm>>) target(%arg8 : memref<40x50xi32, #tpu.memory_space<vmem>>) target_semaphore(%run_scoped3A : memref<!tpu.dma_semaphore, #tpu.memory_space<semaphore_mem>>)
        %dma_wait3A_60 = arith.constant 0 : i32
        %dma_wait3A_61 = arith.constant 0 : i32
        %dma_wait3A_62 = tpu.memref_slice %arg4[%add3A, %scan3A_41, %dma_wait3A_60, %dma_wait3A_61] : memref<32x5x40x50xi32, #tpu.memory_space<hbm>> -> memref<1x1x40x50xi32, #tpu.memory_space<hbm>>
        %dma_wait3A_63 = tpu.memref_squeeze %dma_wait3A_62 : memref<1x1x40x50xi32, #tpu.memory_space<hbm>> -> memref<40x50xi32, #tpu.memory_space<hbm>>
        %dma_wait3A_64 = arith.constant 0 : i32
        %dma_wait3A_65 = arith.constant 0 : i32
        %dma_wait3A_66 = tpu.memref_slice %arg4[%add3A, %scan3A_41, %dma_wait3A_64, %dma_wait3A_65] : memref<32x5x40x50xi32, #tpu.memory_space<hbm>> -> memref<1x1x40x50xi32, #tpu.memory_space<hbm>>
        %dma_wait3A_67 = tpu.memref_squeeze %dma_wait3A_66 : memref<1x1x40x50xi32, #tpu.memory_space<hbm>> -> memref<40x50xi32, #tpu.memory_space<hbm>>
        tpu.wait_dma2 semaphore(%run_scoped3A : memref<!tpu.dma_semaphore, #tpu.memory_space<semaphore_mem>>) src(%dma_wait3A_67 : memref<40x50xi32, #tpu.memory_space<hbm>>) dst(%arg8 : memref<40x50xi32, #tpu.memory_space<vmem>>)
        tpu.yield
      }) : () -> ()
      %scan3A_45 = arith.constant 0 : i32
      %scan3A_46 = arith.constant 0 : i32
      %scan3A_47 = arith.constant 10 : i32
      %scan3A_48 = arith.addi %scan3A_46, %scan3A_47 : i32
      %scan3A_49 = arith.constant 1 : i32
      %scan3A_50 = scf.for %scan3A_53 = %scan3A_46 to %scan3A_48 step %scan3A_49 iter_args(%scan3A_54 = %scan3A_45) -> (i32)  : i32 {
        %gt3A_55 = arith.constant 0 : i32
        %gt3A_56 = arith.cmpi sgt, %scan3A_53, %gt3A_55 : i32
        %convert_element_type3A_57 = arith.extui %gt3A_56 : i1 to i32
        %cond3A_58 = arith.constant 0 : i32
        %cond3A_59 = arith.cmpi ne, %convert_element_type3A_57, %cond3A_58 : i32
        scf.if %cond3A_59 {
          %dma_wait3A_183 = arith.constant 0 : i32
          %dma_wait3A_184 = arith.constant 0 : i32
          %dma_wait3A_185 = tpu.memref_slice %arg8[%dma_wait3A_183, %dma_wait3A_184] : memref<40x50xi32, #tpu.memory_space<vmem>> -> memref<1x50xi32, #tpu.memory_space<vmem>>
          %dma_wait3A_186 = tpu.memref_squeeze %dma_wait3A_185 : memref<1x50xi32, #tpu.memory_space<vmem>> -> memref<50xi32, #tpu.memory_space<vmem>>
          %dma_wait3A_187 = arith.constant 0 : i32
          %dma_wait3A_188 = arith.constant 0 : i32
          %dma_wait3A_189 = tpu.memref_slice %arg13[%dma_wait3A_187, %dma_wait3A_188] : memref<10240x128xf32, #tpu.memory_space<vmem_shared>> -> memref<10240x128xf32, #tpu.memory_space<vmem_shared>>
          tpu.wait_indirect_dma semaphore(%arg18 : memref<!tpu.dma_semaphore, #tpu.memory_space<semaphore_mem>>) src(%arg9 : memref<50x128xf32, #tpu.memory_space<vmem>>) dst(%dma_wait3A_189 : memref<10240x128xf32, #tpu.memory_space<vmem_shared>>)
        } else {
        }
        %mul3A_60 = arith.constant 4 : i32
        %mul3A_61 = arith.muli %mul3A_60, %scan3A_53 : i32
        %add3A_62 = arith.constant 0 : i32
        %add3A_63 = arith.addi %mul3A_61, %add3A_62 : i32
        %dma_start3A = arith.constant 0 : i32
        %dma_start3A_64 = tpu.memref_slice %arg7[%add3A_63, %dma_start3A] : memref<40x50xi32, #tpu.memory_space<vmem>> -> memref<1x50xi32, #tpu.memory_space<vmem>>
        %dma_start3A_65 = tpu.memref_squeeze %dma_start3A_64 : memref<1x50xi32, #tpu.memory_space<vmem>> -> memref<50xi32, #tpu.memory_space<vmem>>
        %dma_start3A_66 = arith.constant 0 : i32
        %dma_start3A_67 = arith.constant 0 : i32
        %dma_start3A_68 = tpu.memref_slice %arg2[%dma_start3A_66, %dma_start3A_67] : memref<10000x128xf32, #tpu.memory_space<hbm>> -> memref<10000x128xf32, #tpu.memory_space<hbm>>
        tpu.enqueue_indirect_dma source(%dma_start3A_68 : memref<10000x128xf32, #tpu.memory_space<hbm>>) target(%arg9 : memref<50x128xf32, #tpu.memory_space<vmem>>) offsets(%dma_start3A_65 : memref<50xi32, #tpu.memory_space<vmem>>) semaphore(%arg14 : memref<!tpu.dma_semaphore, #tpu.memory_space<semaphore_mem>>)
        %gt3A_69 = arith.constant 0 : i32
        %gt3A_70 = arith.cmpi sgt, %scan3A_53, %gt3A_69 : i32
        %convert_element_type3A_71 = arith.extui %gt3A_70 : i1 to i32
        %cond3A_72 = arith.constant 0 : i32
        %cond3A_73 = arith.cmpi ne, %convert_element_type3A_71, %cond3A_72 : i32
        scf.if %cond3A_73 {
          %dma_wait3A_183 = arith.constant 0 : i32
          %dma_wait3A_184 = arith.constant 0 : i32
          %dma_wait3A_185 = tpu.memref_slice %arg8[%dma_wait3A_183, %dma_wait3A_184] : memref<40x50xi32, #tpu.memory_space<vmem>> -> memref<1x50xi32, #tpu.memory_space<vmem>>
          %dma_wait3A_186 = tpu.memref_squeeze %dma_wait3A_185 : memref<1x50xi32, #tpu.memory_space<vmem>> -> memref<50xi32, #tpu.memory_space<vmem>>
          %dma_wait3A_187 = arith.constant 0 : i32
          %dma_wait3A_188 = arith.constant 0 : i32
          %dma_wait3A_189 = tpu.memref_slice %arg13[%dma_wait3A_187, %dma_wait3A_188] : memref<10240x128xf32, #tpu.memory_space<vmem_shared>> -> memref<10240x128xf32, #tpu.memory_space<vmem_shared>>
          tpu.wait_indirect_dma semaphore(%arg19 : memref<!tpu.dma_semaphore, #tpu.memory_space<semaphore_mem>>) src(%arg10 : memref<50x128xf32, #tpu.memory_space<vmem>>) dst(%dma_wait3A_189 : memref<10240x128xf32, #tpu.memory_space<vmem_shared>>)
        } else {
        }
        %mul3A_74 = arith.constant 4 : i32
        %mul3A_75 = arith.muli %mul3A_74, %scan3A_53 : i32
        %add3A_76 = arith.constant 1 : i32
        %add3A_77 = arith.addi %mul3A_75, %add3A_76 : i32
        %dma_start3A_78 = arith.constant 0 : i32
        %dma_start3A_79 = tpu.memref_slice %arg7[%add3A_77, %dma_start3A_78] : memref<40x50xi32, #tpu.memory_space<vmem>> -> memref<1x50xi32, #tpu.memory_space<vmem>>
        %dma_start3A_80 = tpu.memref_squeeze %dma_start3A_79 : memref<1x50xi32, #tpu.memory_space<vmem>> -> memref<50xi32, #tpu.memory_space<vmem>>
        %dma_start3A_81 = arith.constant 0 : i32
        %dma_start3A_82 = arith.constant 0 : i32
        %dma_start3A_83 = tpu.memref_slice %arg2[%dma_start3A_81, %dma_start3A_82] : memref<10000x128xf32, #tpu.memory_space<hbm>> -> memref<10000x128xf32, #tpu.memory_space<hbm>>
        tpu.enqueue_indirect_dma source(%dma_start3A_83 : memref<10000x128xf32, #tpu.memory_space<hbm>>) target(%arg10 : memref<50x128xf32, #tpu.memory_space<vmem>>) offsets(%dma_start3A_80 : memref<50xi32, #tpu.memory_space<vmem>>) semaphore(%arg15 : memref<!tpu.dma_semaphore, #tpu.memory_space<semaphore_mem>>)
        %gt3A_84 = arith.constant 0 : i32
        %gt3A_85 = arith.cmpi sgt, %scan3A_53, %gt3A_84 : i32
        %convert_element_type3A_86 = arith.extui %gt3A_85 : i1 to i32
        %cond3A_87 = arith.constant 0 : i32
        %cond3A_88 = arith.cmpi ne, %convert_element_type3A_86, %cond3A_87 : i32
        scf.if %cond3A_88 {
          %dma_wait3A_183 = arith.constant 0 : i32
          %dma_wait3A_184 = arith.constant 0 : i32
          %dma_wait3A_185 = tpu.memref_slice %arg8[%dma_wait3A_183, %dma_wait3A_184] : memref<40x50xi32, #tpu.memory_space<vmem>> -> memref<1x50xi32, #tpu.memory_space<vmem>>
          %dma_wait3A_186 = tpu.memref_squeeze %dma_wait3A_185 : memref<1x50xi32, #tpu.memory_space<vmem>> -> memref<50xi32, #tpu.memory_space<vmem>>
          %dma_wait3A_187 = arith.constant 0 : i32
          %dma_wait3A_188 = arith.constant 0 : i32
          %dma_wait3A_189 = tpu.memref_slice %arg13[%dma_wait3A_187, %dma_wait3A_188] : memref<10240x128xf32, #tpu.memory_space<vmem_shared>> -> memref<10240x128xf32, #tpu.memory_space<vmem_shared>>
          tpu.wait_indirect_dma semaphore(%arg20 : memref<!tpu.dma_semaphore, #tpu.memory_space<semaphore_mem>>) src(%arg11 : memref<50x128xf32, #tpu.memory_space<vmem>>) dst(%dma_wait3A_189 : memref<10240x128xf32, #tpu.memory_space<vmem_shared>>)
        } else {
        }
        %mul3A_89 = arith.constant 4 : i32
        %mul3A_90 = arith.muli %mul3A_89, %scan3A_53 : i32
        %add3A_91 = arith.constant 2 : i32
        %add3A_92 = arith.addi %mul3A_90, %add3A_91 : i32
        %dma_start3A_93 = arith.constant 0 : i32
        %dma_start3A_94 = tpu.memref_slice %arg7[%add3A_92, %dma_start3A_93] : memref<40x50xi32, #tpu.memory_space<vmem>> -> memref<1x50xi32, #tpu.memory_space<vmem>>
        %dma_start3A_95 = tpu.memref_squeeze %dma_start3A_94 : memref<1x50xi32, #tpu.memory_space<vmem>> -> memref<50xi32, #tpu.memory_space<vmem>>
        %dma_start3A_96 = arith.constant 0 : i32
        %dma_start3A_97 = arith.constant 0 : i32
        %dma_start3A_98 = tpu.memref_slice %arg2[%dma_start3A_96, %dma_start3A_97] : memref<10000x128xf32, #tpu.memory_space<hbm>> -> memref<10000x128xf32, #tpu.memory_space<hbm>>
        tpu.enqueue_indirect_dma source(%dma_start3A_98 : memref<10000x128xf32, #tpu.memory_space<hbm>>) target(%arg11 : memref<50x128xf32, #tpu.memory_space<vmem>>) offsets(%dma_start3A_95 : memref<50xi32, #tpu.memory_space<vmem>>) semaphore(%arg16 : memref<!tpu.dma_semaphore, #tpu.memory_space<semaphore_mem>>)
        %gt3A_99 = arith.constant 0 : i32
        %gt3A_100 = arith.cmpi sgt, %scan3A_53, %gt3A_99 : i32
        %convert_element_type3A_101 = arith.extui %gt3A_100 : i1 to i32
        %cond3A_102 = arith.constant 0 : i32
        %cond3A_103 = arith.cmpi ne, %convert_element_type3A_101, %cond3A_102 : i32
        scf.if %cond3A_103 {
          %dma_wait3A_183 = arith.constant 0 : i32
          %dma_wait3A_184 = arith.constant 0 : i32
          %dma_wait3A_185 = tpu.memref_slice %arg8[%dma_wait3A_183, %dma_wait3A_184] : memref<40x50xi32, #tpu.memory_space<vmem>> -> memref<1x50xi32, #tpu.memory_space<vmem>>
          %dma_wait3A_186 = tpu.memref_squeeze %dma_wait3A_185 : memref<1x50xi32, #tpu.memory_space<vmem>> -> memref<50xi32, #tpu.memory_space<vmem>>
          %dma_wait3A_187 = arith.constant 0 : i32
          %dma_wait3A_188 = arith.constant 0 : i32
          %dma_wait3A_189 = tpu.memref_slice %arg13[%dma_wait3A_187, %dma_wait3A_188] : memref<10240x128xf32, #tpu.memory_space<vmem_shared>> -> memref<10240x128xf32, #tpu.memory_space<vmem_shared>>
          tpu.wait_indirect_dma semaphore(%arg21 : memref<!tpu.dma_semaphore, #tpu.memory_space<semaphore_mem>>) src(%arg12 : memref<50x128xf32, #tpu.memory_space<vmem>>) dst(%dma_wait3A_189 : memref<10240x128xf32, #tpu.memory_space<vmem_shared>>)
        } else {
        }
        %mul3A_104 = arith.constant 4 : i32
        %mul3A_105 = arith.muli %mul3A_104, %scan3A_53 : i32
        %add3A_106 = arith.constant 3 : i32
        %add3A_107 = arith.addi %mul3A_105, %add3A_106 : i32
        %dma_start3A_108 = arith.constant 0 : i32
        %dma_start3A_109 = tpu.memref_slice %arg7[%add3A_107, %dma_start3A_108] : memref<40x50xi32, #tpu.memory_space<vmem>> -> memref<1x50xi32, #tpu.memory_space<vmem>>
        %dma_start3A_110 = tpu.memref_squeeze %dma_start3A_109 : memref<1x50xi32, #tpu.memory_space<vmem>> -> memref<50xi32, #tpu.memory_space<vmem>>
        %dma_start3A_111 = arith.constant 0 : i32
        %dma_start3A_112 = arith.constant 0 : i32
        %dma_start3A_113 = tpu.memref_slice %arg2[%dma_start3A_111, %dma_start3A_112] : memref<10000x128xf32, #tpu.memory_space<hbm>> -> memref<10000x128xf32, #tpu.memory_space<hbm>>
        tpu.enqueue_indirect_dma source(%dma_start3A_113 : memref<10000x128xf32, #tpu.memory_space<hbm>>) target(%arg12 : memref<50x128xf32, #tpu.memory_space<vmem>>) offsets(%dma_start3A_110 : memref<50xi32, #tpu.memory_space<vmem>>) semaphore(%arg17 : memref<!tpu.dma_semaphore, #tpu.memory_space<semaphore_mem>>)
        %dma_wait3A_114 = arith.constant 0 : i32
        %dma_wait3A_115 = arith.constant 0 : i32
        %dma_wait3A_116 = tpu.memref_slice %arg7[%dma_wait3A_114, %dma_wait3A_115] : memref<40x50xi32, #tpu.memory_space<vmem>> -> memref<1x50xi32, #tpu.memory_space<vmem>>
        %dma_wait3A_117 = tpu.memref_squeeze %dma_wait3A_116 : memref<1x50xi32, #tpu.memory_space<vmem>> -> memref<50xi32, #tpu.memory_space<vmem>>
        %dma_wait3A_118 = arith.constant 0 : i32
        %dma_wait3A_119 = arith.constant 0 : i32
        %dma_wait3A_120 = tpu.memref_slice %arg2[%dma_wait3A_118, %dma_wait3A_119] : memref<10000x128xf32, #tpu.memory_space<hbm>> -> memref<10000x128xf32, #tpu.memory_space<hbm>>
        tpu.wait_indirect_dma semaphore(%arg14 : memref<!tpu.dma_semaphore, #tpu.memory_space<semaphore_mem>>) src(%dma_wait3A_120 : memref<10000x128xf32, #tpu.memory_space<hbm>>) dst(%arg9 : memref<50x128xf32, #tpu.memory_space<vmem>>)
        %mul3A_121 = arith.constant 4 : i32
        %mul3A_122 = arith.muli %mul3A_121, %scan3A_53 : i32
        %add3A_123 = arith.constant 0 : i32
        %add3A_124 = arith.addi %mul3A_122, %add3A_123 : i32
        %dma_start3A_125 = arith.constant 0 : i32
        %dma_start3A_126 = tpu.memref_slice %arg8[%add3A_124, %dma_start3A_125] : memref<40x50xi32, #tpu.memory_space<vmem>> -> memref<1x50xi32, #tpu.memory_space<vmem>>
        %dma_start3A_127 = tpu.memref_squeeze %dma_start3A_126 : memref<1x50xi32, #tpu.memory_space<vmem>> -> memref<50xi32, #tpu.memory_space<vmem>>
        %dma_start3A_128 = arith.constant 0 : i32
        %dma_start3A_129 = arith.constant 0 : i32
        %dma_start3A_130 = tpu.memref_slice %arg13[%dma_start3A_128, %dma_start3A_129] : memref<10240x128xf32, #tpu.memory_space<vmem_shared>> -> memref<10240x128xf32, #tpu.memory_space<vmem_shared>>
        tpu.enqueue_indirect_dma source(%arg9 : memref<50x128xf32, #tpu.memory_space<vmem>>) target(%dma_start3A_130 : memref<10240x128xf32, #tpu.memory_space<vmem_shared>>) offsets(%dma_start3A_127 : memref<50xi32, #tpu.memory_space<vmem>>) semaphore(%arg18 : memref<!tpu.dma_semaphore, #tpu.memory_space<semaphore_mem>>) {add = true}
        %dma_wait3A_131 = arith.constant 0 : i32
        %dma_wait3A_132 = arith.constant 0 : i32
        %dma_wait3A_133 = tpu.memref_slice %arg7[%dma_wait3A_131, %dma_wait3A_132] : memref<40x50xi32, #tpu.memory_space<vmem>> -> memref<1x50xi32, #tpu.memory_space<vmem>>
        %dma_wait3A_134 = tpu.memref_squeeze %dma_wait3A_133 : memref<1x50xi32, #tpu.memory_space<vmem>> -> memref<50xi32, #tpu.memory_space<vmem>>
        %dma_wait3A_135 = arith.constant 0 : i32
        %dma_wait3A_136 = arith.constant 0 : i32
        %dma_wait3A_137 = tpu.memref_slice %arg2[%dma_wait3A_135, %dma_wait3A_136] : memref<10000x128xf32, #tpu.memory_space<hbm>> -> memref<10000x128xf32, #tpu.memory_space<hbm>>
        tpu.wait_indirect_dma semaphore(%arg15 : memref<!tpu.dma_semaphore, #tpu.memory_space<semaphore_mem>>) src(%dma_wait3A_137 : memref<10000x128xf32, #tpu.memory_space<hbm>>) dst(%arg10 : memref<50x128xf32, #tpu.memory_space<vmem>>)
        %mul3A_138 = arith.constant 4 : i32
        %mul3A_139 = arith.muli %mul3A_138, %scan3A_53 : i32
        %add3A_140 = arith.constant 1 : i32
        %add3A_141 = arith.addi %mul3A_139, %add3A_140 : i32
        %dma_start3A_142 = arith.constant 0 : i32
        %dma_start3A_143 = tpu.memref_slice %arg8[%add3A_141, %dma_start3A_142] : memref<40x50xi32, #tpu.memory_space<vmem>> -> memref<1x50xi32, #tpu.memory_space<vmem>>
        %dma_start3A_144 = tpu.memref_squeeze %dma_start3A_143 : memref<1x50xi32, #tpu.memory_space<vmem>> -> memref<50xi32, #tpu.memory_space<vmem>>
        %dma_start3A_145 = arith.constant 0 : i32
        %dma_start3A_146 = arith.constant 0 : i32
        %dma_start3A_147 = tpu.memref_slice %arg13[%dma_start3A_145, %dma_start3A_146] : memref<10240x128xf32, #tpu.memory_space<vmem_shared>> -> memref<10240x128xf32, #tpu.memory_space<vmem_shared>>
        tpu.enqueue_indirect_dma source(%arg10 : memref<50x128xf32, #tpu.memory_space<vmem>>) target(%dma_start3A_147 : memref<10240x128xf32, #tpu.memory_space<vmem_shared>>) offsets(%dma_start3A_144 : memref<50xi32, #tpu.memory_space<vmem>>) semaphore(%arg19 : memref<!tpu.dma_semaphore, #tpu.memory_space<semaphore_mem>>) {add = true}
        %dma_wait3A_148 = arith.constant 0 : i32
        %dma_wait3A_149 = arith.constant 0 : i32
        %dma_wait3A_150 = tpu.memref_slice %arg7[%dma_wait3A_148, %dma_wait3A_149] : memref<40x50xi32, #tpu.memory_space<vmem>> -> memref<1x50xi32, #tpu.memory_space<vmem>>
        %dma_wait3A_151 = tpu.memref_squeeze %dma_wait3A_150 : memref<1x50xi32, #tpu.memory_space<vmem>> -> memref<50xi32, #tpu.memory_space<vmem>>
        %dma_wait3A_152 = arith.constant 0 : i32
        %dma_wait3A_153 = arith.constant 0 : i32
        %dma_wait3A_154 = tpu.memref_slice %arg2[%dma_wait3A_152, %dma_wait3A_153] : memref<10000x128xf32, #tpu.memory_space<hbm>> -> memref<10000x128xf32, #tpu.memory_space<hbm>>
        tpu.wait_indirect_dma semaphore(%arg16 : memref<!tpu.dma_semaphore, #tpu.memory_space<semaphore_mem>>) src(%dma_wait3A_154 : memref<10000x128xf32, #tpu.memory_space<hbm>>) dst(%arg11 : memref<50x128xf32, #tpu.memory_space<vmem>>)
        %mul3A_155 = arith.constant 4 : i32
        %mul3A_156 = arith.muli %mul3A_155, %scan3A_53 : i32
        %add3A_157 = arith.constant 2 : i32
        %add3A_158 = arith.addi %mul3A_156, %add3A_157 : i32
        %dma_start3A_159 = arith.constant 0 : i32
        %dma_start3A_160 = tpu.memref_slice %arg8[%add3A_158, %dma_start3A_159] : memref<40x50xi32, #tpu.memory_space<vmem>> -> memref<1x50xi32, #tpu.memory_space<vmem>>
        %dma_start3A_161 = tpu.memref_squeeze %dma_start3A_160 : memref<1x50xi32, #tpu.memory_space<vmem>> -> memref<50xi32, #tpu.memory_space<vmem>>
        %dma_start3A_162 = arith.constant 0 : i32
        %dma_start3A_163 = arith.constant 0 : i32
        %dma_start3A_164 = tpu.memref_slice %arg13[%dma_start3A_162, %dma_start3A_163] : memref<10240x128xf32, #tpu.memory_space<vmem_shared>> -> memref<10240x128xf32, #tpu.memory_space<vmem_shared>>
        tpu.enqueue_indirect_dma source(%arg11 : memref<50x128xf32, #tpu.memory_space<vmem>>) target(%dma_start3A_164 : memref<10240x128xf32, #tpu.memory_space<vmem_shared>>) offsets(%dma_start3A_161 : memref<50xi32, #tpu.memory_space<vmem>>) semaphore(%arg20 : memref<!tpu.dma_semaphore, #tpu.memory_space<semaphore_mem>>) {add = true}
        %dma_wait3A_165 = arith.constant 0 : i32
        %dma_wait3A_166 = arith.constant 0 : i32
        %dma_wait3A_167 = tpu.memref_slice %arg7[%dma_wait3A_165, %dma_wait3A_166] : memref<40x50xi32, #tpu.memory_space<vmem>> -> memref<1x50xi32, #tpu.memory_space<vmem>>
        %dma_wait3A_168 = tpu.memref_squeeze %dma_wait3A_167 : memref<1x50xi32, #tpu.memory_space<vmem>> -> memref<50xi32, #tpu.memory_space<vmem>>
        %dma_wait3A_169 = arith.constant 0 : i32
        %dma_wait3A_170 = arith.constant 0 : i32
        %dma_wait3A_171 = tpu.memref_slice %arg2[%dma_wait3A_169, %dma_wait3A_170] : memref<10000x128xf32, #tpu.memory_space<hbm>> -> memref<10000x128xf32, #tpu.memory_space<hbm>>
        tpu.wait_indirect_dma semaphore(%arg17 : memref<!tpu.dma_semaphore, #tpu.memory_space<semaphore_mem>>) src(%dma_wait3A_171 : memref<10000x128xf32, #tpu.memory_space<hbm>>) dst(%arg12 : memref<50x128xf32, #tpu.memory_space<vmem>>)
        %mul3A_172 = arith.constant 4 : i32
        %mul3A_173 = arith.muli %mul3A_172, %scan3A_53 : i32
        %add3A_174 = arith.constant 3 : i32
        %add3A_175 = arith.addi %mul3A_173, %add3A_174 : i32
        %dma_start3A_176 = arith.constant 0 : i32
        %dma_start3A_177 = tpu.memref_slice %arg8[%add3A_175, %dma_start3A_176] : memref<40x50xi32, #tpu.memory_space<vmem>> -> memref<1x50xi32, #tpu.memory_space<vmem>>
        %dma_start3A_178 = tpu.memref_squeeze %dma_start3A_177 : memref<1x50xi32, #tpu.memory_space<vmem>> -> memref<50xi32, #tpu.memory_space<vmem>>
        %dma_start3A_179 = arith.constant 0 : i32
        %dma_start3A_180 = arith.constant 0 : i32
        %dma_start3A_181 = tpu.memref_slice %arg13[%dma_start3A_179, %dma_start3A_180] : memref<10240x128xf32, #tpu.memory_space<vmem_shared>> -> memref<10240x128xf32, #tpu.memory_space<vmem_shared>>
        tpu.enqueue_indirect_dma source(%arg12 : memref<50x128xf32, #tpu.memory_space<vmem>>) target(%dma_start3A_181 : memref<10240x128xf32, #tpu.memory_space<vmem_shared>>) offsets(%dma_start3A_178 : memref<50xi32, #tpu.memory_space<vmem>>) semaphore(%arg21 : memref<!tpu.dma_semaphore, #tpu.memory_space<semaphore_mem>>) {add = true}
        %scan3A_182 = arith.constant 0 : i32
        scf.yield %scan3A_182 : i32
      }
      %scan3A_51 = arith.constant 10 : i32
      %scan3A_52 = arith.constant 0 : i32
      scf.yield %scan3A_52 : i32
    }
    %scan3A_8 = arith.constant 5 : i32
    %dma_wait3A = arith.constant 0 : i32
    %dma_wait3A_9 = arith.constant 0 : i32
    %dma_wait3A_10 = tpu.memref_slice %arg8[%dma_wait3A, %dma_wait3A_9] : memref<40x50xi32, #tpu.memory_space<vmem>> -> memref<1x50xi32, #tpu.memory_space<vmem>>
    %dma_wait3A_11 = tpu.memref_squeeze %dma_wait3A_10 : memref<1x50xi32, #tpu.memory_space<vmem>> -> memref<50xi32, #tpu.memory_space<vmem>>
    %dma_wait3A_12 = arith.constant 0 : i32
    %dma_wait3A_13 = arith.constant 0 : i32
    %dma_wait3A_14 = tpu.memref_slice %arg13[%dma_wait3A_12, %dma_wait3A_13] : memref<10240x128xf32, #tpu.memory_space<vmem_shared>> -> memref<10240x128xf32, #tpu.memory_space<vmem_shared>>
    tpu.wait_indirect_dma semaphore(%arg18 : memref<!tpu.dma_semaphore, #tpu.memory_space<semaphore_mem>>) src(%arg9 : memref<50x128xf32, #tpu.memory_space<vmem>>) dst(%dma_wait3A_14 : memref<10240x128xf32, #tpu.memory_space<vmem_shared>>)
    %dma_wait3A_15 = arith.constant 0 : i32
    %dma_wait3A_16 = arith.constant 0 : i32
    %dma_wait3A_17 = tpu.memref_slice %arg8[%dma_wait3A_15, %dma_wait3A_16] : memref<40x50xi32, #tpu.memory_space<vmem>> -> memref<1x50xi32, #tpu.memory_space<vmem>>
    %dma_wait3A_18 = tpu.memref_squeeze %dma_wait3A_17 : memref<1x50xi32, #tpu.memory_space<vmem>> -> memref<50xi32, #tpu.memory_space<vmem>>
    %dma_wait3A_19 = arith.constant 0 : i32
    %dma_wait3A_20 = arith.constant 0 : i32
    %dma_wait3A_21 = tpu.memref_slice %arg13[%dma_wait3A_19, %dma_wait3A_20] : memref<10240x128xf32, #tpu.memory_space<vmem_shared>> -> memref<10240x128xf32, #tpu.memory_space<vmem_shared>>
    tpu.wait_indirect_dma semaphore(%arg19 : memref<!tpu.dma_semaphore, #tpu.memory_space<semaphore_mem>>) src(%arg10 : memref<50x128xf32, #tpu.memory_space<vmem>>) dst(%dma_wait3A_21 : memref<10240x128xf32, #tpu.memory_space<vmem_shared>>)
    %dma_wait3A_22 = arith.constant 0 : i32
    %dma_wait3A_23 = arith.constant 0 : i32
    %dma_wait3A_24 = tpu.memref_slice %arg8[%dma_wait3A_22, %dma_wait3A_23] : memref<40x50xi32, #tpu.memory_space<vmem>> -> memref<1x50xi32, #tpu.memory_space<vmem>>
    %dma_wait3A_25 = tpu.memref_squeeze %dma_wait3A_24 : memref<1x50xi32, #tpu.memory_space<vmem>> -> memref<50xi32, #tpu.memory_space<vmem>>
    %dma_wait3A_26 = arith.constant 0 : i32
    %dma_wait3A_27 = arith.constant 0 : i32
    %dma_wait3A_28 = tpu.memref_slice %arg13[%dma_wait3A_26, %dma_wait3A_27] : memref<10240x128xf32, #tpu.memory_space<vmem_shared>> -> memref<10240x128xf32, #tpu.memory_space<vmem_shared>>
    tpu.wait_indirect_dma semaphore(%arg20 : memref<!tpu.dma_semaphore, #tpu.memory_space<semaphore_mem>>) src(%arg11 : memref<50x128xf32, #tpu.memory_space<vmem>>) dst(%dma_wait3A_28 : memref<10240x128xf32, #tpu.memory_space<vmem_shared>>)
    %dma_wait3A_29 = arith.constant 0 : i32
    %dma_wait3A_30 = arith.constant 0 : i32
    %dma_wait3A_31 = tpu.memref_slice %arg8[%dma_wait3A_29, %dma_wait3A_30] : memref<40x50xi32, #tpu.memory_space<vmem>> -> memref<1x50xi32, #tpu.memory_space<vmem>>
    %dma_wait3A_32 = tpu.memref_squeeze %dma_wait3A_31 : memref<1x50xi32, #tpu.memory_space<vmem>> -> memref<50xi32, #tpu.memory_space<vmem>>
    %dma_wait3A_33 = arith.constant 0 : i32
    %dma_wait3A_34 = arith.constant 0 : i32
    %dma_wait3A_35 = tpu.memref_slice %arg13[%dma_wait3A_33, %dma_wait3A_34] : memref<10240x128xf32, #tpu.memory_space<vmem_shared>> -> memref<10240x128xf32, #tpu.memory_space<vmem_shared>>
    tpu.wait_indirect_dma semaphore(%arg21 : memref<!tpu.dma_semaphore, #tpu.memory_space<semaphore_mem>>) src(%arg12 : memref<50x128xf32, #tpu.memory_space<vmem>>) dst(%dma_wait3A_35 : memref<10240x128xf32, #tpu.memory_space<vmem_shared>>)
    %barrier3A_36 = arith.constant 0 : index
    tpu.barrier barrier_id(%barrier3A_36)
    %mul3A_37 = arith.constant 640 : i32
    %mul3A_38 = arith.muli %arg1, %mul3A_37 : i32
    %mul3A_39 = arith.constant 640 : i32
    %mul3A_40 = arith.muli %arg1, %mul3A_39 : i32
    "tpu.region"() ({
      %run_scoped3A = tpu.sem_alloc : memref<!tpu.dma_semaphore, #tpu.memory_space<semaphore_mem>>
      %dma_start3A = arith.constant 0 : i32
      %dma_start3A_41 = tpu.memref_slice %arg6[%arg0, %mul3A_40, %dma_start3A] : memref<2x10240x128xf32, #tpu.memory_space<hbm>> -> memref<1x640x128xf32, #tpu.memory_space<hbm>>
      %dma_start3A_42 = tpu.memref_squeeze %dma_start3A_41 : memref<1x640x128xf32, #tpu.memory_space<hbm>> -> memref<640x128xf32, #tpu.memory_space<hbm>>
      %dma_start3A_43 = arith.constant 0 : i32
      %dma_start3A_44 = tpu.memref_slice %arg13[%mul3A_38, %dma_start3A_43] : memref<10240x128xf32, #tpu.memory_space<vmem_shared>> -> memref<640x128xf32, #tpu.memory_space<vmem_shared>>
      tpu.enqueue_dma source(%dma_start3A_44 : memref<640x128xf32, #tpu.memory_space<vmem_shared>>) target(%dma_start3A_42 : memref<640x128xf32, #tpu.memory_space<hbm>>) target_semaphore(%run_scoped3A : memref<!tpu.dma_semaphore, #tpu.memory_space<semaphore_mem>>)
      %dma_wait3A_45 = arith.constant 0 : i32
      %dma_wait3A_46 = tpu.memref_slice %arg6[%arg0, %mul3A_40, %dma_wait3A_45] : memref<2x10240x128xf32, #tpu.memory_space<hbm>> -> memref<1x640x128xf32, #tpu.memory_space<hbm>>
      %dma_wait3A_47 = tpu.memref_squeeze %dma_wait3A_46 : memref<1x640x128xf32, #tpu.memory_space<hbm>> -> memref<640x128xf32, #tpu.memory_space<hbm>>
      %dma_wait3A_48 = arith.constant 0 : i32
      %dma_wait3A_49 = tpu.memref_slice %arg13[%mul3A_38, %dma_wait3A_48] : memref<10240x128xf32, #tpu.memory_space<vmem_shared>> -> memref<640x128xf32, #tpu.memory_space<vmem_shared>>
      tpu.wait_dma2 semaphore(%run_scoped3A : memref<!tpu.dma_semaphore, #tpu.memory_space<semaphore_mem>>) src(%dma_wait3A_49 : memref<640x128xf32, #tpu.memory_space<vmem_shared>>) dst(%dma_wait3A_47 : memref<640x128xf32, #tpu.memory_space<hbm>>)
      tpu.yield
    }) : () -> ()
    return
  }
}

#map = affine_map<(d0, d1) -> (0, 0)>
#map1 = affine_map<(d0, d1) -> (0, 0, 0, 0)>
#map2 = affine_map<(d0, d1) -> (0, 0, 0)>
module attributes {stable_mosaic.version = 14 : i64} {
  func.func @_sc_agg_body(%arg0: i32, %arg1: i32, %arg2: memref<10000x128xf32, #tpu.memory_space<hbm>>, %arg3: memref<32x5x40x50xi32, #tpu.memory_space<hbm>>, %arg4: memref<32x5x40x50xi32, #tpu.memory_space<hbm>>, %arg5: memref<640x128xf32, #tpu.memory_space<hbm>>, %arg6: memref<2x10240x128xf32, #tpu.memory_space<hbm>>, %arg7: memref<40x50xi32, #tpu.memory_space<vmem>>, %arg8: memref<40x50xi32, #tpu.memory_space<vmem>>, %arg9: memref<50x128xf32, #tpu.memory_space<vmem>>, %arg10: memref<50x128xf32, #tpu.memory_space<vmem>>, %arg11: memref<50x128xf32, #tpu.memory_space<vmem>>, %arg12: memref<50x128xf32, #tpu.memory_space<vmem>>, %arg13: memref<10240x128xf32, #tpu.memory_space<vmem_shared>>, %arg14: memref<!tpu.dma_semaphore, #tpu.memory_space<semaphore_mem>>, %arg15: memref<!tpu.dma_semaphore, #tpu.memory_space<semaphore_mem>>, %arg16: memref<!tpu.dma_semaphore, #tpu.memory_space<semaphore_mem>>, %arg17: memref<!tpu.dma_semaphore, #tpu.memory_space<semaphore_mem>>, %arg18: memref<!tpu.dma_semaphore, #tpu.memory_space<semaphore_mem>>, %arg19: memref<!tpu.dma_semaphore, #tpu.memory_space<semaphore_mem>>, %arg20: memref<!tpu.dma_semaphore, #tpu.memory_space<semaphore_mem>>, %arg21: memref<!tpu.dma_semaphore, #tpu.memory_space<semaphore_mem>>) attributes {dimension_semantics = [#tpu.dimension_semantics<core_parallel>, #tpu.dimension_semantics<subcore_parallel>], iteration_bounds = array<i64: 2, 16>, scalar_prefetch = 0 : i64, scratch_operands = 15 : i64, tpu.core_type = #tpu.core_type<sc_vector_subcore>, window_params = [{transform_indices = #map}, {transform_indices = #map1}, {transform_indices = #map1}, {transform_indices = #map}, {transform_indices = #map2}]} {
    %mul3A = arith.constant 2 : i32
    %mul3A_0 = arith.muli %arg1, %mul3A : i32
    %add3A = arith.addi %mul3A_0, %arg0 : i32
    %mul3A_1 = arith.constant 640 : i32
    %mul3A_2 = arith.muli %arg1, %mul3A_1 : i32
    "tpu.region"() ({
      %run_scoped3A = tpu.sem_alloc : memref<!tpu.dma_semaphore, #tpu.memory_space<semaphore_mem>>
      %dma_start3A = arith.constant 0 : i32
      %dma_start3A_41 = tpu.memref_slice %arg13[%mul3A_2, %dma_start3A] : memref<10240x128xf32, #tpu.memory_space<vmem_shared>> -> memref<640x128xf32, #tpu.memory_space<vmem_shared>>
      tpu.enqueue_dma source(%arg5 : memref<640x128xf32, #tpu.memory_space<hbm>>) target(%dma_start3A_41 : memref<640x128xf32, #tpu.memory_space<vmem_shared>>) target_semaphore(%run_scoped3A : memref<!tpu.dma_semaphore, #tpu.memory_space<semaphore_mem>>)
      %dma_wait3A_42 = arith.constant 0 : i32
      %dma_wait3A_43 = tpu.memref_slice %arg13[%mul3A_2, %dma_wait3A_42] : memref<10240x128xf32, #tpu.memory_space<vmem_shared>> -> memref<640x128xf32, #tpu.memory_space<vmem_shared>>
      tpu.wait_dma2 semaphore(%run_scoped3A : memref<!tpu.dma_semaphore, #tpu.memory_space<semaphore_mem>>) src(%arg5 : memref<640x128xf32, #tpu.memory_space<hbm>>) dst(%dma_wait3A_43 : memref<640x128xf32, #tpu.memory_space<vmem_shared>>)
      tpu.yield
    }) : () -> ()
    %barrier3A = arith.constant 0 : index
    tpu.barrier barrier_id(%barrier3A)
    %scan3A = arith.constant 0 : i32
    %scan3A_3 = arith.constant 0 : i32
    %scan3A_4 = arith.constant 5 : i32
    %scan3A_5 = arith.addi %scan3A_3, %scan3A_4 : i32
    %scan3A_6 = arith.constant 1 : i32
    %scan3A_7 = scf.for %scan3A_41 = %scan3A_3 to %scan3A_5 step %scan3A_6 iter_args(%scan3A_42 = %scan3A) -> (i32)  : i32 {
      %gt3A = arith.constant 0 : i32
      %gt3A_43 = arith.cmpi sgt, %scan3A_41, %gt3A : i32
      %convert_element_type3A = arith.extui %gt3A_43 : i1 to i32
      %cond3A = arith.constant 0 : i32
      %cond3A_44 = arith.cmpi ne, %convert_element_type3A, %cond3A : i32
      scf.if %cond3A_44 {
        %dma_wait3A_53 = arith.constant 0 : i32
        %dma_wait3A_54 = arith.constant 0 : i32
        %dma_wait3A_55 = tpu.memref_slice %arg8[%dma_wait3A_53, %dma_wait3A_54] : memref<40x50xi32, #tpu.memory_space<vmem>> -> memref<1x50xi32, #tpu.memory_space<vmem>>
        %dma_wait3A_56 = tpu.memref_squeeze %dma_wait3A_55 : memref<1x50xi32, #tpu.memory_space<vmem>> -> memref<50xi32, #tpu.memory_space<vmem>>
        %dma_wait3A_57 = arith.constant 0 : i32
        %dma_wait3A_58 = arith.constant 0 : i32
        %dma_wait3A_59 = tpu.memref_slice %arg13[%dma_wait3A_57, %dma_wait3A_58] : memref<10240x128xf32, #tpu.memory_space<vmem_shared>> -> memref<10240x128xf32, #tpu.memory_space<vmem_shared>>
        tpu.wait_indirect_dma semaphore(%arg18 : memref<!tpu.dma_semaphore, #tpu.memory_space<semaphore_mem>>) src(%arg9 : memref<50x128xf32, #tpu.memory_space<vmem>>) dst(%dma_wait3A_59 : memref<10240x128xf32, #tpu.memory_space<vmem_shared>>)
        %dma_wait3A_60 = arith.constant 0 : i32
        %dma_wait3A_61 = arith.constant 0 : i32
        %dma_wait3A_62 = tpu.memref_slice %arg8[%dma_wait3A_60, %dma_wait3A_61] : memref<40x50xi32, #tpu.memory_space<vmem>> -> memref<1x50xi32, #tpu.memory_space<vmem>>
        %dma_wait3A_63 = tpu.memref_squeeze %dma_wait3A_62 : memref<1x50xi32, #tpu.memory_space<vmem>> -> memref<50xi32, #tpu.memory_space<vmem>>
        %dma_wait3A_64 = arith.constant 0 : i32
        %dma_wait3A_65 = arith.constant 0 : i32
        %dma_wait3A_66 = tpu.memref_slice %arg13[%dma_wait3A_64, %dma_wait3A_65] : memref<10240x128xf32, #tpu.memory_space<vmem_shared>> -> memref<10240x128xf32, #tpu.memory_space<vmem_shared>>
        tpu.wait_indirect_dma semaphore(%arg19 : memref<!tpu.dma_semaphore, #tpu.memory_space<semaphore_mem>>) src(%arg10 : memref<50x128xf32, #tpu.memory_space<vmem>>) dst(%dma_wait3A_66 : memref<10240x128xf32, #tpu.memory_space<vmem_shared>>)
        %dma_wait3A_67 = arith.constant 0 : i32
        %dma_wait3A_68 = arith.constant 0 : i32
        %dma_wait3A_69 = tpu.memref_slice %arg8[%dma_wait3A_67, %dma_wait3A_68] : memref<40x50xi32, #tpu.memory_space<vmem>> -> memref<1x50xi32, #tpu.memory_space<vmem>>
        %dma_wait3A_70 = tpu.memref_squeeze %dma_wait3A_69 : memref<1x50xi32, #tpu.memory_space<vmem>> -> memref<50xi32, #tpu.memory_space<vmem>>
        %dma_wait3A_71 = arith.constant 0 : i32
        %dma_wait3A_72 = arith.constant 0 : i32
        %dma_wait3A_73 = tpu.memref_slice %arg13[%dma_wait3A_71, %dma_wait3A_72] : memref<10240x128xf32, #tpu.memory_space<vmem_shared>> -> memref<10240x128xf32, #tpu.memory_space<vmem_shared>>
        tpu.wait_indirect_dma semaphore(%arg20 : memref<!tpu.dma_semaphore, #tpu.memory_space<semaphore_mem>>) src(%arg11 : memref<50x128xf32, #tpu.memory_space<vmem>>) dst(%dma_wait3A_73 : memref<10240x128xf32, #tpu.memory_space<vmem_shared>>)
        %dma_wait3A_74 = arith.constant 0 : i32
        %dma_wait3A_75 = arith.constant 0 : i32
        %dma_wait3A_76 = tpu.memref_slice %arg8[%dma_wait3A_74, %dma_wait3A_75] : memref<40x50xi32, #tpu.memory_space<vmem>> -> memref<1x50xi32, #tpu.memory_space<vmem>>
        %dma_wait3A_77 = tpu.memref_squeeze %dma_wait3A_76 : memref<1x50xi32, #tpu.memory_space<vmem>> -> memref<50xi32, #tpu.memory_space<vmem>>
        %dma_wait3A_78 = arith.constant 0 : i32
        %dma_wait3A_79 = arith.constant 0 : i32
        %dma_wait3A_80 = tpu.memref_slice %arg13[%dma_wait3A_78, %dma_wait3A_79] : memref<10240x128xf32, #tpu.memory_space<vmem_shared>> -> memref<10240x128xf32, #tpu.memory_space<vmem_shared>>
        tpu.wait_indirect_dma semaphore(%arg21 : memref<!tpu.dma_semaphore, #tpu.memory_space<semaphore_mem>>) src(%arg12 : memref<50x128xf32, #tpu.memory_space<vmem>>) dst(%dma_wait3A_80 : memref<10240x128xf32, #tpu.memory_space<vmem_shared>>)
      } else {
      }
      "tpu.region"() ({
        %run_scoped3A = tpu.sem_alloc : memref<!tpu.dma_semaphore, #tpu.memory_space<semaphore_mem>>
        %dma_start3A = arith.constant 0 : i32
        %dma_start3A_53 = arith.constant 0 : i32
        %dma_start3A_54 = tpu.memref_slice %arg3[%add3A, %scan3A_41, %dma_start3A, %dma_start3A_53] : memref<32x5x40x50xi32, #tpu.memory_space<hbm>> -> memref<1x1x40x50xi32, #tpu.memory_space<hbm>>
        %dma_start3A_55 = tpu.memref_squeeze %dma_start3A_54 : memref<1x1x40x50xi32, #tpu.memory_space<hbm>> -> memref<40x50xi32, #tpu.memory_space<hbm>>
        %dma_start3A_56 = arith.constant 0 : i32
        %dma_start3A_57 = arith.constant 0 : i32
        %dma_start3A_58 = tpu.memref_slice %arg3[%add3A, %scan3A_41, %dma_start3A_56, %dma_start3A_57] : memref<32x5x40x50xi32, #tpu.memory_space<hbm>> -> memref<1x1x40x50xi32, #tpu.memory_space<hbm>>
        %dma_start3A_59 = tpu.memref_squeeze %dma_start3A_58 : memref<1x1x40x50xi32, #tpu.memory_space<hbm>> -> memref<40x50xi32, #tpu.memory_space<hbm>>
        tpu.enqueue_dma source(%dma_start3A_59 : memref<40x50xi32, #tpu.memory_space<hbm>>) target(%arg7 : memref<40x50xi32, #tpu.memory_space<vmem>>) target_semaphore(%run_scoped3A : memref<!tpu.dma_semaphore, #tpu.memory_space<semaphore_mem>>)
        %dma_wait3A_60 = arith.constant 0 : i32
        %dma_wait3A_61 = arith.constant 0 : i32
        %dma_wait3A_62 = tpu.memref_slice %arg3[%add3A, %scan3A_41, %dma_wait3A_60, %dma_wait3A_61] : memref<32x5x40x50xi32, #tpu.memory_space<hbm>> -> memref<1x1x40x50xi32, #tpu.memory_space<hbm>>
        %dma_wait3A_63 = tpu.memref_squeeze %dma_wait3A_62 : memref<1x1x40x50xi32, #tpu.memory_space<hbm>> -> memref<40x50xi32, #tpu.memory_space<hbm>>
        %dma_wait3A_64 = arith.constant 0 : i32
        %dma_wait3A_65 = arith.constant 0 : i32
        %dma_wait3A_66 = tpu.memref_slice %arg3[%add3A, %scan3A_41, %dma_wait3A_64, %dma_wait3A_65] : memref<32x5x40x50xi32, #tpu.memory_space<hbm>> -> memref<1x1x40x50xi32, #tpu.memory_space<hbm>>
        %dma_wait3A_67 = tpu.memref_squeeze %dma_wait3A_66 : memref<1x1x40x50xi32, #tpu.memory_space<hbm>> -> memref<40x50xi32, #tpu.memory_space<hbm>>
        tpu.wait_dma2 semaphore(%run_scoped3A : memref<!tpu.dma_semaphore, #tpu.memory_space<semaphore_mem>>) src(%dma_wait3A_67 : memref<40x50xi32, #tpu.memory_space<hbm>>) dst(%arg7 : memref<40x50xi32, #tpu.memory_space<vmem>>)
        tpu.yield
      }) : () -> ()
      "tpu.region"() ({
        %run_scoped3A = tpu.sem_alloc : memref<!tpu.dma_semaphore, #tpu.memory_space<semaphore_mem>>
        %dma_start3A = arith.constant 0 : i32
        %dma_start3A_53 = arith.constant 0 : i32
        %dma_start3A_54 = tpu.memref_slice %arg4[%add3A, %scan3A_41, %dma_start3A, %dma_start3A_53] : memref<32x5x40x50xi32, #tpu.memory_space<hbm>> -> memref<1x1x40x50xi32, #tpu.memory_space<hbm>>
        %dma_start3A_55 = tpu.memref_squeeze %dma_start3A_54 : memref<1x1x40x50xi32, #tpu.memory_space<hbm>> -> memref<40x50xi32, #tpu.memory_space<hbm>>
        %dma_start3A_56 = arith.constant 0 : i32
        %dma_start3A_57 = arith.constant 0 : i32
        %dma_start3A_58 = tpu.memref_slice %arg4[%add3A, %scan3A_41, %dma_start3A_56, %dma_start3A_57] : memref<32x5x40x50xi32, #tpu.memory_space<hbm>> -> memref<1x1x40x50xi32, #tpu.memory_space<hbm>>
        %dma_start3A_59 = tpu.memref_squeeze %dma_start3A_58 : memref<1x1x40x50xi32, #tpu.memory_space<hbm>> -> memref<40x50xi32, #tpu.memory_space<hbm>>
        tpu.enqueue_dma source(%dma_start3A_59 : memref<40x50xi32, #tpu.memory_space<hbm>>) target(%arg8 : memref<40x50xi32, #tpu.memory_space<vmem>>) target_semaphore(%run_scoped3A : memref<!tpu.dma_semaphore, #tpu.memory_space<semaphore_mem>>)
        %dma_wait3A_60 = arith.constant 0 : i32
        %dma_wait3A_61 = arith.constant 0 : i32
        %dma_wait3A_62 = tpu.memref_slice %arg4[%add3A, %scan3A_41, %dma_wait3A_60, %dma_wait3A_61] : memref<32x5x40x50xi32, #tpu.memory_space<hbm>> -> memref<1x1x40x50xi32, #tpu.memory_space<hbm>>
        %dma_wait3A_63 = tpu.memref_squeeze %dma_wait3A_62 : memref<1x1x40x50xi32, #tpu.memory_space<hbm>> -> memref<40x50xi32, #tpu.memory_space<hbm>>
        %dma_wait3A_64 = arith.constant 0 : i32
        %dma_wait3A_65 = arith.constant 0 : i32
        %dma_wait3A_66 = tpu.memref_slice %arg4[%add3A, %scan3A_41, %dma_wait3A_64, %dma_wait3A_65] : memref<32x5x40x50xi32, #tpu.memory_space<hbm>> -> memref<1x1x40x50xi32, #tpu.memory_space<hbm>>
        %dma_wait3A_67 = tpu.memref_squeeze %dma_wait3A_66 : memref<1x1x40x50xi32, #tpu.memory_space<hbm>> -> memref<40x50xi32, #tpu.memory_space<hbm>>
        tpu.wait_dma2 semaphore(%run_scoped3A : memref<!tpu.dma_semaphore, #tpu.memory_space<semaphore_mem>>) src(%dma_wait3A_67 : memref<40x50xi32, #tpu.memory_space<hbm>>) dst(%arg8 : memref<40x50xi32, #tpu.memory_space<vmem>>)
        tpu.yield
      }) : () -> ()
      %scan3A_45 = arith.constant 0 : i32
      %scan3A_46 = arith.constant 0 : i32
      %scan3A_47 = arith.constant 10 : i32
      %scan3A_48 = arith.addi %scan3A_46, %scan3A_47 : i32
      %scan3A_49 = arith.constant 1 : i32
      %scan3A_50 = scf.for %scan3A_53 = %scan3A_46 to %scan3A_48 step %scan3A_49 iter_args(%scan3A_54 = %scan3A_45) -> (i32)  : i32 {
        %gt3A_55 = arith.constant 0 : i32
        %gt3A_56 = arith.cmpi sgt, %scan3A_53, %gt3A_55 : i32
        %convert_element_type3A_57 = arith.extui %gt3A_56 : i1 to i32
        %cond3A_58 = arith.constant 0 : i32
        %cond3A_59 = arith.cmpi ne, %convert_element_type3A_57, %cond3A_58 : i32
        scf.if %cond3A_59 {
          %dma_wait3A_183 = arith.constant 0 : i32
          %dma_wait3A_184 = arith.constant 0 : i32
          %dma_wait3A_185 = tpu.memref_slice %arg8[%dma_wait3A_183, %dma_wait3A_184] : memref<40x50xi32, #tpu.memory_space<vmem>> -> memref<1x50xi32, #tpu.memory_space<vmem>>
          %dma_wait3A_186 = tpu.memref_squeeze %dma_wait3A_185 : memref<1x50xi32, #tpu.memory_space<vmem>> -> memref<50xi32, #tpu.memory_space<vmem>>
          %dma_wait3A_187 = arith.constant 0 : i32
          %dma_wait3A_188 = arith.constant 0 : i32
          %dma_wait3A_189 = tpu.memref_slice %arg13[%dma_wait3A_187, %dma_wait3A_188] : memref<10240x128xf32, #tpu.memory_space<vmem_shared>> -> memref<10240x128xf32, #tpu.memory_space<vmem_shared>>
          tpu.wait_indirect_dma semaphore(%arg18 : memref<!tpu.dma_semaphore, #tpu.memory_space<semaphore_mem>>) src(%arg9 : memref<50x128xf32, #tpu.memory_space<vmem>>) dst(%dma_wait3A_189 : memref<10240x128xf32, #tpu.memory_space<vmem_shared>>)
        } else {
        }
        %mul3A_60 = arith.constant 4 : i32
        %mul3A_61 = arith.muli %mul3A_60, %scan3A_53 : i32
        %add3A_62 = arith.constant 0 : i32
        %add3A_63 = arith.addi %mul3A_61, %add3A_62 : i32
        %dma_start3A = arith.constant 0 : i32
        %dma_start3A_64 = tpu.memref_slice %arg7[%add3A_63, %dma_start3A] : memref<40x50xi32, #tpu.memory_space<vmem>> -> memref<1x50xi32, #tpu.memory_space<vmem>>
        %dma_start3A_65 = tpu.memref_squeeze %dma_start3A_64 : memref<1x50xi32, #tpu.memory_space<vmem>> -> memref<50xi32, #tpu.memory_space<vmem>>
        %dma_start3A_66 = arith.constant 0 : i32
        %dma_start3A_67 = arith.constant 0 : i32
        %dma_start3A_68 = tpu.memref_slice %arg2[%dma_start3A_66, %dma_start3A_67] : memref<10000x128xf32, #tpu.memory_space<hbm>> -> memref<10000x128xf32, #tpu.memory_space<hbm>>
        tpu.enqueue_indirect_dma source(%dma_start3A_68 : memref<10000x128xf32, #tpu.memory_space<hbm>>) target(%arg9 : memref<50x128xf32, #tpu.memory_space<vmem>>) offsets(%dma_start3A_65 : memref<50xi32, #tpu.memory_space<vmem>>) semaphore(%arg14 : memref<!tpu.dma_semaphore, #tpu.memory_space<semaphore_mem>>)
        %gt3A_69 = arith.constant 0 : i32
        %gt3A_70 = arith.cmpi sgt, %scan3A_53, %gt3A_69 : i32
        %convert_element_type3A_71 = arith.extui %gt3A_70 : i1 to i32
        %cond3A_72 = arith.constant 0 : i32
        %cond3A_73 = arith.cmpi ne, %convert_element_type3A_71, %cond3A_72 : i32
        scf.if %cond3A_73 {
          %dma_wait3A_183 = arith.constant 0 : i32
          %dma_wait3A_184 = arith.constant 0 : i32
          %dma_wait3A_185 = tpu.memref_slice %arg8[%dma_wait3A_183, %dma_wait3A_184] : memref<40x50xi32, #tpu.memory_space<vmem>> -> memref<1x50xi32, #tpu.memory_space<vmem>>
          %dma_wait3A_186 = tpu.memref_squeeze %dma_wait3A_185 : memref<1x50xi32, #tpu.memory_space<vmem>> -> memref<50xi32, #tpu.memory_space<vmem>>
          %dma_wait3A_187 = arith.constant 0 : i32
          %dma_wait3A_188 = arith.constant 0 : i32
          %dma_wait3A_189 = tpu.memref_slice %arg13[%dma_wait3A_187, %dma_wait3A_188] : memref<10240x128xf32, #tpu.memory_space<vmem_shared>> -> memref<10240x128xf32, #tpu.memory_space<vmem_shared>>
          tpu.wait_indirect_dma semaphore(%arg19 : memref<!tpu.dma_semaphore, #tpu.memory_space<semaphore_mem>>) src(%arg10 : memref<50x128xf32, #tpu.memory_space<vmem>>) dst(%dma_wait3A_189 : memref<10240x128xf32, #tpu.memory_space<vmem_shared>>)
        } else {
        }
        %mul3A_74 = arith.constant 4 : i32
        %mul3A_75 = arith.muli %mul3A_74, %scan3A_53 : i32
        %add3A_76 = arith.constant 1 : i32
        %add3A_77 = arith.addi %mul3A_75, %add3A_76 : i32
        %dma_start3A_78 = arith.constant 0 : i32
        %dma_start3A_79 = tpu.memref_slice %arg7[%add3A_77, %dma_start3A_78] : memref<40x50xi32, #tpu.memory_space<vmem>> -> memref<1x50xi32, #tpu.memory_space<vmem>>
        %dma_start3A_80 = tpu.memref_squeeze %dma_start3A_79 : memref<1x50xi32, #tpu.memory_space<vmem>> -> memref<50xi32, #tpu.memory_space<vmem>>
        %dma_start3A_81 = arith.constant 0 : i32
        %dma_start3A_82 = arith.constant 0 : i32
        %dma_start3A_83 = tpu.memref_slice %arg2[%dma_start3A_81, %dma_start3A_82] : memref<10000x128xf32, #tpu.memory_space<hbm>> -> memref<10000x128xf32, #tpu.memory_space<hbm>>
        tpu.enqueue_indirect_dma source(%dma_start3A_83 : memref<10000x128xf32, #tpu.memory_space<hbm>>) target(%arg10 : memref<50x128xf32, #tpu.memory_space<vmem>>) offsets(%dma_start3A_80 : memref<50xi32, #tpu.memory_space<vmem>>) semaphore(%arg15 : memref<!tpu.dma_semaphore, #tpu.memory_space<semaphore_mem>>)
        %gt3A_84 = arith.constant 0 : i32
        %gt3A_85 = arith.cmpi sgt, %scan3A_53, %gt3A_84 : i32
        %convert_element_type3A_86 = arith.extui %gt3A_85 : i1 to i32
        %cond3A_87 = arith.constant 0 : i32
        %cond3A_88 = arith.cmpi ne, %convert_element_type3A_86, %cond3A_87 : i32
        scf.if %cond3A_88 {
          %dma_wait3A_183 = arith.constant 0 : i32
          %dma_wait3A_184 = arith.constant 0 : i32
          %dma_wait3A_185 = tpu.memref_slice %arg8[%dma_wait3A_183, %dma_wait3A_184] : memref<40x50xi32, #tpu.memory_space<vmem>> -> memref<1x50xi32, #tpu.memory_space<vmem>>
          %dma_wait3A_186 = tpu.memref_squeeze %dma_wait3A_185 : memref<1x50xi32, #tpu.memory_space<vmem>> -> memref<50xi32, #tpu.memory_space<vmem>>
          %dma_wait3A_187 = arith.constant 0 : i32
          %dma_wait3A_188 = arith.constant 0 : i32
          %dma_wait3A_189 = tpu.memref_slice %arg13[%dma_wait3A_187, %dma_wait3A_188] : memref<10240x128xf32, #tpu.memory_space<vmem_shared>> -> memref<10240x128xf32, #tpu.memory_space<vmem_shared>>
          tpu.wait_indirect_dma semaphore(%arg20 : memref<!tpu.dma_semaphore, #tpu.memory_space<semaphore_mem>>) src(%arg11 : memref<50x128xf32, #tpu.memory_space<vmem>>) dst(%dma_wait3A_189 : memref<10240x128xf32, #tpu.memory_space<vmem_shared>>)
        } else {
        }
        %mul3A_89 = arith.constant 4 : i32
        %mul3A_90 = arith.muli %mul3A_89, %scan3A_53 : i32
        %add3A_91 = arith.constant 2 : i32
        %add3A_92 = arith.addi %mul3A_90, %add3A_91 : i32
        %dma_start3A_93 = arith.constant 0 : i32
        %dma_start3A_94 = tpu.memref_slice %arg7[%add3A_92, %dma_start3A_93] : memref<40x50xi32, #tpu.memory_space<vmem>> -> memref<1x50xi32, #tpu.memory_space<vmem>>
        %dma_start3A_95 = tpu.memref_squeeze %dma_start3A_94 : memref<1x50xi32, #tpu.memory_space<vmem>> -> memref<50xi32, #tpu.memory_space<vmem>>
        %dma_start3A_96 = arith.constant 0 : i32
        %dma_start3A_97 = arith.constant 0 : i32
        %dma_start3A_98 = tpu.memref_slice %arg2[%dma_start3A_96, %dma_start3A_97] : memref<10000x128xf32, #tpu.memory_space<hbm>> -> memref<10000x128xf32, #tpu.memory_space<hbm>>
        tpu.enqueue_indirect_dma source(%dma_start3A_98 : memref<10000x128xf32, #tpu.memory_space<hbm>>) target(%arg11 : memref<50x128xf32, #tpu.memory_space<vmem>>) offsets(%dma_start3A_95 : memref<50xi32, #tpu.memory_space<vmem>>) semaphore(%arg16 : memref<!tpu.dma_semaphore, #tpu.memory_space<semaphore_mem>>)
        %gt3A_99 = arith.constant 0 : i32
        %gt3A_100 = arith.cmpi sgt, %scan3A_53, %gt3A_99 : i32
        %convert_element_type3A_101 = arith.extui %gt3A_100 : i1 to i32
        %cond3A_102 = arith.constant 0 : i32
        %cond3A_103 = arith.cmpi ne, %convert_element_type3A_101, %cond3A_102 : i32
        scf.if %cond3A_103 {
          %dma_wait3A_183 = arith.constant 0 : i32
          %dma_wait3A_184 = arith.constant 0 : i32
          %dma_wait3A_185 = tpu.memref_slice %arg8[%dma_wait3A_183, %dma_wait3A_184] : memref<40x50xi32, #tpu.memory_space<vmem>> -> memref<1x50xi32, #tpu.memory_space<vmem>>
          %dma_wait3A_186 = tpu.memref_squeeze %dma_wait3A_185 : memref<1x50xi32, #tpu.memory_space<vmem>> -> memref<50xi32, #tpu.memory_space<vmem>>
          %dma_wait3A_187 = arith.constant 0 : i32
          %dma_wait3A_188 = arith.constant 0 : i32
          %dma_wait3A_189 = tpu.memref_slice %arg13[%dma_wait3A_187, %dma_wait3A_188] : memref<10240x128xf32, #tpu.memory_space<vmem_shared>> -> memref<10240x128xf32, #tpu.memory_space<vmem_shared>>
          tpu.wait_indirect_dma semaphore(%arg21 : memref<!tpu.dma_semaphore, #tpu.memory_space<semaphore_mem>>) src(%arg12 : memref<50x128xf32, #tpu.memory_space<vmem>>) dst(%dma_wait3A_189 : memref<10240x128xf32, #tpu.memory_space<vmem_shared>>)
        } else {
        }
        %mul3A_104 = arith.constant 4 : i32
        %mul3A_105 = arith.muli %mul3A_104, %scan3A_53 : i32
        %add3A_106 = arith.constant 3 : i32
        %add3A_107 = arith.addi %mul3A_105, %add3A_106 : i32
        %dma_start3A_108 = arith.constant 0 : i32
        %dma_start3A_109 = tpu.memref_slice %arg7[%add3A_107, %dma_start3A_108] : memref<40x50xi32, #tpu.memory_space<vmem>> -> memref<1x50xi32, #tpu.memory_space<vmem>>
        %dma_start3A_110 = tpu.memref_squeeze %dma_start3A_109 : memref<1x50xi32, #tpu.memory_space<vmem>> -> memref<50xi32, #tpu.memory_space<vmem>>
        %dma_start3A_111 = arith.constant 0 : i32
        %dma_start3A_112 = arith.constant 0 : i32
        %dma_start3A_113 = tpu.memref_slice %arg2[%dma_start3A_111, %dma_start3A_112] : memref<10000x128xf32, #tpu.memory_space<hbm>> -> memref<10000x128xf32, #tpu.memory_space<hbm>>
        tpu.enqueue_indirect_dma source(%dma_start3A_113 : memref<10000x128xf32, #tpu.memory_space<hbm>>) target(%arg12 : memref<50x128xf32, #tpu.memory_space<vmem>>) offsets(%dma_start3A_110 : memref<50xi32, #tpu.memory_space<vmem>>) semaphore(%arg17 : memref<!tpu.dma_semaphore, #tpu.memory_space<semaphore_mem>>)
        %dma_wait3A_114 = arith.constant 0 : i32
        %dma_wait3A_115 = arith.constant 0 : i32
        %dma_wait3A_116 = tpu.memref_slice %arg7[%dma_wait3A_114, %dma_wait3A_115] : memref<40x50xi32, #tpu.memory_space<vmem>> -> memref<1x50xi32, #tpu.memory_space<vmem>>
        %dma_wait3A_117 = tpu.memref_squeeze %dma_wait3A_116 : memref<1x50xi32, #tpu.memory_space<vmem>> -> memref<50xi32, #tpu.memory_space<vmem>>
        %dma_wait3A_118 = arith.constant 0 : i32
        %dma_wait3A_119 = arith.constant 0 : i32
        %dma_wait3A_120 = tpu.memref_slice %arg2[%dma_wait3A_118, %dma_wait3A_119] : memref<10000x128xf32, #tpu.memory_space<hbm>> -> memref<10000x128xf32, #tpu.memory_space<hbm>>
        tpu.wait_indirect_dma semaphore(%arg14 : memref<!tpu.dma_semaphore, #tpu.memory_space<semaphore_mem>>) src(%dma_wait3A_120 : memref<10000x128xf32, #tpu.memory_space<hbm>>) dst(%arg9 : memref<50x128xf32, #tpu.memory_space<vmem>>)
        %mul3A_121 = arith.constant 4 : i32
        %mul3A_122 = arith.muli %mul3A_121, %scan3A_53 : i32
        %add3A_123 = arith.constant 0 : i32
        %add3A_124 = arith.addi %mul3A_122, %add3A_123 : i32
        %dma_start3A_125 = arith.constant 0 : i32
        %dma_start3A_126 = tpu.memref_slice %arg8[%add3A_124, %dma_start3A_125] : memref<40x50xi32, #tpu.memory_space<vmem>> -> memref<1x50xi32, #tpu.memory_space<vmem>>
        %dma_start3A_127 = tpu.memref_squeeze %dma_start3A_126 : memref<1x50xi32, #tpu.memory_space<vmem>> -> memref<50xi32, #tpu.memory_space<vmem>>
        %dma_start3A_128 = arith.constant 0 : i32
        %dma_start3A_129 = arith.constant 0 : i32
        %dma_start3A_130 = tpu.memref_slice %arg13[%dma_start3A_128, %dma_start3A_129] : memref<10240x128xf32, #tpu.memory_space<vmem_shared>> -> memref<10240x128xf32, #tpu.memory_space<vmem_shared>>
        tpu.enqueue_indirect_dma source(%arg9 : memref<50x128xf32, #tpu.memory_space<vmem>>) target(%dma_start3A_130 : memref<10240x128xf32, #tpu.memory_space<vmem_shared>>) offsets(%dma_start3A_127 : memref<50xi32, #tpu.memory_space<vmem>>) semaphore(%arg18 : memref<!tpu.dma_semaphore, #tpu.memory_space<semaphore_mem>>) {add = true}
        %dma_wait3A_131 = arith.constant 0 : i32
        %dma_wait3A_132 = arith.constant 0 : i32
        %dma_wait3A_133 = tpu.memref_slice %arg7[%dma_wait3A_131, %dma_wait3A_132] : memref<40x50xi32, #tpu.memory_space<vmem>> -> memref<1x50xi32, #tpu.memory_space<vmem>>
        %dma_wait3A_134 = tpu.memref_squeeze %dma_wait3A_133 : memref<1x50xi32, #tpu.memory_space<vmem>> -> memref<50xi32, #tpu.memory_space<vmem>>
        %dma_wait3A_135 = arith.constant 0 : i32
        %dma_wait3A_136 = arith.constant 0 : i32
        %dma_wait3A_137 = tpu.memref_slice %arg2[%dma_wait3A_135, %dma_wait3A_136] : memref<10000x128xf32, #tpu.memory_space<hbm>> -> memref<10000x128xf32, #tpu.memory_space<hbm>>
        tpu.wait_indirect_dma semaphore(%arg15 : memref<!tpu.dma_semaphore, #tpu.memory_space<semaphore_mem>>) src(%dma_wait3A_137 : memref<10000x128xf32, #tpu.memory_space<hbm>>) dst(%arg10 : memref<50x128xf32, #tpu.memory_space<vmem>>)
        %mul3A_138 = arith.constant 4 : i32
        %mul3A_139 = arith.muli %mul3A_138, %scan3A_53 : i32
        %add3A_140 = arith.constant 1 : i32
        %add3A_141 = arith.addi %mul3A_139, %add3A_140 : i32
        %dma_start3A_142 = arith.constant 0 : i32
        %dma_start3A_143 = tpu.memref_slice %arg8[%add3A_141, %dma_start3A_142] : memref<40x50xi32, #tpu.memory_space<vmem>> -> memref<1x50xi32, #tpu.memory_space<vmem>>
        %dma_start3A_144 = tpu.memref_squeeze %dma_start3A_143 : memref<1x50xi32, #tpu.memory_space<vmem>> -> memref<50xi32, #tpu.memory_space<vmem>>
        %dma_start3A_145 = arith.constant 0 : i32
        %dma_start3A_146 = arith.constant 0 : i32
        %dma_start3A_147 = tpu.memref_slice %arg13[%dma_start3A_145, %dma_start3A_146] : memref<10240x128xf32, #tpu.memory_space<vmem_shared>> -> memref<10240x128xf32, #tpu.memory_space<vmem_shared>>
        tpu.enqueue_indirect_dma source(%arg10 : memref<50x128xf32, #tpu.memory_space<vmem>>) target(%dma_start3A_147 : memref<10240x128xf32, #tpu.memory_space<vmem_shared>>) offsets(%dma_start3A_144 : memref<50xi32, #tpu.memory_space<vmem>>) semaphore(%arg19 : memref<!tpu.dma_semaphore, #tpu.memory_space<semaphore_mem>>) {add = true}
        %dma_wait3A_148 = arith.constant 0 : i32
        %dma_wait3A_149 = arith.constant 0 : i32
        %dma_wait3A_150 = tpu.memref_slice %arg7[%dma_wait3A_148, %dma_wait3A_149] : memref<40x50xi32, #tpu.memory_space<vmem>> -> memref<1x50xi32, #tpu.memory_space<vmem>>
        %dma_wait3A_151 = tpu.memref_squeeze %dma_wait3A_150 : memref<1x50xi32, #tpu.memory_space<vmem>> -> memref<50xi32, #tpu.memory_space<vmem>>
        %dma_wait3A_152 = arith.constant 0 : i32
        %dma_wait3A_153 = arith.constant 0 : i32
        %dma_wait3A_154 = tpu.memref_slice %arg2[%dma_wait3A_152, %dma_wait3A_153] : memref<10000x128xf32, #tpu.memory_space<hbm>> -> memref<10000x128xf32, #tpu.memory_space<hbm>>
        tpu.wait_indirect_dma semaphore(%arg16 : memref<!tpu.dma_semaphore, #tpu.memory_space<semaphore_mem>>) src(%dma_wait3A_154 : memref<10000x128xf32, #tpu.memory_space<hbm>>) dst(%arg11 : memref<50x128xf32, #tpu.memory_space<vmem>>)
        %mul3A_155 = arith.constant 4 : i32
        %mul3A_156 = arith.muli %mul3A_155, %scan3A_53 : i32
        %add3A_157 = arith.constant 2 : i32
        %add3A_158 = arith.addi %mul3A_156, %add3A_157 : i32
        %dma_start3A_159 = arith.constant 0 : i32
        %dma_start3A_160 = tpu.memref_slice %arg8[%add3A_158, %dma_start3A_159] : memref<40x50xi32, #tpu.memory_space<vmem>> -> memref<1x50xi32, #tpu.memory_space<vmem>>
        %dma_start3A_161 = tpu.memref_squeeze %dma_start3A_160 : memref<1x50xi32, #tpu.memory_space<vmem>> -> memref<50xi32, #tpu.memory_space<vmem>>
        %dma_start3A_162 = arith.constant 0 : i32
        %dma_start3A_163 = arith.constant 0 : i32
        %dma_start3A_164 = tpu.memref_slice %arg13[%dma_start3A_162, %dma_start3A_163] : memref<10240x128xf32, #tpu.memory_space<vmem_shared>> -> memref<10240x128xf32, #tpu.memory_space<vmem_shared>>
        tpu.enqueue_indirect_dma source(%arg11 : memref<50x128xf32, #tpu.memory_space<vmem>>) target(%dma_start3A_164 : memref<10240x128xf32, #tpu.memory_space<vmem_shared>>) offsets(%dma_start3A_161 : memref<50xi32, #tpu.memory_space<vmem>>) semaphore(%arg20 : memref<!tpu.dma_semaphore, #tpu.memory_space<semaphore_mem>>) {add = true}
        %dma_wait3A_165 = arith.constant 0 : i32
        %dma_wait3A_166 = arith.constant 0 : i32
        %dma_wait3A_167 = tpu.memref_slice %arg7[%dma_wait3A_165, %dma_wait3A_166] : memref<40x50xi32, #tpu.memory_space<vmem>> -> memref<1x50xi32, #tpu.memory_space<vmem>>
        %dma_wait3A_168 = tpu.memref_squeeze %dma_wait3A_167 : memref<1x50xi32, #tpu.memory_space<vmem>> -> memref<50xi32, #tpu.memory_space<vmem>>
        %dma_wait3A_169 = arith.constant 0 : i32
        %dma_wait3A_170 = arith.constant 0 : i32
        %dma_wait3A_171 = tpu.memref_slice %arg2[%dma_wait3A_169, %dma_wait3A_170] : memref<10000x128xf32, #tpu.memory_space<hbm>> -> memref<10000x128xf32, #tpu.memory_space<hbm>>
        tpu.wait_indirect_dma semaphore(%arg17 : memref<!tpu.dma_semaphore, #tpu.memory_space<semaphore_mem>>) src(%dma_wait3A_171 : memref<10000x128xf32, #tpu.memory_space<hbm>>) dst(%arg12 : memref<50x128xf32, #tpu.memory_space<vmem>>)
        %mul3A_172 = arith.constant 4 : i32
        %mul3A_173 = arith.muli %mul3A_172, %scan3A_53 : i32
        %add3A_174 = arith.constant 3 : i32
        %add3A_175 = arith.addi %mul3A_173, %add3A_174 : i32
        %dma_start3A_176 = arith.constant 0 : i32
        %dma_start3A_177 = tpu.memref_slice %arg8[%add3A_175, %dma_start3A_176] : memref<40x50xi32, #tpu.memory_space<vmem>> -> memref<1x50xi32, #tpu.memory_space<vmem>>
        %dma_start3A_178 = tpu.memref_squeeze %dma_start3A_177 : memref<1x50xi32, #tpu.memory_space<vmem>> -> memref<50xi32, #tpu.memory_space<vmem>>
        %dma_start3A_179 = arith.constant 0 : i32
        %dma_start3A_180 = arith.constant 0 : i32
        %dma_start3A_181 = tpu.memref_slice %arg13[%dma_start3A_179, %dma_start3A_180] : memref<10240x128xf32, #tpu.memory_space<vmem_shared>> -> memref<10240x128xf32, #tpu.memory_space<vmem_shared>>
        tpu.enqueue_indirect_dma source(%arg12 : memref<50x128xf32, #tpu.memory_space<vmem>>) target(%dma_start3A_181 : memref<10240x128xf32, #tpu.memory_space<vmem_shared>>) offsets(%dma_start3A_178 : memref<50xi32, #tpu.memory_space<vmem>>) semaphore(%arg21 : memref<!tpu.dma_semaphore, #tpu.memory_space<semaphore_mem>>) {add = true}
        %scan3A_182 = arith.constant 0 : i32
        scf.yield %scan3A_182 : i32
      }
      %scan3A_51 = arith.constant 10 : i32
      %scan3A_52 = arith.constant 0 : i32
      scf.yield %scan3A_52 : i32
    }
    %scan3A_8 = arith.constant 5 : i32
    %dma_wait3A = arith.constant 0 : i32
    %dma_wait3A_9 = arith.constant 0 : i32
    %dma_wait3A_10 = tpu.memref_slice %arg8[%dma_wait3A, %dma_wait3A_9] : memref<40x50xi32, #tpu.memory_space<vmem>> -> memref<1x50xi32, #tpu.memory_space<vmem>>
    %dma_wait3A_11 = tpu.memref_squeeze %dma_wait3A_10 : memref<1x50xi32, #tpu.memory_space<vmem>> -> memref<50xi32, #tpu.memory_space<vmem>>
    %dma_wait3A_12 = arith.constant 0 : i32
    %dma_wait3A_13 = arith.constant 0 : i32
    %dma_wait3A_14 = tpu.memref_slice %arg13[%dma_wait3A_12, %dma_wait3A_13] : memref<10240x128xf32, #tpu.memory_space<vmem_shared>> -> memref<10240x128xf32, #tpu.memory_space<vmem_shared>>
    tpu.wait_indirect_dma semaphore(%arg18 : memref<!tpu.dma_semaphore, #tpu.memory_space<semaphore_mem>>) src(%arg9 : memref<50x128xf32, #tpu.memory_space<vmem>>) dst(%dma_wait3A_14 : memref<10240x128xf32, #tpu.memory_space<vmem_shared>>)
    %dma_wait3A_15 = arith.constant 0 : i32
    %dma_wait3A_16 = arith.constant 0 : i32
    %dma_wait3A_17 = tpu.memref_slice %arg8[%dma_wait3A_15, %dma_wait3A_16] : memref<40x50xi32, #tpu.memory_space<vmem>> -> memref<1x50xi32, #tpu.memory_space<vmem>>
    %dma_wait3A_18 = tpu.memref_squeeze %dma_wait3A_17 : memref<1x50xi32, #tpu.memory_space<vmem>> -> memref<50xi32, #tpu.memory_space<vmem>>
    %dma_wait3A_19 = arith.constant 0 : i32
    %dma_wait3A_20 = arith.constant 0 : i32
    %dma_wait3A_21 = tpu.memref_slice %arg13[%dma_wait3A_19, %dma_wait3A_20] : memref<10240x128xf32, #tpu.memory_space<vmem_shared>> -> memref<10240x128xf32, #tpu.memory_space<vmem_shared>>
    tpu.wait_indirect_dma semaphore(%arg19 : memref<!tpu.dma_semaphore, #tpu.memory_space<semaphore_mem>>) src(%arg10 : memref<50x128xf32, #tpu.memory_space<vmem>>) dst(%dma_wait3A_21 : memref<10240x128xf32, #tpu.memory_space<vmem_shared>>)
    %dma_wait3A_22 = arith.constant 0 : i32
    %dma_wait3A_23 = arith.constant 0 : i32
    %dma_wait3A_24 = tpu.memref_slice %arg8[%dma_wait3A_22, %dma_wait3A_23] : memref<40x50xi32, #tpu.memory_space<vmem>> -> memref<1x50xi32, #tpu.memory_space<vmem>>
    %dma_wait3A_25 = tpu.memref_squeeze %dma_wait3A_24 : memref<1x50xi32, #tpu.memory_space<vmem>> -> memref<50xi32, #tpu.memory_space<vmem>>
    %dma_wait3A_26 = arith.constant 0 : i32
    %dma_wait3A_27 = arith.constant 0 : i32
    %dma_wait3A_28 = tpu.memref_slice %arg13[%dma_wait3A_26, %dma_wait3A_27] : memref<10240x128xf32, #tpu.memory_space<vmem_shared>> -> memref<10240x128xf32, #tpu.memory_space<vmem_shared>>
    tpu.wait_indirect_dma semaphore(%arg20 : memref<!tpu.dma_semaphore, #tpu.memory_space<semaphore_mem>>) src(%arg11 : memref<50x128xf32, #tpu.memory_space<vmem>>) dst(%dma_wait3A_28 : memref<10240x128xf32, #tpu.memory_space<vmem_shared>>)
    %dma_wait3A_29 = arith.constant 0 : i32
    %dma_wait3A_30 = arith.constant 0 : i32
    %dma_wait3A_31 = tpu.memref_slice %arg8[%dma_wait3A_29, %dma_wait3A_30] : memref<40x50xi32, #tpu.memory_space<vmem>> -> memref<1x50xi32, #tpu.memory_space<vmem>>
    %dma_wait3A_32 = tpu.memref_squeeze %dma_wait3A_31 : memref<1x50xi32, #tpu.memory_space<vmem>> -> memref<50xi32, #tpu.memory_space<vmem>>
    %dma_wait3A_33 = arith.constant 0 : i32
    %dma_wait3A_34 = arith.constant 0 : i32
    %dma_wait3A_35 = tpu.memref_slice %arg13[%dma_wait3A_33, %dma_wait3A_34] : memref<10240x128xf32, #tpu.memory_space<vmem_shared>> -> memref<10240x128xf32, #tpu.memory_space<vmem_shared>>
    tpu.wait_indirect_dma semaphore(%arg21 : memref<!tpu.dma_semaphore, #tpu.memory_space<semaphore_mem>>) src(%arg12 : memref<50x128xf32, #tpu.memory_space<vmem>>) dst(%dma_wait3A_35 : memref<10240x128xf32, #tpu.memory_space<vmem_shared>>)
    %barrier3A_36 = arith.constant 0 : index
    tpu.barrier barrier_id(%barrier3A_36)
    %mul3A_37 = arith.constant 640 : i32
    %mul3A_38 = arith.muli %arg1, %mul3A_37 : i32
    %mul3A_39 = arith.constant 640 : i32
    %mul3A_40 = arith.muli %arg1, %mul3A_39 : i32
    "tpu.region"() ({
      %run_scoped3A = tpu.sem_alloc : memref<!tpu.dma_semaphore, #tpu.memory_space<semaphore_mem>>
      %dma_start3A = arith.constant 0 : i32
      %dma_start3A_41 = tpu.memref_slice %arg6[%arg0, %mul3A_40, %dma_start3A] : memref<2x10240x128xf32, #tpu.memory_space<hbm>> -> memref<1x640x128xf32, #tpu.memory_space<hbm>>
      %dma_start3A_42 = tpu.memref_squeeze %dma_start3A_41 : memref<1x640x128xf32, #tpu.memory_space<hbm>> -> memref<640x128xf32, #tpu.memory_space<hbm>>
      %dma_start3A_43 = arith.constant 0 : i32
      %dma_start3A_44 = tpu.memref_slice %arg13[%mul3A_38, %dma_start3A_43] : memref<10240x128xf32, #tpu.memory_space<vmem_shared>> -> memref<640x128xf32, #tpu.memory_space<vmem_shared>>
      tpu.enqueue_dma source(%dma_start3A_44 : memref<640x128xf32, #tpu.memory_space<vmem_shared>>) target(%dma_start3A_42 : memref<640x128xf32, #tpu.memory_space<hbm>>) target_semaphore(%run_scoped3A : memref<!tpu.dma_semaphore, #tpu.memory_space<semaphore_mem>>)
      %dma_wait3A_45 = arith.constant 0 : i32
      %dma_wait3A_46 = tpu.memref_slice %arg6[%arg0, %mul3A_40, %dma_wait3A_45] : memref<2x10240x128xf32, #tpu.memory_space<hbm>> -> memref<1x640x128xf32, #tpu.memory_space<hbm>>
      %dma_wait3A_47 = tpu.memref_squeeze %dma_wait3A_46 : memref<1x640x128xf32, #tpu.memory_space<hbm>> -> memref<640x128xf32, #tpu.memory_space<hbm>>
      %dma_wait3A_48 = arith.constant 0 : i32
      %dma_wait3A_49 = tpu.memref_slice %arg13[%mul3A_38, %dma_wait3A_48] : memref<10240x128xf32, #tpu.memory_space<vmem_shared>> -> memref<640x128xf32, #tpu.memory_space<vmem_shared>>
      tpu.wait_dma2 semaphore(%run_scoped3A : memref<!tpu.dma_semaphore, #tpu.memory_space<semaphore_mem>>) src(%dma_wait3A_49 : memref<640x128xf32, #tpu.memory_space<vmem_shared>>) dst(%dma_wait3A_47 : memref<640x128xf32, #tpu.memory_space<hbm>>)
      tpu.yield
    }) : () -> ()
    return
  }
}

#map = affine_map<(d0, d1) -> (0, 0, 0)>
#map1 = affine_map<(d0, d1) -> (0, 0)>
module attributes {stable_mosaic.version = 14 : i64} {
  func.func @_sc_deg_body(%arg0: i32, %arg1: i32, %arg2: memref<32x125x80xi32, #tpu.memory_space<hbm>>, %arg3: memref<2x10240xf32, #tpu.memory_space<hbm>>, %arg4: memref<125x80xi32, #tpu.memory_space<vmem>>, %arg5: memref<80xf32, #tpu.memory_space<vmem>>, %arg6: memref<640xf32, #tpu.memory_space<vmem>>, %arg7: memref<10240xf32, #tpu.memory_space<vmem_shared>>) attributes {dimension_semantics = [#tpu.dimension_semantics<core_parallel>, #tpu.dimension_semantics<subcore_parallel>], iteration_bounds = array<i64: 2, 16>, scalar_prefetch = 0 : i64, scratch_operands = 4 : i64, tpu.core_type = #tpu.core_type<sc_vector_subcore>, window_params = [{transform_indices = #map}, {transform_indices = #map1}]} {
    %mul3A = arith.constant 2 : i32
    %mul3A_0 = arith.muli %arg1, %mul3A : i32
    %add3A = arith.addi %mul3A_0, %arg0 : i32
    %scan3A = arith.constant 0 : i32
    %scan3A_1 = arith.constant 0 : i32
    %scan3A_2 = arith.constant 40 : i32
    %scan3A_3 = arith.addi %scan3A_1, %scan3A_2 : i32
    %scan3A_4 = arith.constant 1 : i32
    %scan3A_5 = scf.for %scan3A_28 = %scan3A_1 to %scan3A_3 step %scan3A_4 iter_args(%scan3A_29 = %scan3A) -> (i32)  : i32 {
      %broadcast_in_dim3A = arith.constant 0.000000e+00 : f32
      %broadcast_in_dim3A_30 = vector.broadcast %broadcast_in_dim3A : f32 to vector<16xf32>
      %mul3A_31 = arith.constant 16 : i32
      %mul3A_32 = arith.muli %scan3A_28, %mul3A_31 : i32
      %swap3A = arith.index_cast %mul3A_32 : i32 to index
      %swap3A_33 = tpu.vector_load %arg6[%swap3A] {strides = array<i32>} : memref<640xf32, #tpu.memory_space<vmem>>, vector<16xf32>,
      %swap3A_34 = vector.shape_cast %swap3A_33 : vector<16xf32> to vector<16xf32>
      %swap3A_35 = vector.shape_cast %broadcast_in_dim3A_30 : vector<16xf32> to vector<16xf32>
      tpu.vector_store %arg6[%swap3A], %swap3A_35 {strides = array<i32>} : memref<640xf32, #tpu.memory_space<vmem>>, vector<16xf32>,
      %scan3A_36 = arith.constant 0 : i32
      scf.yield %scan3A_36 : i32
    }
    %scan3A_6 = arith.constant 40 : i32
    %mul3A_7 = arith.constant 640 : i32
    %mul3A_8 = arith.muli %arg1, %mul3A_7 : i32
    "tpu.region"() ({
      %run_scoped3A = tpu.sem_alloc : memref<!tpu.dma_semaphore, #tpu.memory_space<semaphore_mem>>
      %dma_start3A = tpu.memref_slice %arg7[%mul3A_8] : memref<10240xf32, #tpu.memory_space<vmem_shared>> -> memref<640xf32, #tpu.memory_space<vmem_shared>>
      %dma_start3A_28 = tpu.memref_slice %arg7[%mul3A_8] : memref<10240xf32, #tpu.memory_space<vmem_shared>> -> memref<640xf32, #tpu.memory_space<vmem_shared>>
      tpu.enqueue_dma source(%arg6 : memref<640xf32, #tpu.memory_space<vmem>>) target(%dma_start3A_28 : memref<640xf32, #tpu.memory_space<vmem_shared>>) target_semaphore(%run_scoped3A : memref<!tpu.dma_semaphore, #tpu.memory_space<semaphore_mem>>)
      %dma_wait3A = tpu.memref_slice %arg7[%mul3A_8] : memref<10240xf32, #tpu.memory_space<vmem_shared>> -> memref<640xf32, #tpu.memory_space<vmem_shared>>
      %dma_wait3A_29 = tpu.memref_slice %arg7[%mul3A_8] : memref<10240xf32, #tpu.memory_space<vmem_shared>> -> memref<640xf32, #tpu.memory_space<vmem_shared>>
      tpu.wait_dma2 semaphore(%run_scoped3A : memref<!tpu.dma_semaphore, #tpu.memory_space<semaphore_mem>>) src(%arg6 : memref<640xf32, #tpu.memory_space<vmem>>) dst(%dma_wait3A_29 : memref<640xf32, #tpu.memory_space<vmem_shared>>)
      tpu.yield
    }) : () -> ()
    %scan3A_9 = arith.constant 0 : i32
    %scan3A_10 = arith.constant 0 : i32
    %scan3A_11 = arith.constant 5 : i32
    %scan3A_12 = arith.addi %scan3A_10, %scan3A_11 : i32
    %scan3A_13 = arith.constant 1 : i32
    %scan3A_14 = scf.for %scan3A_28 = %scan3A_10 to %scan3A_12 step %scan3A_13 iter_args(%scan3A_29 = %scan3A_9) -> (i32)  : i32 {
      %broadcast_in_dim3A = arith.constant 1.000000e+00 : f32
      %broadcast_in_dim3A_30 = vector.broadcast %broadcast_in_dim3A : f32 to vector<16xf32>
      %mul3A_31 = arith.constant 16 : i32
      %mul3A_32 = arith.muli %scan3A_28, %mul3A_31 : i32
      %swap3A = arith.index_cast %mul3A_32 : i32 to index
      %swap3A_33 = tpu.vector_load %arg5[%swap3A] {strides = array<i32>} : memref<80xf32, #tpu.memory_space<vmem>>, vector<16xf32>,
      %swap3A_34 = vector.shape_cast %swap3A_33 : vector<16xf32> to vector<16xf32>
      %swap3A_35 = vector.shape_cast %broadcast_in_dim3A_30 : vector<16xf32> to vector<16xf32>
      tpu.vector_store %arg5[%swap3A], %swap3A_35 {strides = array<i32>} : memref<80xf32, #tpu.memory_space<vmem>>, vector<16xf32>,
      %scan3A_36 = arith.constant 0 : i32
      scf.yield %scan3A_36 : i32
    }
    %scan3A_15 = arith.constant 5 : i32
    %barrier3A = arith.constant 0 : index
    tpu.barrier barrier_id(%barrier3A)
    "tpu.region"() ({
      %run_scoped3A = tpu.sem_alloc : memref<!tpu.dma_semaphore, #tpu.memory_space<semaphore_mem>>
      %dma_start3A = arith.constant 0 : i32
      %dma_start3A_28 = arith.constant 0 : i32
      %dma_start3A_29 = tpu.memref_slice %arg2[%add3A, %dma_start3A, %dma_start3A_28] : memref<32x125x80xi32, #tpu.memory_space<hbm>> -> memref<1x125x80xi32, #tpu.memory_space<hbm>>
      %dma_start3A_30 = tpu.memref_squeeze %dma_start3A_29 : memref<1x125x80xi32, #tpu.memory_space<hbm>> -> memref<125x80xi32, #tpu.memory_space<hbm>>
      %dma_start3A_31 = arith.constant 0 : i32
      %dma_start3A_32 = arith.constant 0 : i32
      %dma_start3A_33 = tpu.memref_slice %arg2[%add3A, %dma_start3A_31, %dma_start3A_32] : memref<32x125x80xi32, #tpu.memory_space<hbm>> -> memref<1x125x80xi32, #tpu.memory_space<hbm>>
      %dma_start3A_34 = tpu.memref_squeeze %dma_start3A_33 : memref<1x125x80xi32, #tpu.memory_space<hbm>> -> memref<125x80xi32, #tpu.memory_space<hbm>>
      tpu.enqueue_dma source(%dma_start3A_34 : memref<125x80xi32, #tpu.memory_space<hbm>>) target(%arg4 : memref<125x80xi32, #tpu.memory_space<vmem>>) target_semaphore(%run_scoped3A : memref<!tpu.dma_semaphore, #tpu.memory_space<semaphore_mem>>)
      %dma_wait3A = arith.constant 0 : i32
      %dma_wait3A_35 = arith.constant 0 : i32
      %dma_wait3A_36 = tpu.memref_slice %arg2[%add3A, %dma_wait3A, %dma_wait3A_35] : memref<32x125x80xi32, #tpu.memory_space<hbm>> -> memref<1x125x80xi32, #tpu.memory_space<hbm>>
      %dma_wait3A_37 = tpu.memref_squeeze %dma_wait3A_36 : memref<1x125x80xi32, #tpu.memory_space<hbm>> -> memref<125x80xi32, #tpu.memory_space<hbm>>
      %dma_wait3A_38 = arith.constant 0 : i32
      %dma_wait3A_39 = arith.constant 0 : i32
      %dma_wait3A_40 = tpu.memref_slice %arg2[%add3A, %dma_wait3A_38, %dma_wait3A_39] : memref<32x125x80xi32, #tpu.memory_space<hbm>> -> memref<1x125x80xi32, #tpu.memory_space<hbm>>
      %dma_wait3A_41 = tpu.memref_squeeze %dma_wait3A_40 : memref<1x125x80xi32, #tpu.memory_space<hbm>> -> memref<125x80xi32, #tpu.memory_space<hbm>>
      tpu.wait_dma2 semaphore(%run_scoped3A : memref<!tpu.dma_semaphore, #tpu.memory_space<semaphore_mem>>) src(%dma_wait3A_41 : memref<125x80xi32, #tpu.memory_space<hbm>>) dst(%arg4 : memref<125x80xi32, #tpu.memory_space<vmem>>)
      tpu.yield
    }) : () -> ()
    %scan3A_16 = arith.constant 0 : i32
    %scan3A_17 = arith.constant 0 : i32
    %scan3A_18 = arith.constant 125 : i32
    %scan3A_19 = arith.addi %scan3A_17, %scan3A_18 : i32
    %scan3A_20 = arith.constant 1 : i32
    %scan3A_21 = scf.for %scan3A_28 = %scan3A_17 to %scan3A_19 step %scan3A_20 iter_args(%scan3A_29 = %scan3A_16) -> (i32)  : i32 {
      "tpu.region"() ({
        %run_scoped3A = tpu.sem_alloc : memref<!tpu.dma_semaphore, #tpu.memory_space<semaphore_mem>>
        %dma_start3A = arith.constant 0 : i32
        %dma_start3A_31 = tpu.memref_slice %arg4[%scan3A_28, %dma_start3A] : memref<125x80xi32, #tpu.memory_space<vmem>> -> memref<1x80xi32, #tpu.memory_space<vmem>>
        %dma_start3A_32 = tpu.memref_squeeze %dma_start3A_31 : memref<1x80xi32, #tpu.memory_space<vmem>> -> memref<80xi32, #tpu.memory_space<vmem>>
        %dma_start3A_33 = arith.constant 0 : i32
        %dma_start3A_34 = tpu.memref_slice %arg7[%dma_start3A_33] : memref<10240xf32, #tpu.memory_space<vmem_shared>> -> memref<10240xf32, #tpu.memory_space<vmem_shared>>
        tpu.enqueue_indirect_dma source(%arg5 : memref<80xf32, #tpu.memory_space<vmem>>) target(%dma_start3A_34 : memref<10240xf32, #tpu.memory_space<vmem_shared>>) offsets(%dma_start3A_32 : memref<80xi32, #tpu.memory_space<vmem>>) semaphore(%run_scoped3A : memref<!tpu.dma_semaphore, #tpu.memory_space<semaphore_mem>>) {add = true}
        %dma_wait3A = arith.constant 0 : i32
        %dma_wait3A_35 = tpu.memref_slice %arg4[%scan3A_28, %dma_wait3A] : memref<125x80xi32, #tpu.memory_space<vmem>> -> memref<1x80xi32, #tpu.memory_space<vmem>>
        %dma_wait3A_36 = tpu.memref_squeeze %dma_wait3A_35 : memref<1x80xi32, #tpu.memory_space<vmem>> -> memref<80xi32, #tpu.memory_space<vmem>>
        %dma_wait3A_37 = arith.constant 0 : i32
        %dma_wait3A_38 = tpu.memref_slice %arg7[%dma_wait3A_37] : memref<10240xf32, #tpu.memory_space<vmem_shared>> -> memref<10240xf32, #tpu.memory_space<vmem_shared>>
        tpu.wait_indirect_dma semaphore(%run_scoped3A : memref<!tpu.dma_semaphore, #tpu.memory_space<semaphore_mem>>) src(%arg5 : memref<80xf32, #tpu.memory_space<vmem>>) dst(%dma_wait3A_38 : memref<10240xf32, #tpu.memory_space<vmem_shared>>)
        tpu.yield
      }) : () -> ()
      %scan3A_30 = arith.constant 0 : i32
      scf.yield %scan3A_30 : i32
    }
    %scan3A_22 = arith.constant 125 : i32
    %barrier3A_23 = arith.constant 0 : index
    tpu.barrier barrier_id(%barrier3A_23)
    %mul3A_24 = arith.constant 640 : i32
    %mul3A_25 = arith.muli %arg1, %mul3A_24 : i32
    "tpu.region"() ({
      %run_scoped3A = tpu.sem_alloc : memref<!tpu.dma_semaphore, #tpu.memory_space<semaphore_mem>>
      %dma_start3A = tpu.memref_slice %arg7[%mul3A_25] : memref<10240xf32, #tpu.memory_space<vmem_shared>> -> memref<640xf32, #tpu.memory_space<vmem_shared>>
      %dma_start3A_28 = tpu.memref_slice %arg7[%mul3A_25] : memref<10240xf32, #tpu.memory_space<vmem_shared>> -> memref<640xf32, #tpu.memory_space<vmem_shared>>
      tpu.enqueue_dma source(%dma_start3A_28 : memref<640xf32, #tpu.memory_space<vmem_shared>>) target(%arg6 : memref<640xf32, #tpu.memory_space<vmem>>) target_semaphore(%run_scoped3A : memref<!tpu.dma_semaphore, #tpu.memory_space<semaphore_mem>>)
      %dma_wait3A = tpu.memref_slice %arg7[%mul3A_25] : memref<10240xf32, #tpu.memory_space<vmem_shared>> -> memref<640xf32, #tpu.memory_space<vmem_shared>>
      %dma_wait3A_29 = tpu.memref_slice %arg7[%mul3A_25] : memref<10240xf32, #tpu.memory_space<vmem_shared>> -> memref<640xf32, #tpu.memory_space<vmem_shared>>
      tpu.wait_dma2 semaphore(%run_scoped3A : memref<!tpu.dma_semaphore, #tpu.memory_space<semaphore_mem>>) src(%dma_wait3A_29 : memref<640xf32, #tpu.memory_space<vmem_shared>>) dst(%arg6 : memref<640xf32, #tpu.memory_space<vmem>>)
      tpu.yield
    }) : () -> ()
    %mul3A_26 = arith.constant 640 : i32
    %mul3A_27 = arith.muli %arg1, %mul3A_26 : i32
    "tpu.region"() ({
      %run_scoped3A = tpu.sem_alloc : memref<!tpu.dma_semaphore, #tpu.memory_space<semaphore_mem>>
      %dma_start3A = tpu.memref_slice %arg3[%arg0, %mul3A_27] : memref<2x10240xf32, #tpu.memory_space<hbm>> -> memref<1x640xf32, #tpu.memory_space<hbm>>
      %dma_start3A_28 = tpu.memref_squeeze %dma_start3A : memref<1x640xf32, #tpu.memory_space<hbm>> -> memref<640xf32, #tpu.memory_space<hbm>>
      %dma_start3A_29 = tpu.memref_slice %arg3[%arg0, %mul3A_27] : memref<2x10240xf32, #tpu.memory_space<hbm>> -> memref<1x640xf32, #tpu.memory_space<hbm>>
      %dma_start3A_30 = tpu.memref_squeeze %dma_start3A_29 : memref<1x640xf32, #tpu.memory_space<hbm>> -> memref<640xf32, #tpu.memory_space<hbm>>
      tpu.enqueue_dma source(%arg6 : memref<640xf32, #tpu.memory_space<vmem>>) target(%dma_start3A_30 : memref<640xf32, #tpu.memory_space<hbm>>) target_semaphore(%run_scoped3A : memref<!tpu.dma_semaphore, #tpu.memory_space<semaphore_mem>>)
      %dma_wait3A = tpu.memref_slice %arg3[%arg0, %mul3A_27] : memref<2x10240xf32, #tpu.memory_space<hbm>> -> memref<1x640xf32, #tpu.memory_space<hbm>>
      %dma_wait3A_31 = tpu.memref_squeeze %dma_wait3A : memref<1x640xf32, #tpu.memory_space<hbm>> -> memref<640xf32, #tpu.memory_space<hbm>>
      %dma_wait3A_32 = tpu.memref_slice %arg3[%arg0, %mul3A_27] : memref<2x10240xf32, #tpu.memory_space<hbm>> -> memref<1x640xf32, #tpu.memory_space<hbm>>
      %dma_wait3A_33 = tpu.memref_squeeze %dma_wait3A_32 : memref<1x640xf32, #tpu.memory_space<hbm>> -> memref<640xf32, #tpu.memory_space<hbm>>
      tpu.wait_dma2 semaphore(%run_scoped3A : memref<!tpu.dma_semaphore, #tpu.memory_space<semaphore_mem>>) src(%arg6 : memref<640xf32, #tpu.memory_space<vmem>>) dst(%dma_wait3A_33 : memref<640xf32, #tpu.memory_space<hbm>>)
      tpu.yield
    }) : () -> ()
    return
  }
}

#map = affine_map<(d0, d1) -> (0, 0)>
#map1 = affine_map<(d0, d1) -> (0, 0, 0, 0)>
#map2 = affine_map<(d0, d1) -> (0, 0, 0)>
module attributes {stable_mosaic.version = 14 : i64} {
  func.func @_sc_agg_body(%arg0: i32, %arg1: i32, %arg2: memref<10000x128xf32, #tpu.memory_space<hbm>>, %arg3: memref<32x5x40x50xi32, #tpu.memory_space<hbm>>, %arg4: memref<32x5x40x50xi32, #tpu.memory_space<hbm>>, %arg5: memref<640x128xf32, #tpu.memory_space<hbm>>, %arg6: memref<2x10240x128xf32, #tpu.memory_space<hbm>>, %arg7: memref<40x50xi32, #tpu.memory_space<vmem>>, %arg8: memref<40x50xi32, #tpu.memory_space<vmem>>, %arg9: memref<50x128xf32, #tpu.memory_space<vmem>>, %arg10: memref<50x128xf32, #tpu.memory_space<vmem>>, %arg11: memref<50x128xf32, #tpu.memory_space<vmem>>, %arg12: memref<50x128xf32, #tpu.memory_space<vmem>>, %arg13: memref<10240x128xf32, #tpu.memory_space<vmem_shared>>, %arg14: memref<!tpu.dma_semaphore, #tpu.memory_space<semaphore_mem>>, %arg15: memref<!tpu.dma_semaphore, #tpu.memory_space<semaphore_mem>>, %arg16: memref<!tpu.dma_semaphore, #tpu.memory_space<semaphore_mem>>, %arg17: memref<!tpu.dma_semaphore, #tpu.memory_space<semaphore_mem>>, %arg18: memref<!tpu.dma_semaphore, #tpu.memory_space<semaphore_mem>>, %arg19: memref<!tpu.dma_semaphore, #tpu.memory_space<semaphore_mem>>, %arg20: memref<!tpu.dma_semaphore, #tpu.memory_space<semaphore_mem>>, %arg21: memref<!tpu.dma_semaphore, #tpu.memory_space<semaphore_mem>>) attributes {dimension_semantics = [#tpu.dimension_semantics<core_parallel>, #tpu.dimension_semantics<subcore_parallel>], iteration_bounds = array<i64: 2, 16>, scalar_prefetch = 0 : i64, scratch_operands = 15 : i64, tpu.core_type = #tpu.core_type<sc_vector_subcore>, window_params = [{transform_indices = #map}, {transform_indices = #map1}, {transform_indices = #map1}, {transform_indices = #map}, {transform_indices = #map2}]} {
    %mul3A = arith.constant 2 : i32
    %mul3A_0 = arith.muli %arg1, %mul3A : i32
    %add3A = arith.addi %mul3A_0, %arg0 : i32
    %mul3A_1 = arith.constant 640 : i32
    %mul3A_2 = arith.muli %arg1, %mul3A_1 : i32
    "tpu.region"() ({
      %run_scoped3A = tpu.sem_alloc : memref<!tpu.dma_semaphore, #tpu.memory_space<semaphore_mem>>
      %dma_start3A = arith.constant 0 : i32
      %dma_start3A_41 = tpu.memref_slice %arg13[%mul3A_2, %dma_start3A] : memref<10240x128xf32, #tpu.memory_space<vmem_shared>> -> memref<640x128xf32, #tpu.memory_space<vmem_shared>>
      tpu.enqueue_dma source(%arg5 : memref<640x128xf32, #tpu.memory_space<hbm>>) target(%dma_start3A_41 : memref<640x128xf32, #tpu.memory_space<vmem_shared>>) target_semaphore(%run_scoped3A : memref<!tpu.dma_semaphore, #tpu.memory_space<semaphore_mem>>)
      %dma_wait3A_42 = arith.constant 0 : i32
      %dma_wait3A_43 = tpu.memref_slice %arg13[%mul3A_2, %dma_wait3A_42] : memref<10240x128xf32, #tpu.memory_space<vmem_shared>> -> memref<640x128xf32, #tpu.memory_space<vmem_shared>>
      tpu.wait_dma2 semaphore(%run_scoped3A : memref<!tpu.dma_semaphore, #tpu.memory_space<semaphore_mem>>) src(%arg5 : memref<640x128xf32, #tpu.memory_space<hbm>>) dst(%dma_wait3A_43 : memref<640x128xf32, #tpu.memory_space<vmem_shared>>)
      tpu.yield
    }) : () -> ()
    %barrier3A = arith.constant 0 : index
    tpu.barrier barrier_id(%barrier3A)
    %scan3A = arith.constant 0 : i32
    %scan3A_3 = arith.constant 0 : i32
    %scan3A_4 = arith.constant 5 : i32
    %scan3A_5 = arith.addi %scan3A_3, %scan3A_4 : i32
    %scan3A_6 = arith.constant 1 : i32
    %scan3A_7 = scf.for %scan3A_41 = %scan3A_3 to %scan3A_5 step %scan3A_6 iter_args(%scan3A_42 = %scan3A) -> (i32)  : i32 {
      %gt3A = arith.constant 0 : i32
      %gt3A_43 = arith.cmpi sgt, %scan3A_41, %gt3A : i32
      %convert_element_type3A = arith.extui %gt3A_43 : i1 to i32
      %cond3A = arith.constant 0 : i32
      %cond3A_44 = arith.cmpi ne, %convert_element_type3A, %cond3A : i32
      scf.if %cond3A_44 {
        %dma_wait3A_53 = arith.constant 0 : i32
        %dma_wait3A_54 = arith.constant 0 : i32
        %dma_wait3A_55 = tpu.memref_slice %arg8[%dma_wait3A_53, %dma_wait3A_54] : memref<40x50xi32, #tpu.memory_space<vmem>> -> memref<1x50xi32, #tpu.memory_space<vmem>>
        %dma_wait3A_56 = tpu.memref_squeeze %dma_wait3A_55 : memref<1x50xi32, #tpu.memory_space<vmem>> -> memref<50xi32, #tpu.memory_space<vmem>>
        %dma_wait3A_57 = arith.constant 0 : i32
        %dma_wait3A_58 = arith.constant 0 : i32
        %dma_wait3A_59 = tpu.memref_slice %arg13[%dma_wait3A_57, %dma_wait3A_58] : memref<10240x128xf32, #tpu.memory_space<vmem_shared>> -> memref<10240x128xf32, #tpu.memory_space<vmem_shared>>
        tpu.wait_indirect_dma semaphore(%arg18 : memref<!tpu.dma_semaphore, #tpu.memory_space<semaphore_mem>>) src(%arg9 : memref<50x128xf32, #tpu.memory_space<vmem>>) dst(%dma_wait3A_59 : memref<10240x128xf32, #tpu.memory_space<vmem_shared>>)
        %dma_wait3A_60 = arith.constant 0 : i32
        %dma_wait3A_61 = arith.constant 0 : i32
        %dma_wait3A_62 = tpu.memref_slice %arg8[%dma_wait3A_60, %dma_wait3A_61] : memref<40x50xi32, #tpu.memory_space<vmem>> -> memref<1x50xi32, #tpu.memory_space<vmem>>
        %dma_wait3A_63 = tpu.memref_squeeze %dma_wait3A_62 : memref<1x50xi32, #tpu.memory_space<vmem>> -> memref<50xi32, #tpu.memory_space<vmem>>
        %dma_wait3A_64 = arith.constant 0 : i32
        %dma_wait3A_65 = arith.constant 0 : i32
        %dma_wait3A_66 = tpu.memref_slice %arg13[%dma_wait3A_64, %dma_wait3A_65] : memref<10240x128xf32, #tpu.memory_space<vmem_shared>> -> memref<10240x128xf32, #tpu.memory_space<vmem_shared>>
        tpu.wait_indirect_dma semaphore(%arg19 : memref<!tpu.dma_semaphore, #tpu.memory_space<semaphore_mem>>) src(%arg10 : memref<50x128xf32, #tpu.memory_space<vmem>>) dst(%dma_wait3A_66 : memref<10240x128xf32, #tpu.memory_space<vmem_shared>>)
        %dma_wait3A_67 = arith.constant 0 : i32
        %dma_wait3A_68 = arith.constant 0 : i32
        %dma_wait3A_69 = tpu.memref_slice %arg8[%dma_wait3A_67, %dma_wait3A_68] : memref<40x50xi32, #tpu.memory_space<vmem>> -> memref<1x50xi32, #tpu.memory_space<vmem>>
        %dma_wait3A_70 = tpu.memref_squeeze %dma_wait3A_69 : memref<1x50xi32, #tpu.memory_space<vmem>> -> memref<50xi32, #tpu.memory_space<vmem>>
        %dma_wait3A_71 = arith.constant 0 : i32
        %dma_wait3A_72 = arith.constant 0 : i32
        %dma_wait3A_73 = tpu.memref_slice %arg13[%dma_wait3A_71, %dma_wait3A_72] : memref<10240x128xf32, #tpu.memory_space<vmem_shared>> -> memref<10240x128xf32, #tpu.memory_space<vmem_shared>>
        tpu.wait_indirect_dma semaphore(%arg20 : memref<!tpu.dma_semaphore, #tpu.memory_space<semaphore_mem>>) src(%arg11 : memref<50x128xf32, #tpu.memory_space<vmem>>) dst(%dma_wait3A_73 : memref<10240x128xf32, #tpu.memory_space<vmem_shared>>)
        %dma_wait3A_74 = arith.constant 0 : i32
        %dma_wait3A_75 = arith.constant 0 : i32
        %dma_wait3A_76 = tpu.memref_slice %arg8[%dma_wait3A_74, %dma_wait3A_75] : memref<40x50xi32, #tpu.memory_space<vmem>> -> memref<1x50xi32, #tpu.memory_space<vmem>>
        %dma_wait3A_77 = tpu.memref_squeeze %dma_wait3A_76 : memref<1x50xi32, #tpu.memory_space<vmem>> -> memref<50xi32, #tpu.memory_space<vmem>>
        %dma_wait3A_78 = arith.constant 0 : i32
        %dma_wait3A_79 = arith.constant 0 : i32
        %dma_wait3A_80 = tpu.memref_slice %arg13[%dma_wait3A_78, %dma_wait3A_79] : memref<10240x128xf32, #tpu.memory_space<vmem_shared>> -> memref<10240x128xf32, #tpu.memory_space<vmem_shared>>
        tpu.wait_indirect_dma semaphore(%arg21 : memref<!tpu.dma_semaphore, #tpu.memory_space<semaphore_mem>>) src(%arg12 : memref<50x128xf32, #tpu.memory_space<vmem>>) dst(%dma_wait3A_80 : memref<10240x128xf32, #tpu.memory_space<vmem_shared>>)
      } else {
      }
      "tpu.region"() ({
        %run_scoped3A = tpu.sem_alloc : memref<!tpu.dma_semaphore, #tpu.memory_space<semaphore_mem>>
        %dma_start3A = arith.constant 0 : i32
        %dma_start3A_53 = arith.constant 0 : i32
        %dma_start3A_54 = tpu.memref_slice %arg3[%add3A, %scan3A_41, %dma_start3A, %dma_start3A_53] : memref<32x5x40x50xi32, #tpu.memory_space<hbm>> -> memref<1x1x40x50xi32, #tpu.memory_space<hbm>>
        %dma_start3A_55 = tpu.memref_squeeze %dma_start3A_54 : memref<1x1x40x50xi32, #tpu.memory_space<hbm>> -> memref<40x50xi32, #tpu.memory_space<hbm>>
        %dma_start3A_56 = arith.constant 0 : i32
        %dma_start3A_57 = arith.constant 0 : i32
        %dma_start3A_58 = tpu.memref_slice %arg3[%add3A, %scan3A_41, %dma_start3A_56, %dma_start3A_57] : memref<32x5x40x50xi32, #tpu.memory_space<hbm>> -> memref<1x1x40x50xi32, #tpu.memory_space<hbm>>
        %dma_start3A_59 = tpu.memref_squeeze %dma_start3A_58 : memref<1x1x40x50xi32, #tpu.memory_space<hbm>> -> memref<40x50xi32, #tpu.memory_space<hbm>>
        tpu.enqueue_dma source(%dma_start3A_59 : memref<40x50xi32, #tpu.memory_space<hbm>>) target(%arg7 : memref<40x50xi32, #tpu.memory_space<vmem>>) target_semaphore(%run_scoped3A : memref<!tpu.dma_semaphore, #tpu.memory_space<semaphore_mem>>)
        %dma_wait3A_60 = arith.constant 0 : i32
        %dma_wait3A_61 = arith.constant 0 : i32
        %dma_wait3A_62 = tpu.memref_slice %arg3[%add3A, %scan3A_41, %dma_wait3A_60, %dma_wait3A_61] : memref<32x5x40x50xi32, #tpu.memory_space<hbm>> -> memref<1x1x40x50xi32, #tpu.memory_space<hbm>>
        %dma_wait3A_63 = tpu.memref_squeeze %dma_wait3A_62 : memref<1x1x40x50xi32, #tpu.memory_space<hbm>> -> memref<40x50xi32, #tpu.memory_space<hbm>>
        %dma_wait3A_64 = arith.constant 0 : i32
        %dma_wait3A_65 = arith.constant 0 : i32
        %dma_wait3A_66 = tpu.memref_slice %arg3[%add3A, %scan3A_41, %dma_wait3A_64, %dma_wait3A_65] : memref<32x5x40x50xi32, #tpu.memory_space<hbm>> -> memref<1x1x40x50xi32, #tpu.memory_space<hbm>>
        %dma_wait3A_67 = tpu.memref_squeeze %dma_wait3A_66 : memref<1x1x40x50xi32, #tpu.memory_space<hbm>> -> memref<40x50xi32, #tpu.memory_space<hbm>>
        tpu.wait_dma2 semaphore(%run_scoped3A : memref<!tpu.dma_semaphore, #tpu.memory_space<semaphore_mem>>) src(%dma_wait3A_67 : memref<40x50xi32, #tpu.memory_space<hbm>>) dst(%arg7 : memref<40x50xi32, #tpu.memory_space<vmem>>)
        tpu.yield
      }) : () -> ()
      "tpu.region"() ({
        %run_scoped3A = tpu.sem_alloc : memref<!tpu.dma_semaphore, #tpu.memory_space<semaphore_mem>>
        %dma_start3A = arith.constant 0 : i32
        %dma_start3A_53 = arith.constant 0 : i32
        %dma_start3A_54 = tpu.memref_slice %arg4[%add3A, %scan3A_41, %dma_start3A, %dma_start3A_53] : memref<32x5x40x50xi32, #tpu.memory_space<hbm>> -> memref<1x1x40x50xi32, #tpu.memory_space<hbm>>
        %dma_start3A_55 = tpu.memref_squeeze %dma_start3A_54 : memref<1x1x40x50xi32, #tpu.memory_space<hbm>> -> memref<40x50xi32, #tpu.memory_space<hbm>>
        %dma_start3A_56 = arith.constant 0 : i32
        %dma_start3A_57 = arith.constant 0 : i32
        %dma_start3A_58 = tpu.memref_slice %arg4[%add3A, %scan3A_41, %dma_start3A_56, %dma_start3A_57] : memref<32x5x40x50xi32, #tpu.memory_space<hbm>> -> memref<1x1x40x50xi32, #tpu.memory_space<hbm>>
        %dma_start3A_59 = tpu.memref_squeeze %dma_start3A_58 : memref<1x1x40x50xi32, #tpu.memory_space<hbm>> -> memref<40x50xi32, #tpu.memory_space<hbm>>
        tpu.enqueue_dma source(%dma_start3A_59 : memref<40x50xi32, #tpu.memory_space<hbm>>) target(%arg8 : memref<40x50xi32, #tpu.memory_space<vmem>>) target_semaphore(%run_scoped3A : memref<!tpu.dma_semaphore, #tpu.memory_space<semaphore_mem>>)
        %dma_wait3A_60 = arith.constant 0 : i32
        %dma_wait3A_61 = arith.constant 0 : i32
        %dma_wait3A_62 = tpu.memref_slice %arg4[%add3A, %scan3A_41, %dma_wait3A_60, %dma_wait3A_61] : memref<32x5x40x50xi32, #tpu.memory_space<hbm>> -> memref<1x1x40x50xi32, #tpu.memory_space<hbm>>
        %dma_wait3A_63 = tpu.memref_squeeze %dma_wait3A_62 : memref<1x1x40x50xi32, #tpu.memory_space<hbm>> -> memref<40x50xi32, #tpu.memory_space<hbm>>
        %dma_wait3A_64 = arith.constant 0 : i32
        %dma_wait3A_65 = arith.constant 0 : i32
        %dma_wait3A_66 = tpu.memref_slice %arg4[%add3A, %scan3A_41, %dma_wait3A_64, %dma_wait3A_65] : memref<32x5x40x50xi32, #tpu.memory_space<hbm>> -> memref<1x1x40x50xi32, #tpu.memory_space<hbm>>
        %dma_wait3A_67 = tpu.memref_squeeze %dma_wait3A_66 : memref<1x1x40x50xi32, #tpu.memory_space<hbm>> -> memref<40x50xi32, #tpu.memory_space<hbm>>
        tpu.wait_dma2 semaphore(%run_scoped3A : memref<!tpu.dma_semaphore, #tpu.memory_space<semaphore_mem>>) src(%dma_wait3A_67 : memref<40x50xi32, #tpu.memory_space<hbm>>) dst(%arg8 : memref<40x50xi32, #tpu.memory_space<vmem>>)
        tpu.yield
      }) : () -> ()
      %scan3A_45 = arith.constant 0 : i32
      %scan3A_46 = arith.constant 0 : i32
      %scan3A_47 = arith.constant 10 : i32
      %scan3A_48 = arith.addi %scan3A_46, %scan3A_47 : i32
      %scan3A_49 = arith.constant 1 : i32
      %scan3A_50 = scf.for %scan3A_53 = %scan3A_46 to %scan3A_48 step %scan3A_49 iter_args(%scan3A_54 = %scan3A_45) -> (i32)  : i32 {
        %gt3A_55 = arith.constant 0 : i32
        %gt3A_56 = arith.cmpi sgt, %scan3A_53, %gt3A_55 : i32
        %convert_element_type3A_57 = arith.extui %gt3A_56 : i1 to i32
        %cond3A_58 = arith.constant 0 : i32
        %cond3A_59 = arith.cmpi ne, %convert_element_type3A_57, %cond3A_58 : i32
        scf.if %cond3A_59 {
          %dma_wait3A_183 = arith.constant 0 : i32
          %dma_wait3A_184 = arith.constant 0 : i32
          %dma_wait3A_185 = tpu.memref_slice %arg8[%dma_wait3A_183, %dma_wait3A_184] : memref<40x50xi32, #tpu.memory_space<vmem>> -> memref<1x50xi32, #tpu.memory_space<vmem>>
          %dma_wait3A_186 = tpu.memref_squeeze %dma_wait3A_185 : memref<1x50xi32, #tpu.memory_space<vmem>> -> memref<50xi32, #tpu.memory_space<vmem>>
          %dma_wait3A_187 = arith.constant 0 : i32
          %dma_wait3A_188 = arith.constant 0 : i32
          %dma_wait3A_189 = tpu.memref_slice %arg13[%dma_wait3A_187, %dma_wait3A_188] : memref<10240x128xf32, #tpu.memory_space<vmem_shared>> -> memref<10240x128xf32, #tpu.memory_space<vmem_shared>>
          tpu.wait_indirect_dma semaphore(%arg18 : memref<!tpu.dma_semaphore, #tpu.memory_space<semaphore_mem>>) src(%arg9 : memref<50x128xf32, #tpu.memory_space<vmem>>) dst(%dma_wait3A_189 : memref<10240x128xf32, #tpu.memory_space<vmem_shared>>)
        } else {
        }
        %mul3A_60 = arith.constant 4 : i32
        %mul3A_61 = arith.muli %mul3A_60, %scan3A_53 : i32
        %add3A_62 = arith.constant 0 : i32
        %add3A_63 = arith.addi %mul3A_61, %add3A_62 : i32
        %dma_start3A = arith.constant 0 : i32
        %dma_start3A_64 = tpu.memref_slice %arg7[%add3A_63, %dma_start3A] : memref<40x50xi32, #tpu.memory_space<vmem>> -> memref<1x50xi32, #tpu.memory_space<vmem>>
        %dma_start3A_65 = tpu.memref_squeeze %dma_start3A_64 : memref<1x50xi32, #tpu.memory_space<vmem>> -> memref<50xi32, #tpu.memory_space<vmem>>
        %dma_start3A_66 = arith.constant 0 : i32
        %dma_start3A_67 = arith.constant 0 : i32
        %dma_start3A_68 = tpu.memref_slice %arg2[%dma_start3A_66, %dma_start3A_67] : memref<10000x128xf32, #tpu.memory_space<hbm>> -> memref<10000x128xf32, #tpu.memory_space<hbm>>
        tpu.enqueue_indirect_dma source(%dma_start3A_68 : memref<10000x128xf32, #tpu.memory_space<hbm>>) target(%arg9 : memref<50x128xf32, #tpu.memory_space<vmem>>) offsets(%dma_start3A_65 : memref<50xi32, #tpu.memory_space<vmem>>) semaphore(%arg14 : memref<!tpu.dma_semaphore, #tpu.memory_space<semaphore_mem>>)
        %gt3A_69 = arith.constant 0 : i32
        %gt3A_70 = arith.cmpi sgt, %scan3A_53, %gt3A_69 : i32
        %convert_element_type3A_71 = arith.extui %gt3A_70 : i1 to i32
        %cond3A_72 = arith.constant 0 : i32
        %cond3A_73 = arith.cmpi ne, %convert_element_type3A_71, %cond3A_72 : i32
        scf.if %cond3A_73 {
          %dma_wait3A_183 = arith.constant 0 : i32
          %dma_wait3A_184 = arith.constant 0 : i32
          %dma_wait3A_185 = tpu.memref_slice %arg8[%dma_wait3A_183, %dma_wait3A_184] : memref<40x50xi32, #tpu.memory_space<vmem>> -> memref<1x50xi32, #tpu.memory_space<vmem>>
          %dma_wait3A_186 = tpu.memref_squeeze %dma_wait3A_185 : memref<1x50xi32, #tpu.memory_space<vmem>> -> memref<50xi32, #tpu.memory_space<vmem>>
          %dma_wait3A_187 = arith.constant 0 : i32
          %dma_wait3A_188 = arith.constant 0 : i32
          %dma_wait3A_189 = tpu.memref_slice %arg13[%dma_wait3A_187, %dma_wait3A_188] : memref<10240x128xf32, #tpu.memory_space<vmem_shared>> -> memref<10240x128xf32, #tpu.memory_space<vmem_shared>>
          tpu.wait_indirect_dma semaphore(%arg19 : memref<!tpu.dma_semaphore, #tpu.memory_space<semaphore_mem>>) src(%arg10 : memref<50x128xf32, #tpu.memory_space<vmem>>) dst(%dma_wait3A_189 : memref<10240x128xf32, #tpu.memory_space<vmem_shared>>)
        } else {
        }
        %mul3A_74 = arith.constant 4 : i32
        %mul3A_75 = arith.muli %mul3A_74, %scan3A_53 : i32
        %add3A_76 = arith.constant 1 : i32
        %add3A_77 = arith.addi %mul3A_75, %add3A_76 : i32
        %dma_start3A_78 = arith.constant 0 : i32
        %dma_start3A_79 = tpu.memref_slice %arg7[%add3A_77, %dma_start3A_78] : memref<40x50xi32, #tpu.memory_space<vmem>> -> memref<1x50xi32, #tpu.memory_space<vmem>>
        %dma_start3A_80 = tpu.memref_squeeze %dma_start3A_79 : memref<1x50xi32, #tpu.memory_space<vmem>> -> memref<50xi32, #tpu.memory_space<vmem>>
        %dma_start3A_81 = arith.constant 0 : i32
        %dma_start3A_82 = arith.constant 0 : i32
        %dma_start3A_83 = tpu.memref_slice %arg2[%dma_start3A_81, %dma_start3A_82] : memref<10000x128xf32, #tpu.memory_space<hbm>> -> memref<10000x128xf32, #tpu.memory_space<hbm>>
        tpu.enqueue_indirect_dma source(%dma_start3A_83 : memref<10000x128xf32, #tpu.memory_space<hbm>>) target(%arg10 : memref<50x128xf32, #tpu.memory_space<vmem>>) offsets(%dma_start3A_80 : memref<50xi32, #tpu.memory_space<vmem>>) semaphore(%arg15 : memref<!tpu.dma_semaphore, #tpu.memory_space<semaphore_mem>>)
        %gt3A_84 = arith.constant 0 : i32
        %gt3A_85 = arith.cmpi sgt, %scan3A_53, %gt3A_84 : i32
        %convert_element_type3A_86 = arith.extui %gt3A_85 : i1 to i32
        %cond3A_87 = arith.constant 0 : i32
        %cond3A_88 = arith.cmpi ne, %convert_element_type3A_86, %cond3A_87 : i32
        scf.if %cond3A_88 {
          %dma_wait3A_183 = arith.constant 0 : i32
          %dma_wait3A_184 = arith.constant 0 : i32
          %dma_wait3A_185 = tpu.memref_slice %arg8[%dma_wait3A_183, %dma_wait3A_184] : memref<40x50xi32, #tpu.memory_space<vmem>> -> memref<1x50xi32, #tpu.memory_space<vmem>>
          %dma_wait3A_186 = tpu.memref_squeeze %dma_wait3A_185 : memref<1x50xi32, #tpu.memory_space<vmem>> -> memref<50xi32, #tpu.memory_space<vmem>>
          %dma_wait3A_187 = arith.constant 0 : i32
          %dma_wait3A_188 = arith.constant 0 : i32
          %dma_wait3A_189 = tpu.memref_slice %arg13[%dma_wait3A_187, %dma_wait3A_188] : memref<10240x128xf32, #tpu.memory_space<vmem_shared>> -> memref<10240x128xf32, #tpu.memory_space<vmem_shared>>
          tpu.wait_indirect_dma semaphore(%arg20 : memref<!tpu.dma_semaphore, #tpu.memory_space<semaphore_mem>>) src(%arg11 : memref<50x128xf32, #tpu.memory_space<vmem>>) dst(%dma_wait3A_189 : memref<10240x128xf32, #tpu.memory_space<vmem_shared>>)
        } else {
        }
        %mul3A_89 = arith.constant 4 : i32
        %mul3A_90 = arith.muli %mul3A_89, %scan3A_53 : i32
        %add3A_91 = arith.constant 2 : i32
        %add3A_92 = arith.addi %mul3A_90, %add3A_91 : i32
        %dma_start3A_93 = arith.constant 0 : i32
        %dma_start3A_94 = tpu.memref_slice %arg7[%add3A_92, %dma_start3A_93] : memref<40x50xi32, #tpu.memory_space<vmem>> -> memref<1x50xi32, #tpu.memory_space<vmem>>
        %dma_start3A_95 = tpu.memref_squeeze %dma_start3A_94 : memref<1x50xi32, #tpu.memory_space<vmem>> -> memref<50xi32, #tpu.memory_space<vmem>>
        %dma_start3A_96 = arith.constant 0 : i32
        %dma_start3A_97 = arith.constant 0 : i32
        %dma_start3A_98 = tpu.memref_slice %arg2[%dma_start3A_96, %dma_start3A_97] : memref<10000x128xf32, #tpu.memory_space<hbm>> -> memref<10000x128xf32, #tpu.memory_space<hbm>>
        tpu.enqueue_indirect_dma source(%dma_start3A_98 : memref<10000x128xf32, #tpu.memory_space<hbm>>) target(%arg11 : memref<50x128xf32, #tpu.memory_space<vmem>>) offsets(%dma_start3A_95 : memref<50xi32, #tpu.memory_space<vmem>>) semaphore(%arg16 : memref<!tpu.dma_semaphore, #tpu.memory_space<semaphore_mem>>)
        %gt3A_99 = arith.constant 0 : i32
        %gt3A_100 = arith.cmpi sgt, %scan3A_53, %gt3A_99 : i32
        %convert_element_type3A_101 = arith.extui %gt3A_100 : i1 to i32
        %cond3A_102 = arith.constant 0 : i32
        %cond3A_103 = arith.cmpi ne, %convert_element_type3A_101, %cond3A_102 : i32
        scf.if %cond3A_103 {
          %dma_wait3A_183 = arith.constant 0 : i32
          %dma_wait3A_184 = arith.constant 0 : i32
          %dma_wait3A_185 = tpu.memref_slice %arg8[%dma_wait3A_183, %dma_wait3A_184] : memref<40x50xi32, #tpu.memory_space<vmem>> -> memref<1x50xi32, #tpu.memory_space<vmem>>
          %dma_wait3A_186 = tpu.memref_squeeze %dma_wait3A_185 : memref<1x50xi32, #tpu.memory_space<vmem>> -> memref<50xi32, #tpu.memory_space<vmem>>
          %dma_wait3A_187 = arith.constant 0 : i32
          %dma_wait3A_188 = arith.constant 0 : i32
          %dma_wait3A_189 = tpu.memref_slice %arg13[%dma_wait3A_187, %dma_wait3A_188] : memref<10240x128xf32, #tpu.memory_space<vmem_shared>> -> memref<10240x128xf32, #tpu.memory_space<vmem_shared>>
          tpu.wait_indirect_dma semaphore(%arg21 : memref<!tpu.dma_semaphore, #tpu.memory_space<semaphore_mem>>) src(%arg12 : memref<50x128xf32, #tpu.memory_space<vmem>>) dst(%dma_wait3A_189 : memref<10240x128xf32, #tpu.memory_space<vmem_shared>>)
        } else {
        }
        %mul3A_104 = arith.constant 4 : i32
        %mul3A_105 = arith.muli %mul3A_104, %scan3A_53 : i32
        %add3A_106 = arith.constant 3 : i32
        %add3A_107 = arith.addi %mul3A_105, %add3A_106 : i32
        %dma_start3A_108 = arith.constant 0 : i32
        %dma_start3A_109 = tpu.memref_slice %arg7[%add3A_107, %dma_start3A_108] : memref<40x50xi32, #tpu.memory_space<vmem>> -> memref<1x50xi32, #tpu.memory_space<vmem>>
        %dma_start3A_110 = tpu.memref_squeeze %dma_start3A_109 : memref<1x50xi32, #tpu.memory_space<vmem>> -> memref<50xi32, #tpu.memory_space<vmem>>
        %dma_start3A_111 = arith.constant 0 : i32
        %dma_start3A_112 = arith.constant 0 : i32
        %dma_start3A_113 = tpu.memref_slice %arg2[%dma_start3A_111, %dma_start3A_112] : memref<10000x128xf32, #tpu.memory_space<hbm>> -> memref<10000x128xf32, #tpu.memory_space<hbm>>
        tpu.enqueue_indirect_dma source(%dma_start3A_113 : memref<10000x128xf32, #tpu.memory_space<hbm>>) target(%arg12 : memref<50x128xf32, #tpu.memory_space<vmem>>) offsets(%dma_start3A_110 : memref<50xi32, #tpu.memory_space<vmem>>) semaphore(%arg17 : memref<!tpu.dma_semaphore, #tpu.memory_space<semaphore_mem>>)
        %dma_wait3A_114 = arith.constant 0 : i32
        %dma_wait3A_115 = arith.constant 0 : i32
        %dma_wait3A_116 = tpu.memref_slice %arg7[%dma_wait3A_114, %dma_wait3A_115] : memref<40x50xi32, #tpu.memory_space<vmem>> -> memref<1x50xi32, #tpu.memory_space<vmem>>
        %dma_wait3A_117 = tpu.memref_squeeze %dma_wait3A_116 : memref<1x50xi32, #tpu.memory_space<vmem>> -> memref<50xi32, #tpu.memory_space<vmem>>
        %dma_wait3A_118 = arith.constant 0 : i32
        %dma_wait3A_119 = arith.constant 0 : i32
        %dma_wait3A_120 = tpu.memref_slice %arg2[%dma_wait3A_118, %dma_wait3A_119] : memref<10000x128xf32, #tpu.memory_space<hbm>> -> memref<10000x128xf32, #tpu.memory_space<hbm>>
        tpu.wait_indirect_dma semaphore(%arg14 : memref<!tpu.dma_semaphore, #tpu.memory_space<semaphore_mem>>) src(%dma_wait3A_120 : memref<10000x128xf32, #tpu.memory_space<hbm>>) dst(%arg9 : memref<50x128xf32, #tpu.memory_space<vmem>>)
        %mul3A_121 = arith.constant 4 : i32
        %mul3A_122 = arith.muli %mul3A_121, %scan3A_53 : i32
        %add3A_123 = arith.constant 0 : i32
        %add3A_124 = arith.addi %mul3A_122, %add3A_123 : i32
        %dma_start3A_125 = arith.constant 0 : i32
        %dma_start3A_126 = tpu.memref_slice %arg8[%add3A_124, %dma_start3A_125] : memref<40x50xi32, #tpu.memory_space<vmem>> -> memref<1x50xi32, #tpu.memory_space<vmem>>
        %dma_start3A_127 = tpu.memref_squeeze %dma_start3A_126 : memref<1x50xi32, #tpu.memory_space<vmem>> -> memref<50xi32, #tpu.memory_space<vmem>>
        %dma_start3A_128 = arith.constant 0 : i32
        %dma_start3A_129 = arith.constant 0 : i32
        %dma_start3A_130 = tpu.memref_slice %arg13[%dma_start3A_128, %dma_start3A_129] : memref<10240x128xf32, #tpu.memory_space<vmem_shared>> -> memref<10240x128xf32, #tpu.memory_space<vmem_shared>>
        tpu.enqueue_indirect_dma source(%arg9 : memref<50x128xf32, #tpu.memory_space<vmem>>) target(%dma_start3A_130 : memref<10240x128xf32, #tpu.memory_space<vmem_shared>>) offsets(%dma_start3A_127 : memref<50xi32, #tpu.memory_space<vmem>>) semaphore(%arg18 : memref<!tpu.dma_semaphore, #tpu.memory_space<semaphore_mem>>) {add = true}
        %dma_wait3A_131 = arith.constant 0 : i32
        %dma_wait3A_132 = arith.constant 0 : i32
        %dma_wait3A_133 = tpu.memref_slice %arg7[%dma_wait3A_131, %dma_wait3A_132] : memref<40x50xi32, #tpu.memory_space<vmem>> -> memref<1x50xi32, #tpu.memory_space<vmem>>
        %dma_wait3A_134 = tpu.memref_squeeze %dma_wait3A_133 : memref<1x50xi32, #tpu.memory_space<vmem>> -> memref<50xi32, #tpu.memory_space<vmem>>
        %dma_wait3A_135 = arith.constant 0 : i32
        %dma_wait3A_136 = arith.constant 0 : i32
        %dma_wait3A_137 = tpu.memref_slice %arg2[%dma_wait3A_135, %dma_wait3A_136] : memref<10000x128xf32, #tpu.memory_space<hbm>> -> memref<10000x128xf32, #tpu.memory_space<hbm>>
        tpu.wait_indirect_dma semaphore(%arg15 : memref<!tpu.dma_semaphore, #tpu.memory_space<semaphore_mem>>) src(%dma_wait3A_137 : memref<10000x128xf32, #tpu.memory_space<hbm>>) dst(%arg10 : memref<50x128xf32, #tpu.memory_space<vmem>>)
        %mul3A_138 = arith.constant 4 : i32
        %mul3A_139 = arith.muli %mul3A_138, %scan3A_53 : i32
        %add3A_140 = arith.constant 1 : i32
        %add3A_141 = arith.addi %mul3A_139, %add3A_140 : i32
        %dma_start3A_142 = arith.constant 0 : i32
        %dma_start3A_143 = tpu.memref_slice %arg8[%add3A_141, %dma_start3A_142] : memref<40x50xi32, #tpu.memory_space<vmem>> -> memref<1x50xi32, #tpu.memory_space<vmem>>
        %dma_start3A_144 = tpu.memref_squeeze %dma_start3A_143 : memref<1x50xi32, #tpu.memory_space<vmem>> -> memref<50xi32, #tpu.memory_space<vmem>>
        %dma_start3A_145 = arith.constant 0 : i32
        %dma_start3A_146 = arith.constant 0 : i32
        %dma_start3A_147 = tpu.memref_slice %arg13[%dma_start3A_145, %dma_start3A_146] : memref<10240x128xf32, #tpu.memory_space<vmem_shared>> -> memref<10240x128xf32, #tpu.memory_space<vmem_shared>>
        tpu.enqueue_indirect_dma source(%arg10 : memref<50x128xf32, #tpu.memory_space<vmem>>) target(%dma_start3A_147 : memref<10240x128xf32, #tpu.memory_space<vmem_shared>>) offsets(%dma_start3A_144 : memref<50xi32, #tpu.memory_space<vmem>>) semaphore(%arg19 : memref<!tpu.dma_semaphore, #tpu.memory_space<semaphore_mem>>) {add = true}
        %dma_wait3A_148 = arith.constant 0 : i32
        %dma_wait3A_149 = arith.constant 0 : i32
        %dma_wait3A_150 = tpu.memref_slice %arg7[%dma_wait3A_148, %dma_wait3A_149] : memref<40x50xi32, #tpu.memory_space<vmem>> -> memref<1x50xi32, #tpu.memory_space<vmem>>
        %dma_wait3A_151 = tpu.memref_squeeze %dma_wait3A_150 : memref<1x50xi32, #tpu.memory_space<vmem>> -> memref<50xi32, #tpu.memory_space<vmem>>
        %dma_wait3A_152 = arith.constant 0 : i32
        %dma_wait3A_153 = arith.constant 0 : i32
        %dma_wait3A_154 = tpu.memref_slice %arg2[%dma_wait3A_152, %dma_wait3A_153] : memref<10000x128xf32, #tpu.memory_space<hbm>> -> memref<10000x128xf32, #tpu.memory_space<hbm>>
        tpu.wait_indirect_dma semaphore(%arg16 : memref<!tpu.dma_semaphore, #tpu.memory_space<semaphore_mem>>) src(%dma_wait3A_154 : memref<10000x128xf32, #tpu.memory_space<hbm>>) dst(%arg11 : memref<50x128xf32, #tpu.memory_space<vmem>>)
        %mul3A_155 = arith.constant 4 : i32
        %mul3A_156 = arith.muli %mul3A_155, %scan3A_53 : i32
        %add3A_157 = arith.constant 2 : i32
        %add3A_158 = arith.addi %mul3A_156, %add3A_157 : i32
        %dma_start3A_159 = arith.constant 0 : i32
        %dma_start3A_160 = tpu.memref_slice %arg8[%add3A_158, %dma_start3A_159] : memref<40x50xi32, #tpu.memory_space<vmem>> -> memref<1x50xi32, #tpu.memory_space<vmem>>
        %dma_start3A_161 = tpu.memref_squeeze %dma_start3A_160 : memref<1x50xi32, #tpu.memory_space<vmem>> -> memref<50xi32, #tpu.memory_space<vmem>>
        %dma_start3A_162 = arith.constant 0 : i32
        %dma_start3A_163 = arith.constant 0 : i32
        %dma_start3A_164 = tpu.memref_slice %arg13[%dma_start3A_162, %dma_start3A_163] : memref<10240x128xf32, #tpu.memory_space<vmem_shared>> -> memref<10240x128xf32, #tpu.memory_space<vmem_shared>>
        tpu.enqueue_indirect_dma source(%arg11 : memref<50x128xf32, #tpu.memory_space<vmem>>) target(%dma_start3A_164 : memref<10240x128xf32, #tpu.memory_space<vmem_shared>>) offsets(%dma_start3A_161 : memref<50xi32, #tpu.memory_space<vmem>>) semaphore(%arg20 : memref<!tpu.dma_semaphore, #tpu.memory_space<semaphore_mem>>) {add = true}
        %dma_wait3A_165 = arith.constant 0 : i32
        %dma_wait3A_166 = arith.constant 0 : i32
        %dma_wait3A_167 = tpu.memref_slice %arg7[%dma_wait3A_165, %dma_wait3A_166] : memref<40x50xi32, #tpu.memory_space<vmem>> -> memref<1x50xi32, #tpu.memory_space<vmem>>
        %dma_wait3A_168 = tpu.memref_squeeze %dma_wait3A_167 : memref<1x50xi32, #tpu.memory_space<vmem>> -> memref<50xi32, #tpu.memory_space<vmem>>
        %dma_wait3A_169 = arith.constant 0 : i32
        %dma_wait3A_170 = arith.constant 0 : i32
        %dma_wait3A_171 = tpu.memref_slice %arg2[%dma_wait3A_169, %dma_wait3A_170] : memref<10000x128xf32, #tpu.memory_space<hbm>> -> memref<10000x128xf32, #tpu.memory_space<hbm>>
        tpu.wait_indirect_dma semaphore(%arg17 : memref<!tpu.dma_semaphore, #tpu.memory_space<semaphore_mem>>) src(%dma_wait3A_171 : memref<10000x128xf32, #tpu.memory_space<hbm>>) dst(%arg12 : memref<50x128xf32, #tpu.memory_space<vmem>>)
        %mul3A_172 = arith.constant 4 : i32
        %mul3A_173 = arith.muli %mul3A_172, %scan3A_53 : i32
        %add3A_174 = arith.constant 3 : i32
        %add3A_175 = arith.addi %mul3A_173, %add3A_174 : i32
        %dma_start3A_176 = arith.constant 0 : i32
        %dma_start3A_177 = tpu.memref_slice %arg8[%add3A_175, %dma_start3A_176] : memref<40x50xi32, #tpu.memory_space<vmem>> -> memref<1x50xi32, #tpu.memory_space<vmem>>
        %dma_start3A_178 = tpu.memref_squeeze %dma_start3A_177 : memref<1x50xi32, #tpu.memory_space<vmem>> -> memref<50xi32, #tpu.memory_space<vmem>>
        %dma_start3A_179 = arith.constant 0 : i32
        %dma_start3A_180 = arith.constant 0 : i32
        %dma_start3A_181 = tpu.memref_slice %arg13[%dma_start3A_179, %dma_start3A_180] : memref<10240x128xf32, #tpu.memory_space<vmem_shared>> -> memref<10240x128xf32, #tpu.memory_space<vmem_shared>>
        tpu.enqueue_indirect_dma source(%arg12 : memref<50x128xf32, #tpu.memory_space<vmem>>) target(%dma_start3A_181 : memref<10240x128xf32, #tpu.memory_space<vmem_shared>>) offsets(%dma_start3A_178 : memref<50xi32, #tpu.memory_space<vmem>>) semaphore(%arg21 : memref<!tpu.dma_semaphore, #tpu.memory_space<semaphore_mem>>) {add = true}
        %scan3A_182 = arith.constant 0 : i32
        scf.yield %scan3A_182 : i32
      }
      %scan3A_51 = arith.constant 10 : i32
      %scan3A_52 = arith.constant 0 : i32
      scf.yield %scan3A_52 : i32
    }
    %scan3A_8 = arith.constant 5 : i32
    %dma_wait3A = arith.constant 0 : i32
    %dma_wait3A_9 = arith.constant 0 : i32
    %dma_wait3A_10 = tpu.memref_slice %arg8[%dma_wait3A, %dma_wait3A_9] : memref<40x50xi32, #tpu.memory_space<vmem>> -> memref<1x50xi32, #tpu.memory_space<vmem>>
    %dma_wait3A_11 = tpu.memref_squeeze %dma_wait3A_10 : memref<1x50xi32, #tpu.memory_space<vmem>> -> memref<50xi32, #tpu.memory_space<vmem>>
    %dma_wait3A_12 = arith.constant 0 : i32
    %dma_wait3A_13 = arith.constant 0 : i32
    %dma_wait3A_14 = tpu.memref_slice %arg13[%dma_wait3A_12, %dma_wait3A_13] : memref<10240x128xf32, #tpu.memory_space<vmem_shared>> -> memref<10240x128xf32, #tpu.memory_space<vmem_shared>>
    tpu.wait_indirect_dma semaphore(%arg18 : memref<!tpu.dma_semaphore, #tpu.memory_space<semaphore_mem>>) src(%arg9 : memref<50x128xf32, #tpu.memory_space<vmem>>) dst(%dma_wait3A_14 : memref<10240x128xf32, #tpu.memory_space<vmem_shared>>)
    %dma_wait3A_15 = arith.constant 0 : i32
    %dma_wait3A_16 = arith.constant 0 : i32
    %dma_wait3A_17 = tpu.memref_slice %arg8[%dma_wait3A_15, %dma_wait3A_16] : memref<40x50xi32, #tpu.memory_space<vmem>> -> memref<1x50xi32, #tpu.memory_space<vmem>>
    %dma_wait3A_18 = tpu.memref_squeeze %dma_wait3A_17 : memref<1x50xi32, #tpu.memory_space<vmem>> -> memref<50xi32, #tpu.memory_space<vmem>>
    %dma_wait3A_19 = arith.constant 0 : i32
    %dma_wait3A_20 = arith.constant 0 : i32
    %dma_wait3A_21 = tpu.memref_slice %arg13[%dma_wait3A_19, %dma_wait3A_20] : memref<10240x128xf32, #tpu.memory_space<vmem_shared>> -> memref<10240x128xf32, #tpu.memory_space<vmem_shared>>
    tpu.wait_indirect_dma semaphore(%arg19 : memref<!tpu.dma_semaphore, #tpu.memory_space<semaphore_mem>>) src(%arg10 : memref<50x128xf32, #tpu.memory_space<vmem>>) dst(%dma_wait3A_21 : memref<10240x128xf32, #tpu.memory_space<vmem_shared>>)
    %dma_wait3A_22 = arith.constant 0 : i32
    %dma_wait3A_23 = arith.constant 0 : i32
    %dma_wait3A_24 = tpu.memref_slice %arg8[%dma_wait3A_22, %dma_wait3A_23] : memref<40x50xi32, #tpu.memory_space<vmem>> -> memref<1x50xi32, #tpu.memory_space<vmem>>
    %dma_wait3A_25 = tpu.memref_squeeze %dma_wait3A_24 : memref<1x50xi32, #tpu.memory_space<vmem>> -> memref<50xi32, #tpu.memory_space<vmem>>
    %dma_wait3A_26 = arith.constant 0 : i32
    %dma_wait3A_27 = arith.constant 0 : i32
    %dma_wait3A_28 = tpu.memref_slice %arg13[%dma_wait3A_26, %dma_wait3A_27] : memref<10240x128xf32, #tpu.memory_space<vmem_shared>> -> memref<10240x128xf32, #tpu.memory_space<vmem_shared>>
    tpu.wait_indirect_dma semaphore(%arg20 : memref<!tpu.dma_semaphore, #tpu.memory_space<semaphore_mem>>) src(%arg11 : memref<50x128xf32, #tpu.memory_space<vmem>>) dst(%dma_wait3A_28 : memref<10240x128xf32, #tpu.memory_space<vmem_shared>>)
    %dma_wait3A_29 = arith.constant 0 : i32
    %dma_wait3A_30 = arith.constant 0 : i32
    %dma_wait3A_31 = tpu.memref_slice %arg8[%dma_wait3A_29, %dma_wait3A_30] : memref<40x50xi32, #tpu.memory_space<vmem>> -> memref<1x50xi32, #tpu.memory_space<vmem>>
    %dma_wait3A_32 = tpu.memref_squeeze %dma_wait3A_31 : memref<1x50xi32, #tpu.memory_space<vmem>> -> memref<50xi32, #tpu.memory_space<vmem>>
    %dma_wait3A_33 = arith.constant 0 : i32
    %dma_wait3A_34 = arith.constant 0 : i32
    %dma_wait3A_35 = tpu.memref_slice %arg13[%dma_wait3A_33, %dma_wait3A_34] : memref<10240x128xf32, #tpu.memory_space<vmem_shared>> -> memref<10240x128xf32, #tpu.memory_space<vmem_shared>>
    tpu.wait_indirect_dma semaphore(%arg21 : memref<!tpu.dma_semaphore, #tpu.memory_space<semaphore_mem>>) src(%arg12 : memref<50x128xf32, #tpu.memory_space<vmem>>) dst(%dma_wait3A_35 : memref<10240x128xf32, #tpu.memory_space<vmem_shared>>)
    %barrier3A_36 = arith.constant 0 : index
    tpu.barrier barrier_id(%barrier3A_36)
    %mul3A_37 = arith.constant 640 : i32
    %mul3A_38 = arith.muli %arg1, %mul3A_37 : i32
    %mul3A_39 = arith.constant 640 : i32
    %mul3A_40 = arith.muli %arg1, %mul3A_39 : i32
    "tpu.region"() ({
      %run_scoped3A = tpu.sem_alloc : memref<!tpu.dma_semaphore, #tpu.memory_space<semaphore_mem>>
      %dma_start3A = arith.constant 0 : i32
      %dma_start3A_41 = tpu.memref_slice %arg6[%arg0, %mul3A_40, %dma_start3A] : memref<2x10240x128xf32, #tpu.memory_space<hbm>> -> memref<1x640x128xf32, #tpu.memory_space<hbm>>
      %dma_start3A_42 = tpu.memref_squeeze %dma_start3A_41 : memref<1x640x128xf32, #tpu.memory_space<hbm>> -> memref<640x128xf32, #tpu.memory_space<hbm>>
      %dma_start3A_43 = arith.constant 0 : i32
      %dma_start3A_44 = tpu.memref_slice %arg13[%mul3A_38, %dma_start3A_43] : memref<10240x128xf32, #tpu.memory_space<vmem_shared>> -> memref<640x128xf32, #tpu.memory_space<vmem_shared>>
      tpu.enqueue_dma source(%dma_start3A_44 : memref<640x128xf32, #tpu.memory_space<vmem_shared>>) target(%dma_start3A_42 : memref<640x128xf32, #tpu.memory_space<hbm>>) target_semaphore(%run_scoped3A : memref<!tpu.dma_semaphore, #tpu.memory_space<semaphore_mem>>)
      %dma_wait3A_45 = arith.constant 0 : i32
      %dma_wait3A_46 = tpu.memref_slice %arg6[%arg0, %mul3A_40, %dma_wait3A_45] : memref<2x10240x128xf32, #tpu.memory_space<hbm>> -> memref<1x640x128xf32, #tpu.memory_space<hbm>>
      %dma_wait3A_47 = tpu.memref_squeeze %dma_wait3A_46 : memref<1x640x128xf32, #tpu.memory_space<hbm>> -> memref<640x128xf32, #tpu.memory_space<hbm>>
      %dma_wait3A_48 = arith.constant 0 : i32
      %dma_wait3A_49 = tpu.memref_slice %arg13[%mul3A_38, %dma_wait3A_48] : memref<10240x128xf32, #tpu.memory_space<vmem_shared>> -> memref<640x128xf32, #tpu.memory_space<vmem_shared>>
      tpu.wait_dma2 semaphore(%run_scoped3A : memref<!tpu.dma_semaphore, #tpu.memory_space<semaphore_mem>>) src(%dma_wait3A_49 : memref<640x128xf32, #tpu.memory_space<vmem_shared>>) dst(%dma_wait3A_47 : memref<640x128xf32, #tpu.memory_space<hbm>>)
      tpu.yield
    }) : () -> ()
    return
  }
}

module attributes {stable_mosaic.version = 14 : i64} {
  func.func @_tc_pre_body(%arg0: i32, %arg1: memref<2000x128xf32, #tpu.memory_space<vmem>>, %arg2: memref<2000x1xf32, #tpu.memory_space<vmem>>, %arg3: memref<2000x1xf32, #tpu.memory_space<vmem>>, %arg4: memref<128x128xf32, #tpu.memory_space<vmem>>, %arg5: memref<384x128xf32, #tpu.memory_space<vmem>>, %arg6: memref<1x128xf32, #tpu.memory_space<vmem>>, %arg7: memref<128x2xf32, #tpu.memory_space<vmem>>, %arg8: memref<1x2xf32, #tpu.memory_space<vmem>>, %arg9: memref<2000x128xf32, #tpu.memory_space<vmem>>, %arg10: memref<2000x1xf32, #tpu.memory_space<vmem>>, %arg11: memref<384x2xf32, #tpu.memory_space<vmem>>, %arg12: memref<1x2xf32, #tpu.memory_space<vmem>>) attributes {dimension_semantics = [#tpu.dimension_semantics<arbitrary>], iteration_bounds = array<i64: 5>, scalar_prefetch = 0 : i64, scratch_operands = 0 : i64, tpu.core_type = #tpu.core_type<tc>, window_params = [{transform_indices = @transform_0, window_bounds = array<i64: 2000, 128>}, {transform_indices = @transform_1, window_bounds = array<i64: 2000, 1>}, {transform_indices = @transform_2, window_bounds = array<i64: 2000, 1>}, {pipeline_mode = #tpu.pipeline_mode<synchronous>, transform_indices = @transform_3, window_bounds = array<i64: 128, 128>}, {pipeline_mode = #tpu.pipeline_mode<synchronous>, transform_indices = @transform_4, window_bounds = array<i64: 384, 128>}, {pipeline_mode = #tpu.pipeline_mode<synchronous>, transform_indices = @transform_5, window_bounds = array<i64: 1, 128>}, {pipeline_mode = #tpu.pipeline_mode<synchronous>, transform_indices = @transform_6, window_bounds = array<i64: 128, 2>}, {pipeline_mode = #tpu.pipeline_mode<synchronous>, transform_indices = @transform_7, window_bounds = array<i64: 1, 2>}, {transform_indices = @transform_8, window_bounds = array<i64: 2000, 128>}, {transform_indices = @transform_9, window_bounds = array<i64: 2000, 1>}, {pipeline_mode = #tpu.pipeline_mode<synchronous>, transform_indices = @transform_10, window_bounds = array<i64: 384, 2>}, {pipeline_mode = #tpu.pipeline_mode<synchronous>, transform_indices = @transform_11, window_bounds = array<i64: 1, 2>}]} {
    %get3A = arith.constant 0 : index
    %get3A_0 = arith.constant 0 : index
    %get3A_1 = vector.load %arg2[%get3A, %get3A_0] : memref<2000x1xf32, #tpu.memory_space<vmem>>, vector<2000x1xf32>
    %get3A_2 = arith.constant 0 : index
    %get3A_3 = arith.constant 0 : index
    %get3A_4 = vector.load %arg3[%get3A_2, %get3A_3] : memref<2000x1xf32, #tpu.memory_space<vmem>>, vector<2000x1xf32>
    %add3A = arith.addf %get3A_1, %get3A_4 : vector<2000x1xf32>
    %add3A_5 = arith.constant 1.000000e+00 : f32
    %add3A_6 = vector.broadcast %add3A_5 : f32 to vector<2000x1xf32>
    %add3A_7 = arith.addf %add3A, %add3A_6 : vector<2000x1xf32>
    %rsqrt3A = math.rsqrt %add3A_7 : vector<2000x1xf32>
    %get3A_8 = arith.constant 0 : index
    %get3A_9 = arith.constant 0 : index
    %get3A_10 = vector.load %arg1[%get3A_8, %get3A_9] : memref<2000x128xf32, #tpu.memory_space<vmem>>, vector<2000x128xf32>
    %get3A_11 = arith.constant 0 : index
    %get3A_12 = arith.constant 0 : index
    %get3A_13 = vector.load %arg4[%get3A_11, %get3A_12] : memref<128x128xf32, #tpu.memory_space<vmem>>, vector<128x128xf32>
    %dot_general3A = arith.constant dense<0.000000e+00> : vector<2000x128xf32>
    %dot_general3A_14 = tpu.matmul %get3A_10, %get3A_13, %dot_general3A {dimension_numbers = #tpu.dot_dimension_numbers<[1], [0], [0], [1], [0, 0, 1, 1], [], []>, precision = #tpu.contract_precision<fp32>, transpose_lhs_hint = false} : vector<2000x128xf32>, vector<128x128xf32>, vector<2000x128xf32> -> vector<2000x128xf32>
    %mul3A = vector.broadcast %rsqrt3A : vector<2000x1xf32> to vector<2000x128xf32>
    %mul3A_15 = arith.mulf %mul3A, %dot_general3A_14 : vector<2000x128xf32>
    %swap3A = arith.constant 0 : index
    %swap3A_16 = arith.constant 0 : index
    %swap3A_17 = vector.load %arg9[%swap3A, %swap3A_16] : memref<2000x128xf32, #tpu.memory_space<vmem>>, vector<2000x128xf32>
    tpu.vector_store %arg9[%swap3A, %swap3A_16], %mul3A_15 {strides = array<i32>} : memref<2000x128xf32, #tpu.memory_space<vmem>>, vector<2000x128xf32>,
    %swap3A_18 = arith.constant 0 : index
    %swap3A_19 = arith.constant 0 : index
    %swap3A_20 = vector.load %arg10[%swap3A_18, %swap3A_19] : memref<2000x1xf32, #tpu.memory_space<vmem>>, vector<2000x1xf32>
    tpu.vector_store %arg10[%swap3A_18, %swap3A_19], %rsqrt3A {strides = array<i32>} : memref<2000x1xf32, #tpu.memory_space<vmem>>, vector<2000x1xf32>,
    %get3A_21 = arith.constant 0 : index
    %get3A_22 = arith.constant 0 : index
    %get3A_23 = vector.load %arg5[%get3A_21, %get3A_22] : memref<384x128xf32, #tpu.memory_space<vmem>>, vector<384x128xf32>
    %get3A_24 = arith.constant 0 : index
    %get3A_25 = arith.constant 0 : index
    %get3A_26 = vector.load %arg7[%get3A_24, %get3A_25] : memref<128x2xf32, #tpu.memory_space<vmem>>, vector<128x2xf32>
    %dot_general3A_27 = arith.constant dense<0.000000e+00> : vector<384x2xf32>
    %dot_general3A_28 = tpu.matmul %get3A_23, %get3A_26, %dot_general3A_27 {dimension_numbers = #tpu.dot_dimension_numbers<[1], [0], [0], [1], [0, 0, 1, 1], [], []>, precision = #tpu.contract_precision<fp32>, transpose_lhs_hint = false} : vector<384x128xf32>, vector<128x2xf32>, vector<384x2xf32> -> vector<384x2xf32>
    %swap3A_29 = arith.constant 0 : index
    %swap3A_30 = arith.constant 0 : index
    %swap3A_31 = vector.load %arg11[%swap3A_29, %swap3A_30] : memref<384x2xf32, #tpu.memory_space<vmem>>, vector<384x2xf32>
    tpu.vector_store %arg11[%swap3A_29, %swap3A_30], %dot_general3A_28 {strides = array<i32>} : memref<384x2xf32, #tpu.memory_space<vmem>>, vector<384x2xf32>,
    %get3A_32 = arith.constant 0 : index
    %get3A_33 = arith.constant 0 : index
    %get3A_34 = vector.load %arg6[%get3A_32, %get3A_33] : memref<1x128xf32, #tpu.memory_space<vmem>>, vector<1x128xf32>
    %get3A_35 = arith.constant 0 : index
    %get3A_36 = arith.constant 0 : index
    %get3A_37 = vector.load %arg7[%get3A_35, %get3A_36] : memref<128x2xf32, #tpu.memory_space<vmem>>, vector<128x2xf32>
    %dot_general3A_38 = arith.constant dense<0.000000e+00> : vector<1x2xf32>
    %dot_general3A_39 = tpu.matmul %get3A_34, %get3A_37, %dot_general3A_38 {dimension_numbers = #tpu.dot_dimension_numbers<[1], [0], [0], [1], [0, 0, 1, 1], [], []>, precision = #tpu.contract_precision<fp32>, transpose_lhs_hint = false} : vector<1x128xf32>, vector<128x2xf32>, vector<1x2xf32> -> vector<1x2xf32>
    %get3A_40 = arith.constant 0 : index
    %get3A_41 = arith.constant 0 : index
    %get3A_42 = vector.load %arg8[%get3A_40, %get3A_41] : memref<1x2xf32, #tpu.memory_space<vmem>>, vector<1x2xf32>
    %add3A_43 = arith.addf %dot_general3A_39, %get3A_42 : vector<1x2xf32>
    %swap3A_44 = arith.constant 0 : index
    %swap3A_45 = arith.constant 0 : index
    %swap3A_46 = vector.load %arg12[%swap3A_44, %swap3A_45] : memref<1x2xf32, #tpu.memory_space<vmem>>, vector<1x2xf32>
    tpu.vector_store %arg12[%swap3A_44, %swap3A_45], %add3A_43 {strides = array<i32>} : memref<1x2xf32, #tpu.memory_space<vmem>>, vector<1x2xf32>,
    return
  }
  func.func @transform_0(%arg0: i32) -> (i32, i32) {
    %c0_i32 = arith.constant 0 : i32
    %c0_i32_0 = arith.constant 0 : i32
    return %arg0, %c0_i32 : i32, i32
  }
  func.func @transform_1(%arg0: i32) -> (i32, i32) {
    %c0_i32 = arith.constant 0 : i32
    %c0_i32_0 = arith.constant 0 : i32
    return %arg0, %c0_i32 : i32, i32
  }
  func.func @transform_2(%arg0: i32) -> (i32, i32) {
    %c0_i32 = arith.constant 0 : i32
    %c0_i32_0 = arith.constant 0 : i32
    return %arg0, %c0_i32 : i32, i32
  }
  func.func @transform_3(%arg0: i32) -> (i32, i32) {
    %c0_i32 = arith.constant 0 : i32
    %c0_i32_0 = arith.constant 0 : i32
    %c0_i32_1 = arith.constant 0 : i32
    return %c0_i32, %c0_i32_0 : i32, i32
  }
  func.func @transform_4(%arg0: i32) -> (i32, i32) {
    %c0_i32 = arith.constant 0 : i32
    %c0_i32_0 = arith.constant 0 : i32
    %c0_i32_1 = arith.constant 0 : i32
    return %c0_i32, %c0_i32_0 : i32, i32
  }
  func.func @transform_5(%arg0: i32) -> (i32, i32) {
    %c0_i32 = arith.constant 0 : i32
    %c0_i32_0 = arith.constant 0 : i32
    %c0_i32_1 = arith.constant 0 : i32
    return %c0_i32, %c0_i32_0 : i32, i32
  }
  func.func @transform_6(%arg0: i32) -> (i32, i32) {
    %c0_i32 = arith.constant 0 : i32
    %c0_i32_0 = arith.constant 0 : i32
    %c0_i32_1 = arith.constant 0 : i32
    return %c0_i32, %c0_i32_0 : i32, i32
  }
  func.func @transform_7(%arg0: i32) -> (i32, i32) {
    %c0_i32 = arith.constant 0 : i32
    %c0_i32_0 = arith.constant 0 : i32
    %c0_i32_1 = arith.constant 0 : i32
    return %c0_i32, %c0_i32_0 : i32, i32
  }
  func.func @transform_8(%arg0: i32) -> (i32, i32) {
    %c0_i32 = arith.constant 0 : i32
    %c0_i32_0 = arith.constant 0 : i32
    return %arg0, %c0_i32 : i32, i32
  }
  func.func @transform_9(%arg0: i32) -> (i32, i32) {
    %c0_i32 = arith.constant 0 : i32
    %c0_i32_0 = arith.constant 0 : i32
    return %arg0, %c0_i32 : i32, i32
  }
  func.func @transform_10(%arg0: i32) -> (i32, i32) {
    %c0_i32 = arith.constant 0 : i32
    %c0_i32_0 = arith.constant 0 : i32
    %c0_i32_1 = arith.constant 0 : i32
    return %c0_i32, %c0_i32_0 : i32, i32
  }
  func.func @transform_11(%arg0: i32) -> (i32, i32) {
    %c0_i32 = arith.constant 0 : i32
    %c0_i32_0 = arith.constant 0 : i32
    %c0_i32_1 = arith.constant 0 : i32
    return %c0_i32, %c0_i32_0 : i32, i32
  }
}

module attributes {stable_mosaic.version = 14 : i64} {
  func.func @_tc_mid0_body(%arg0: i32, %arg1: memref<2x2000x128xf32, #tpu.memory_space<vmem>>, %arg2: memref<2000x128xf32, #tpu.memory_space<vmem>>, %arg3: memref<2000x1xf32, #tpu.memory_space<vmem>>, %arg4: memref<1x128xf32, #tpu.memory_space<vmem>>, %arg5: memref<1x128xf32, #tpu.memory_space<vmem>>, %arg6: memref<1x128xf32, #tpu.memory_space<vmem>>, %arg7: memref<1x128xf32, #tpu.memory_space<vmem>>, %arg8: memref<1x128xf32, #tpu.memory_space<vmem>>, %arg9: memref<128x128xf32, #tpu.memory_space<vmem>>, %arg10: memref<128x2xf32, #tpu.memory_space<vmem>>, %arg11: memref<1x2xf32, #tpu.memory_space<vmem>>, %arg12: memref<2000x128xf32, #tpu.memory_space<vmem>>, %arg13: memref<2000x2xf32, #tpu.memory_space<vmem>>) attributes {dimension_semantics = [#tpu.dimension_semantics<arbitrary>], iteration_bounds = array<i64: 5>, scalar_prefetch = 0 : i64, scratch_operands = 0 : i64, tpu.core_type = #tpu.core_type<tc>, window_params = [{transform_indices = @transform_0, window_bounds = array<i64: 2, 2000, 128>}, {transform_indices = @transform_1, window_bounds = array<i64: 2000, 128>}, {transform_indices = @transform_2, window_bounds = array<i64: 2000, 1>}, {pipeline_mode = #tpu.pipeline_mode<synchronous>, transform_indices = @transform_3, window_bounds = array<i64: 1, 128>}, {pipeline_mode = #tpu.pipeline_mode<synchronous>, transform_indices = @transform_4, window_bounds = array<i64: 1, 128>}, {pipeline_mode = #tpu.pipeline_mode<synchronous>, transform_indices = @transform_5, window_bounds = array<i64: 1, 128>}, {pipeline_mode = #tpu.pipeline_mode<synchronous>, transform_indices = @transform_6, window_bounds = array<i64: 1, 128>}, {pipeline_mode = #tpu.pipeline_mode<synchronous>, transform_indices = @transform_7, window_bounds = array<i64: 1, 128>}, {pipeline_mode = #tpu.pipeline_mode<synchronous>, transform_indices = @transform_8, window_bounds = array<i64: 128, 128>}, {pipeline_mode = #tpu.pipeline_mode<synchronous>, transform_indices = @transform_9, window_bounds = array<i64: 128, 2>}, {pipeline_mode = #tpu.pipeline_mode<synchronous>, transform_indices = @transform_10, window_bounds = array<i64: 1, 2>}, {transform_indices = @transform_11, window_bounds = array<i64: 2000, 128>}, {transform_indices = @transform_12, window_bounds = array<i64: 2000, 2>}]} {
    %get3A = arith.constant 0 : index
    %get3A_0 = arith.constant 0 : index
    %get3A_1 = arith.constant 0 : index
    %get3A_2 = vector.load %arg1[%get3A, %get3A_0, %get3A_1] : memref<2x2000x128xf32, #tpu.memory_space<vmem>>, vector<1x2000x128xf32>
    %get3A_3 = vector.shape_cast %get3A_2 : vector<1x2000x128xf32> to vector<2000x128xf32>
    %get3A_4 = arith.constant 1 : index
    %get3A_5 = arith.constant 0 : index
    %get3A_6 = arith.constant 0 : index
    %get3A_7 = vector.load %arg1[%get3A_4, %get3A_5, %get3A_6] : memref<2x2000x128xf32, #tpu.memory_space<vmem>>, vector<1x2000x128xf32>
    %get3A_8 = vector.shape_cast %get3A_7 : vector<1x2000x128xf32> to vector<2000x128xf32>
    %add3A = arith.addf %get3A_3, %get3A_8 : vector<2000x128xf32>
    %get3A_9 = arith.constant 0 : index
    %get3A_10 = arith.constant 0 : index
    %get3A_11 = vector.load %arg2[%get3A_9, %get3A_10] : memref<2000x128xf32, #tpu.memory_space<vmem>>, vector<2000x128xf32>
    %add3A_12 = arith.addf %add3A, %get3A_11 : vector<2000x128xf32>
    %get3A_13 = arith.constant 0 : index
    %get3A_14 = arith.constant 0 : index
    %get3A_15 = vector.load %arg3[%get3A_13, %get3A_14] : memref<2000x1xf32, #tpu.memory_space<vmem>>, vector<2000x1xf32>
    %mul3A = vector.broadcast %get3A_15 : vector<2000x1xf32> to vector<2000x128xf32>
    %mul3A_16 = arith.mulf %mul3A, %add3A_12 : vector<2000x128xf32>
    %get3A_17 = arith.constant 0 : index
    %get3A_18 = arith.constant 0 : index
    %get3A_19 = vector.load %arg8[%get3A_17, %get3A_18] : memref<1x128xf32, #tpu.memory_space<vmem>>, vector<1x128xf32>
    %add3A_20 = vector.broadcast %get3A_19 : vector<1x128xf32> to vector<2000x128xf32>
    %add3A_21 = arith.addf %mul3A_16, %add3A_20 : vector<2000x128xf32>
    %get3A_22 = arith.constant 0 : index
    %get3A_23 = arith.constant 0 : index
    %get3A_24 = vector.load %arg4[%get3A_22, %get3A_23] : memref<1x128xf32, #tpu.memory_space<vmem>>, vector<1x128xf32>
    %get3A_25 = arith.constant 0 : index
    %get3A_26 = arith.constant 0 : index
    %get3A_27 = vector.load %arg7[%get3A_25, %get3A_26] : memref<1x128xf32, #tpu.memory_space<vmem>>, vector<1x128xf32>
    %add3A_28 = arith.constant 9.99999974E-6 : f32
    %add3A_29 = vector.broadcast %add3A_28 : f32 to vector<1x128xf32>
    %add3A_30 = arith.addf %get3A_27, %add3A_29 : vector<1x128xf32>
    %rsqrt3A = math.rsqrt %add3A_30 : vector<1x128xf32>
    %mul3A_31 = arith.mulf %get3A_24, %rsqrt3A : vector<1x128xf32>
    %mul3A_32 = vector.broadcast %mul3A_31 : vector<1x128xf32> to vector<2000x128xf32>
    %mul3A_33 = arith.mulf %add3A_21, %mul3A_32 : vector<2000x128xf32>
    %get3A_34 = arith.constant 0 : index
    %get3A_35 = arith.constant 0 : index
    %get3A_36 = vector.load %arg5[%get3A_34, %get3A_35] : memref<1x128xf32, #tpu.memory_space<vmem>>, vector<1x128xf32>
    %get3A_37 = arith.constant 0 : index
    %get3A_38 = arith.constant 0 : index
    %get3A_39 = vector.load %arg6[%get3A_37, %get3A_38] : memref<1x128xf32, #tpu.memory_space<vmem>>, vector<1x128xf32>
    %mul3A_40 = arith.mulf %get3A_39, %mul3A_31 : vector<1x128xf32>
    %sub3A = arith.subf %get3A_36, %mul3A_40 : vector<1x128xf32>
    %add3A_41 = vector.broadcast %sub3A : vector<1x128xf32> to vector<2000x128xf32>
    %add3A_42 = arith.addf %mul3A_33, %add3A_41 : vector<2000x128xf32>
    %max3A = arith.constant 0.000000e+00 : f32
    %max3A_43 = vector.broadcast %max3A : f32 to vector<2000x128xf32>
    %max3A_44 = arith.maximumf %add3A_42, %max3A_43 : vector<2000x128xf32>
    %get3A_45 = arith.constant 0 : index
    %get3A_46 = arith.constant 0 : index
    %get3A_47 = vector.load %arg3[%get3A_45, %get3A_46] : memref<2000x1xf32, #tpu.memory_space<vmem>>, vector<2000x1xf32>
    %get3A_48 = arith.constant 0 : index
    %get3A_49 = arith.constant 0 : index
    %get3A_50 = vector.load %arg9[%get3A_48, %get3A_49] : memref<128x128xf32, #tpu.memory_space<vmem>>, vector<128x128xf32>
    %dot_general3A = arith.constant dense<0.000000e+00> : vector<2000x128xf32>
    %dot_general3A_51 = tpu.matmul %max3A_44, %get3A_50, %dot_general3A {dimension_numbers = #tpu.dot_dimension_numbers<[1], [0], [0], [1], [0, 0, 1, 1], [], []>, precision = #tpu.contract_precision<fp32>, transpose_lhs_hint = false} : vector<2000x128xf32>, vector<128x128xf32>, vector<2000x128xf32> -> vector<2000x128xf32>
    %mul3A_52 = vector.broadcast %get3A_47 : vector<2000x1xf32> to vector<2000x128xf32>
    %mul3A_53 = arith.mulf %mul3A_52, %dot_general3A_51 : vector<2000x128xf32>
    %swap3A = arith.constant 0 : index
    %swap3A_54 = arith.constant 0 : index
    %swap3A_55 = vector.load %arg12[%swap3A, %swap3A_54] : memref<2000x128xf32, #tpu.memory_space<vmem>>, vector<2000x128xf32>
    tpu.vector_store %arg12[%swap3A, %swap3A_54], %mul3A_53 {strides = array<i32>} : memref<2000x128xf32, #tpu.memory_space<vmem>>, vector<2000x128xf32>,
    %get3A_56 = arith.constant 0 : index
    %get3A_57 = arith.constant 0 : index
    %get3A_58 = vector.load %arg10[%get3A_56, %get3A_57] : memref<128x2xf32, #tpu.memory_space<vmem>>, vector<128x2xf32>
    %dot_general3A_59 = arith.constant dense<0.000000e+00> : vector<2000x2xf32>
    %dot_general3A_60 = tpu.matmul %max3A_44, %get3A_58, %dot_general3A_59 {dimension_numbers = #tpu.dot_dimension_numbers<[1], [0], [0], [1], [0, 0, 1, 1], [], []>, precision = #tpu.contract_precision<fp32>, transpose_lhs_hint = false} : vector<2000x128xf32>, vector<128x2xf32>, vector<2000x2xf32> -> vector<2000x2xf32>
    %get3A_61 = arith.constant 0 : index
    %get3A_62 = arith.constant 0 : index
    %get3A_63 = vector.load %arg11[%get3A_61, %get3A_62] : memref<1x2xf32, #tpu.memory_space<vmem>>, vector<1x2xf32>
    %add3A_64 = vector.broadcast %get3A_63 : vector<1x2xf32> to vector<2000x2xf32>
    %add3A_65 = arith.addf %dot_general3A_60, %add3A_64 : vector<2000x2xf32>
    %swap3A_66 = arith.constant 0 : index
    %swap3A_67 = arith.constant 0 : index
    %swap3A_68 = vector.load %arg13[%swap3A_66, %swap3A_67] : memref<2000x2xf32, #tpu.memory_space<vmem>>, vector<2000x2xf32>
    tpu.vector_store %arg13[%swap3A_66, %swap3A_67], %add3A_65 {strides = array<i32>} : memref<2000x2xf32, #tpu.memory_space<vmem>>, vector<2000x2xf32>,
    return
  }
  func.func @transform_0(%arg0: i32) -> (i32, i32, i32) {
    %c0_i32 = arith.constant 0 : i32
    %c0_i32_0 = arith.constant 0 : i32
    %c0_i32_1 = arith.constant 0 : i32
    return %c0_i32, %arg0, %c0_i32_0 : i32, i32, i32
  }
  func.func @transform_1(%arg0: i32) -> (i32, i32) {
    %c0_i32 = arith.constant 0 : i32
    %c0_i32_0 = arith.constant 0 : i32
    return %arg0, %c0_i32 : i32, i32
  }
  func.func @transform_2(%arg0: i32) -> (i32, i32) {
    %c0_i32 = arith.constant 0 : i32
    %c0_i32_0 = arith.constant 0 : i32
    return %arg0, %c0_i32 : i32, i32
  }
  func.func @transform_3(%arg0: i32) -> (i32, i32) {
    %c0_i32 = arith.constant 0 : i32
    %c0_i32_0 = arith.constant 0 : i32
    %c0_i32_1 = arith.constant 0 : i32
    return %c0_i32, %c0_i32_0 : i32, i32
  }
  func.func @transform_4(%arg0: i32) -> (i32, i32) {
    %c0_i32 = arith.constant 0 : i32
    %c0_i32_0 = arith.constant 0 : i32
    %c0_i32_1 = arith.constant 0 : i32
    return %c0_i32, %c0_i32_0 : i32, i32
  }
  func.func @transform_5(%arg0: i32) -> (i32, i32) {
    %c0_i32 = arith.constant 0 : i32
    %c0_i32_0 = arith.constant 0 : i32
    %c0_i32_1 = arith.constant 0 : i32
    return %c0_i32, %c0_i32_0 : i32, i32
  }
  func.func @transform_6(%arg0: i32) -> (i32, i32) {
    %c0_i32 = arith.constant 0 : i32
    %c0_i32_0 = arith.constant 0 : i32
    %c0_i32_1 = arith.constant 0 : i32
    return %c0_i32, %c0_i32_0 : i32, i32
  }
  func.func @transform_7(%arg0: i32) -> (i32, i32) {
    %c0_i32 = arith.constant 0 : i32
    %c0_i32_0 = arith.constant 0 : i32
    %c0_i32_1 = arith.constant 0 : i32
    return %c0_i32, %c0_i32_0 : i32, i32
  }
  func.func @transform_8(%arg0: i32) -> (i32, i32) {
    %c0_i32 = arith.constant 0 : i32
    %c0_i32_0 = arith.constant 0 : i32
    %c0_i32_1 = arith.constant 0 : i32
    return %c0_i32, %c0_i32_0 : i32, i32
  }
  func.func @transform_9(%arg0: i32) -> (i32, i32) {
    %c0_i32 = arith.constant 0 : i32
    %c0_i32_0 = arith.constant 0 : i32
    %c0_i32_1 = arith.constant 0 : i32
    return %c0_i32, %c0_i32_0 : i32, i32
  }
  func.func @transform_10(%arg0: i32) -> (i32, i32) {
    %c0_i32 = arith.constant 0 : i32
    %c0_i32_0 = arith.constant 0 : i32
    %c0_i32_1 = arith.constant 0 : i32
    return %c0_i32, %c0_i32_0 : i32, i32
  }
  func.func @transform_11(%arg0: i32) -> (i32, i32) {
    %c0_i32 = arith.constant 0 : i32
    %c0_i32_0 = arith.constant 0 : i32
    return %arg0, %c0_i32 : i32, i32
  }
  func.func @transform_12(%arg0: i32) -> (i32, i32) {
    %c0_i32 = arith.constant 0 : i32
    %c0_i32_0 = arith.constant 0 : i32
    return %arg0, %c0_i32 : i32, i32
  }
}

module attributes {stable_mosaic.version = 14 : i64} {
  func.func @_tc_mid1_body(%arg0: i32, %arg1: memref<2x2000x128xf32, #tpu.memory_space<vmem>>, %arg2: memref<2000x128xf32, #tpu.memory_space<vmem>>, %arg3: memref<2000x1xf32, #tpu.memory_space<vmem>>, %arg4: memref<1x128xf32, #tpu.memory_space<vmem>>, %arg5: memref<1x128xf32, #tpu.memory_space<vmem>>, %arg6: memref<1x128xf32, #tpu.memory_space<vmem>>, %arg7: memref<1x128xf32, #tpu.memory_space<vmem>>, %arg8: memref<1x128xf32, #tpu.memory_space<vmem>>, %arg9: memref<128x128xf32, #tpu.memory_space<vmem>>, %arg10: memref<128x2xf32, #tpu.memory_space<vmem>>, %arg11: memref<2000x2xf32, #tpu.memory_space<vmem>>, %arg12: memref<2000x128xf32, #tpu.memory_space<vmem>>, %arg13: memref<2000x2xf32, #tpu.memory_space<vmem>>) attributes {dimension_semantics = [#tpu.dimension_semantics<arbitrary>], iteration_bounds = array<i64: 5>, scalar_prefetch = 0 : i64, scratch_operands = 0 : i64, tpu.core_type = #tpu.core_type<tc>, window_params = [{transform_indices = @transform_0, window_bounds = array<i64: 2, 2000, 128>}, {transform_indices = @transform_1, window_bounds = array<i64: 2000, 128>}, {transform_indices = @transform_2, window_bounds = array<i64: 2000, 1>}, {pipeline_mode = #tpu.pipeline_mode<synchronous>, transform_indices = @transform_3, window_bounds = array<i64: 1, 128>}, {pipeline_mode = #tpu.pipeline_mode<synchronous>, transform_indices = @transform_4, window_bounds = array<i64: 1, 128>}, {pipeline_mode = #tpu.pipeline_mode<synchronous>, transform_indices = @transform_5, window_bounds = array<i64: 1, 128>}, {pipeline_mode = #tpu.pipeline_mode<synchronous>, transform_indices = @transform_6, window_bounds = array<i64: 1, 128>}, {pipeline_mode = #tpu.pipeline_mode<synchronous>, transform_indices = @transform_7, window_bounds = array<i64: 1, 128>}, {pipeline_mode = #tpu.pipeline_mode<synchronous>, transform_indices = @transform_8, window_bounds = array<i64: 128, 128>}, {pipeline_mode = #tpu.pipeline_mode<synchronous>, transform_indices = @transform_9, window_bounds = array<i64: 128, 2>}, {transform_indices = @transform_10, window_bounds = array<i64: 2000, 2>}, {transform_indices = @transform_11, window_bounds = array<i64: 2000, 128>}, {transform_indices = @transform_12, window_bounds = array<i64: 2000, 2>}]} {
    %get3A = arith.constant 0 : index
    %get3A_0 = arith.constant 0 : index
    %get3A_1 = arith.constant 0 : index
    %get3A_2 = vector.load %arg1[%get3A, %get3A_0, %get3A_1] : memref<2x2000x128xf32, #tpu.memory_space<vmem>>, vector<1x2000x128xf32>
    %get3A_3 = vector.shape_cast %get3A_2 : vector<1x2000x128xf32> to vector<2000x128xf32>
    %get3A_4 = arith.constant 1 : index
    %get3A_5 = arith.constant 0 : index
    %get3A_6 = arith.constant 0 : index
    %get3A_7 = vector.load %arg1[%get3A_4, %get3A_5, %get3A_6] : memref<2x2000x128xf32, #tpu.memory_space<vmem>>, vector<1x2000x128xf32>
    %get3A_8 = vector.shape_cast %get3A_7 : vector<1x2000x128xf32> to vector<2000x128xf32>
    %add3A = arith.addf %get3A_3, %get3A_8 : vector<2000x128xf32>
    %get3A_9 = arith.constant 0 : index
    %get3A_10 = arith.constant 0 : index
    %get3A_11 = vector.load %arg2[%get3A_9, %get3A_10] : memref<2000x128xf32, #tpu.memory_space<vmem>>, vector<2000x128xf32>
    %add3A_12 = arith.addf %add3A, %get3A_11 : vector<2000x128xf32>
    %get3A_13 = arith.constant 0 : index
    %get3A_14 = arith.constant 0 : index
    %get3A_15 = vector.load %arg3[%get3A_13, %get3A_14] : memref<2000x1xf32, #tpu.memory_space<vmem>>, vector<2000x1xf32>
    %mul3A = vector.broadcast %get3A_15 : vector<2000x1xf32> to vector<2000x128xf32>
    %mul3A_16 = arith.mulf %mul3A, %add3A_12 : vector<2000x128xf32>
    %get3A_17 = arith.constant 0 : index
    %get3A_18 = arith.constant 0 : index
    %get3A_19 = vector.load %arg8[%get3A_17, %get3A_18] : memref<1x128xf32, #tpu.memory_space<vmem>>, vector<1x128xf32>
    %add3A_20 = vector.broadcast %get3A_19 : vector<1x128xf32> to vector<2000x128xf32>
    %add3A_21 = arith.addf %mul3A_16, %add3A_20 : vector<2000x128xf32>
    %get3A_22 = arith.constant 0 : index
    %get3A_23 = arith.constant 0 : index
    %get3A_24 = vector.load %arg4[%get3A_22, %get3A_23] : memref<1x128xf32, #tpu.memory_space<vmem>>, vector<1x128xf32>
    %get3A_25 = arith.constant 0 : index
    %get3A_26 = arith.constant 0 : index
    %get3A_27 = vector.load %arg7[%get3A_25, %get3A_26] : memref<1x128xf32, #tpu.memory_space<vmem>>, vector<1x128xf32>
    %add3A_28 = arith.constant 9.99999974E-6 : f32
    %add3A_29 = vector.broadcast %add3A_28 : f32 to vector<1x128xf32>
    %add3A_30 = arith.addf %get3A_27, %add3A_29 : vector<1x128xf32>
    %rsqrt3A = math.rsqrt %add3A_30 : vector<1x128xf32>
    %mul3A_31 = arith.mulf %get3A_24, %rsqrt3A : vector<1x128xf32>
    %mul3A_32 = vector.broadcast %mul3A_31 : vector<1x128xf32> to vector<2000x128xf32>
    %mul3A_33 = arith.mulf %add3A_21, %mul3A_32 : vector<2000x128xf32>
    %get3A_34 = arith.constant 0 : index
    %get3A_35 = arith.constant 0 : index
    %get3A_36 = vector.load %arg5[%get3A_34, %get3A_35] : memref<1x128xf32, #tpu.memory_space<vmem>>, vector<1x128xf32>
    %get3A_37 = arith.constant 0 : index
    %get3A_38 = arith.constant 0 : index
    %get3A_39 = vector.load %arg6[%get3A_37, %get3A_38] : memref<1x128xf32, #tpu.memory_space<vmem>>, vector<1x128xf32>
    %mul3A_40 = arith.mulf %get3A_39, %mul3A_31 : vector<1x128xf32>
    %sub3A = arith.subf %get3A_36, %mul3A_40 : vector<1x128xf32>
    %add3A_41 = vector.broadcast %sub3A : vector<1x128xf32> to vector<2000x128xf32>
    %add3A_42 = arith.addf %mul3A_33, %add3A_41 : vector<2000x128xf32>
    %max3A = arith.constant 0.000000e+00 : f32
    %max3A_43 = vector.broadcast %max3A : f32 to vector<2000x128xf32>
    %max3A_44 = arith.maximumf %add3A_42, %max3A_43 : vector<2000x128xf32>
    %get3A_45 = arith.constant 0 : index
    %get3A_46 = arith.constant 0 : index
    %get3A_47 = vector.load %arg3[%get3A_45, %get3A_46] : memref<2000x1xf32, #tpu.memory_space<vmem>>, vector<2000x1xf32>
    %get3A_48 = arith.constant 0 : index
    %get3A_49 = arith.constant 0 : index
    %get3A_50 = vector.load %arg9[%get3A_48, %get3A_49] : memref<128x128xf32, #tpu.memory_space<vmem>>, vector<128x128xf32>
    %dot_general3A = arith.constant dense<0.000000e+00> : vector<2000x128xf32>
    %dot_general3A_51 = tpu.matmul %max3A_44, %get3A_50, %dot_general3A {dimension_numbers = #tpu.dot_dimension_numbers<[1], [0], [0], [1], [0, 0, 1, 1], [], []>, precision = #tpu.contract_precision<fp32>, transpose_lhs_hint = false} : vector<2000x128xf32>, vector<128x128xf32>, vector<2000x128xf32> -> vector<2000x128xf32>
    %mul3A_52 = vector.broadcast %get3A_47 : vector<2000x1xf32> to vector<2000x128xf32>
    %mul3A_53 = arith.mulf %mul3A_52, %dot_general3A_51 : vector<2000x128xf32>
    %swap3A = arith.constant 0 : index
    %swap3A_54 = arith.constant 0 : index
    %swap3A_55 = vector.load %arg12[%swap3A, %swap3A_54] : memref<2000x128xf32, #tpu.memory_space<vmem>>, vector<2000x128xf32>
    tpu.vector_store %arg12[%swap3A, %swap3A_54], %mul3A_53 {strides = array<i32>} : memref<2000x128xf32, #tpu.memory_space<vmem>>, vector<2000x128xf32>,
    %get3A_56 = arith.constant 0 : index
    %get3A_57 = arith.constant 0 : index
    %get3A_58 = vector.load %arg11[%get3A_56, %get3A_57] : memref<2000x2xf32, #tpu.memory_space<vmem>>, vector<2000x2xf32>
    %get3A_59 = arith.constant 0 : index
    %get3A_60 = arith.constant 0 : index
    %get3A_61 = vector.load %arg10[%get3A_59, %get3A_60] : memref<128x2xf32, #tpu.memory_space<vmem>>, vector<128x2xf32>
    %dot_general3A_62 = arith.constant dense<0.000000e+00> : vector<2000x2xf32>
    %dot_general3A_63 = tpu.matmul %max3A_44, %get3A_61, %dot_general3A_62 {dimension_numbers = #tpu.dot_dimension_numbers<[1], [0], [0], [1], [0, 0, 1, 1], [], []>, precision = #tpu.contract_precision<fp32>, transpose_lhs_hint = false} : vector<2000x128xf32>, vector<128x2xf32>, vector<2000x2xf32> -> vector<2000x2xf32>
    %add3A_64 = arith.addf %get3A_58, %dot_general3A_63 : vector<2000x2xf32>
    %swap3A_65 = arith.constant 0 : index
    %swap3A_66 = arith.constant 0 : index
    %swap3A_67 = vector.load %arg13[%swap3A_65, %swap3A_66] : memref<2000x2xf32, #tpu.memory_space<vmem>>, vector<2000x2xf32>
    tpu.vector_store %arg13[%swap3A_65, %swap3A_66], %add3A_64 {strides = array<i32>} : memref<2000x2xf32, #tpu.memory_space<vmem>>, vector<2000x2xf32>,
    return
  }
  func.func @transform_0(%arg0: i32) -> (i32, i32, i32) {
    %c0_i32 = arith.constant 0 : i32
    %c0_i32_0 = arith.constant 0 : i32
    %c0_i32_1 = arith.constant 0 : i32
    return %c0_i32, %arg0, %c0_i32_0 : i32, i32, i32
  }
  func.func @transform_1(%arg0: i32) -> (i32, i32) {
    %c0_i32 = arith.constant 0 : i32
    %c0_i32_0 = arith.constant 0 : i32
    return %arg0, %c0_i32 : i32, i32
  }
  func.func @transform_2(%arg0: i32) -> (i32, i32) {
    %c0_i32 = arith.constant 0 : i32
    %c0_i32_0 = arith.constant 0 : i32
    return %arg0, %c0_i32 : i32, i32
  }
  func.func @transform_3(%arg0: i32) -> (i32, i32) {
    %c0_i32 = arith.constant 0 : i32
    %c0_i32_0 = arith.constant 0 : i32
    %c0_i32_1 = arith.constant 0 : i32
    return %c0_i32, %c0_i32_0 : i32, i32
  }
  func.func @transform_4(%arg0: i32) -> (i32, i32) {
    %c0_i32 = arith.constant 0 : i32
    %c0_i32_0 = arith.constant 0 : i32
    %c0_i32_1 = arith.constant 0 : i32
    return %c0_i32, %c0_i32_0 : i32, i32
  }
  func.func @transform_5(%arg0: i32) -> (i32, i32) {
    %c0_i32 = arith.constant 0 : i32
    %c0_i32_0 = arith.constant 0 : i32
    %c0_i32_1 = arith.constant 0 : i32
    return %c0_i32, %c0_i32_0 : i32, i32
  }
  func.func @transform_6(%arg0: i32) -> (i32, i32) {
    %c0_i32 = arith.constant 0 : i32
    %c0_i32_0 = arith.constant 0 : i32
    %c0_i32_1 = arith.constant 0 : i32
    return %c0_i32, %c0_i32_0 : i32, i32
  }
  func.func @transform_7(%arg0: i32) -> (i32, i32) {
    %c0_i32 = arith.constant 0 : i32
    %c0_i32_0 = arith.constant 0 : i32
    %c0_i32_1 = arith.constant 0 : i32
    return %c0_i32, %c0_i32_0 : i32, i32
  }
  func.func @transform_8(%arg0: i32) -> (i32, i32) {
    %c0_i32 = arith.constant 0 : i32
    %c0_i32_0 = arith.constant 0 : i32
    %c0_i32_1 = arith.constant 0 : i32
    return %c0_i32, %c0_i32_0 : i32, i32
  }
  func.func @transform_9(%arg0: i32) -> (i32, i32) {
    %c0_i32 = arith.constant 0 : i32
    %c0_i32_0 = arith.constant 0 : i32
    %c0_i32_1 = arith.constant 0 : i32
    return %c0_i32, %c0_i32_0 : i32, i32
  }
  func.func @transform_10(%arg0: i32) -> (i32, i32) {
    %c0_i32 = arith.constant 0 : i32
    %c0_i32_0 = arith.constant 0 : i32
    return %arg0, %c0_i32 : i32, i32
  }
  func.func @transform_11(%arg0: i32) -> (i32, i32) {
    %c0_i32 = arith.constant 0 : i32
    %c0_i32_0 = arith.constant 0 : i32
    return %arg0, %c0_i32 : i32, i32
  }
  func.func @transform_12(%arg0: i32) -> (i32, i32) {
    %c0_i32 = arith.constant 0 : i32
    %c0_i32_0 = arith.constant 0 : i32
    return %arg0, %c0_i32 : i32, i32
  }
}

module attributes {stable_mosaic.version = 14 : i64} {
  func.func @_tc_fin_body(%arg0: i32, %arg1: memref<2x2000x128xf32, #tpu.memory_space<vmem>>, %arg2: memref<2000x128xf32, #tpu.memory_space<vmem>>, %arg3: memref<2000x1xf32, #tpu.memory_space<vmem>>, %arg4: memref<1x128xf32, #tpu.memory_space<vmem>>, %arg5: memref<1x128xf32, #tpu.memory_space<vmem>>, %arg6: memref<1x128xf32, #tpu.memory_space<vmem>>, %arg7: memref<1x128xf32, #tpu.memory_space<vmem>>, %arg8: memref<1x128xf32, #tpu.memory_space<vmem>>, %arg9: memref<128x2xf32, #tpu.memory_space<vmem>>, %arg10: memref<2000x2xf32, #tpu.memory_space<vmem>>, %arg11: memref<2000x2xf32, #tpu.memory_space<vmem>>) attributes {dimension_semantics = [#tpu.dimension_semantics<arbitrary>], iteration_bounds = array<i64: 5>, scalar_prefetch = 0 : i64, scratch_operands = 0 : i64, tpu.core_type = #tpu.core_type<tc>, window_params = [{transform_indices = @transform_0, window_bounds = array<i64: 2, 2000, 128>}, {transform_indices = @transform_1, window_bounds = array<i64: 2000, 128>}, {transform_indices = @transform_2, window_bounds = array<i64: 2000, 1>}, {pipeline_mode = #tpu.pipeline_mode<synchronous>, transform_indices = @transform_3, window_bounds = array<i64: 1, 128>}, {pipeline_mode = #tpu.pipeline_mode<synchronous>, transform_indices = @transform_4, window_bounds = array<i64: 1, 128>}, {pipeline_mode = #tpu.pipeline_mode<synchronous>, transform_indices = @transform_5, window_bounds = array<i64: 1, 128>}, {pipeline_mode = #tpu.pipeline_mode<synchronous>, transform_indices = @transform_6, window_bounds = array<i64: 1, 128>}, {pipeline_mode = #tpu.pipeline_mode<synchronous>, transform_indices = @transform_7, window_bounds = array<i64: 1, 128>}, {pipeline_mode = #tpu.pipeline_mode<synchronous>, transform_indices = @transform_8, window_bounds = array<i64: 128, 2>}, {transform_indices = @transform_9, window_bounds = array<i64: 2000, 2>}, {transform_indices = @transform_10, window_bounds = array<i64: 2000, 2>}]} {
    %get3A = arith.constant 0 : index
    %get3A_0 = arith.constant 0 : index
    %get3A_1 = arith.constant 0 : index
    %get3A_2 = vector.load %arg1[%get3A, %get3A_0, %get3A_1] : memref<2x2000x128xf32, #tpu.memory_space<vmem>>, vector<1x2000x128xf32>
    %get3A_3 = vector.shape_cast %get3A_2 : vector<1x2000x128xf32> to vector<2000x128xf32>
    %get3A_4 = arith.constant 1 : index
    %get3A_5 = arith.constant 0 : index
    %get3A_6 = arith.constant 0 : index
    %get3A_7 = vector.load %arg1[%get3A_4, %get3A_5, %get3A_6] : memref<2x2000x128xf32, #tpu.memory_space<vmem>>, vector<1x2000x128xf32>
    %get3A_8 = vector.shape_cast %get3A_7 : vector<1x2000x128xf32> to vector<2000x128xf32>
    %add3A = arith.addf %get3A_3, %get3A_8 : vector<2000x128xf32>
    %get3A_9 = arith.constant 0 : index
    %get3A_10 = arith.constant 0 : index
    %get3A_11 = vector.load %arg2[%get3A_9, %get3A_10] : memref<2000x128xf32, #tpu.memory_space<vmem>>, vector<2000x128xf32>
    %add3A_12 = arith.addf %add3A, %get3A_11 : vector<2000x128xf32>
    %get3A_13 = arith.constant 0 : index
    %get3A_14 = arith.constant 0 : index
    %get3A_15 = vector.load %arg3[%get3A_13, %get3A_14] : memref<2000x1xf32, #tpu.memory_space<vmem>>, vector<2000x1xf32>
    %mul3A = vector.broadcast %get3A_15 : vector<2000x1xf32> to vector<2000x128xf32>
    %mul3A_16 = arith.mulf %mul3A, %add3A_12 : vector<2000x128xf32>
    %get3A_17 = arith.constant 0 : index
    %get3A_18 = arith.constant 0 : index
    %get3A_19 = vector.load %arg8[%get3A_17, %get3A_18] : memref<1x128xf32, #tpu.memory_space<vmem>>, vector<1x128xf32>
    %add3A_20 = vector.broadcast %get3A_19 : vector<1x128xf32> to vector<2000x128xf32>
    %add3A_21 = arith.addf %mul3A_16, %add3A_20 : vector<2000x128xf32>
    %get3A_22 = arith.constant 0 : index
    %get3A_23 = arith.constant 0 : index
    %get3A_24 = vector.load %arg4[%get3A_22, %get3A_23] : memref<1x128xf32, #tpu.memory_space<vmem>>, vector<1x128xf32>
    %get3A_25 = arith.constant 0 : index
    %get3A_26 = arith.constant 0 : index
    %get3A_27 = vector.load %arg7[%get3A_25, %get3A_26] : memref<1x128xf32, #tpu.memory_space<vmem>>, vector<1x128xf32>
    %add3A_28 = arith.constant 9.99999974E-6 : f32
    %add3A_29 = vector.broadcast %add3A_28 : f32 to vector<1x128xf32>
    %add3A_30 = arith.addf %get3A_27, %add3A_29 : vector<1x128xf32>
    %rsqrt3A = math.rsqrt %add3A_30 : vector<1x128xf32>
    %mul3A_31 = arith.mulf %get3A_24, %rsqrt3A : vector<1x128xf32>
    %mul3A_32 = vector.broadcast %mul3A_31 : vector<1x128xf32> to vector<2000x128xf32>
    %mul3A_33 = arith.mulf %add3A_21, %mul3A_32 : vector<2000x128xf32>
    %get3A_34 = arith.constant 0 : index
    %get3A_35 = arith.constant 0 : index
    %get3A_36 = vector.load %arg5[%get3A_34, %get3A_35] : memref<1x128xf32, #tpu.memory_space<vmem>>, vector<1x128xf32>
    %get3A_37 = arith.constant 0 : index
    %get3A_38 = arith.constant 0 : index
    %get3A_39 = vector.load %arg6[%get3A_37, %get3A_38] : memref<1x128xf32, #tpu.memory_space<vmem>>, vector<1x128xf32>
    %mul3A_40 = arith.mulf %get3A_39, %mul3A_31 : vector<1x128xf32>
    %sub3A = arith.subf %get3A_36, %mul3A_40 : vector<1x128xf32>
    %add3A_41 = vector.broadcast %sub3A : vector<1x128xf32> to vector<2000x128xf32>
    %add3A_42 = arith.addf %mul3A_33, %add3A_41 : vector<2000x128xf32>
    %max3A = arith.constant 0.000000e+00 : f32
    %max3A_43 = vector.broadcast %max3A : f32 to vector<2000x128xf32>
    %max3A_44 = arith.maximumf %add3A_42, %max3A_43 : vector<2000x128xf32>
    %get3A_45 = arith.constant 0 : index
    %get3A_46 = arith.constant 0 : index
    %get3A_47 = vector.load %arg10[%get3A_45, %get3A_46] : memref<2000x2xf32, #tpu.memory_space<vmem>>, vector<2000x2xf32>
    %get3A_48 = arith.constant 0 : index
    %get3A_49 = arith.constant 0 : index
    %get3A_50 = vector.load %arg9[%get3A_48, %get3A_49] : memref<128x2xf32, #tpu.memory_space<vmem>>, vector<128x2xf32>
    %dot_general3A = arith.constant dense<0.000000e+00> : vector<2000x2xf32>
    %dot_general3A_51 = tpu.matmul %max3A_44, %get3A_50, %dot_general3A {dimension_numbers = #tpu.dot_dimension_numbers<[1], [0], [0], [1], [0, 0, 1, 1], [], []>, precision = #tpu.contract_precision<fp32>, transpose_lhs_hint = false} : vector<2000x128xf32>, vector<128x2xf32>, vector<2000x2xf32> -> vector<2000x2xf32>
    %add3A_52 = arith.addf %get3A_47, %dot_general3A_51 : vector<2000x2xf32>
    %swap3A = arith.constant 0 : index
    %swap3A_53 = arith.constant 0 : index
    %swap3A_54 = vector.load %arg11[%swap3A, %swap3A_53] : memref<2000x2xf32, #tpu.memory_space<vmem>>, vector<2000x2xf32>
    tpu.vector_store %arg11[%swap3A, %swap3A_53], %add3A_52 {strides = array<i32>} : memref<2000x2xf32, #tpu.memory_space<vmem>>, vector<2000x2xf32>,
    return
  }
  func.func @transform_0(%arg0: i32) -> (i32, i32, i32) {
    %c0_i32 = arith.constant 0 : i32
    %c0_i32_0 = arith.constant 0 : i32
    %c0_i32_1 = arith.constant 0 : i32
    return %c0_i32, %arg0, %c0_i32_0 : i32, i32, i32
  }
  func.func @transform_1(%arg0: i32) -> (i32, i32) {
    %c0_i32 = arith.constant 0 : i32
    %c0_i32_0 = arith.constant 0 : i32
    return %arg0, %c0_i32 : i32, i32
  }
  func.func @transform_2(%arg0: i32) -> (i32, i32) {
    %c0_i32 = arith.constant 0 : i32
    %c0_i32_0 = arith.constant 0 : i32
    return %arg0, %c0_i32 : i32, i32
  }
  func.func @transform_3(%arg0: i32) -> (i32, i32) {
    %c0_i32 = arith.constant 0 : i32
    %c0_i32_0 = arith.constant 0 : i32
    %c0_i32_1 = arith.constant 0 : i32
    return %c0_i32, %c0_i32_0 : i32, i32
  }
  func.func @transform_4(%arg0: i32) -> (i32, i32) {
    %c0_i32 = arith.constant 0 : i32
    %c0_i32_0 = arith.constant 0 : i32
    %c0_i32_1 = arith.constant 0 : i32
    return %c0_i32, %c0_i32_0 : i32, i32
  }
  func.func @transform_5(%arg0: i32) -> (i32, i32) {
    %c0_i32 = arith.constant 0 : i32
    %c0_i32_0 = arith.constant 0 : i32
    %c0_i32_1 = arith.constant 0 : i32
    return %c0_i32, %c0_i32_0 : i32, i32
  }
  func.func @transform_6(%arg0: i32) -> (i32, i32) {
    %c0_i32 = arith.constant 0 : i32
    %c0_i32_0 = arith.constant 0 : i32
    %c0_i32_1 = arith.constant 0 : i32
    return %c0_i32, %c0_i32_0 : i32, i32
  }
  func.func @transform_7(%arg0: i32) -> (i32, i32) {
    %c0_i32 = arith.constant 0 : i32
    %c0_i32_0 = arith.constant 0 : i32
    %c0_i32_1 = arith.constant 0 : i32
    return %c0_i32, %c0_i32_0 : i32, i32
  }
  func.func @transform_8(%arg0: i32) -> (i32, i32) {
    %c0_i32 = arith.constant 0 : i32
    %c0_i32_0 = arith.constant 0 : i32
    %c0_i32_1 = arith.constant 0 : i32
    return %c0_i32, %c0_i32_0 : i32, i32
  }
  func.func @transform_9(%arg0: i32) -> (i32, i32) {
    %c0_i32 = arith.constant 0 : i32
    %c0_i32_0 = arith.constant 0 : i32
    return %arg0, %c0_i32 : i32, i32
  }
  func.func @transform_10(%arg0: i32) -> (i32, i32) {
    %c0_i32 = arith.constant 0 : i32
    %c0_i32_0 = arith.constant 0 : i32
    return %arg0, %c0_i32 : i32, i32
  }
}

</mosaic_0001>

<sc_bundles>
// kernel: kernel.10.cloned.1.call-start
scs
__scs_entry_jumppad:
0x0: {  	(pc) =	sbr.rel $0x88, $3  }
0x1: {  	(tag) =	ssettag $0x0;
	lr =	simm.s32 $0x1  }
0x2: {  	[smem:$0x3F89] =	sst lr;
	_ =	strace $0xD0000000  }
0x3: {  	_ = 	snop  }
0x4: {  	_ = 	snop  }
0x5: {  	_ = 	snop  }
0x6: {  	_ = 	snop  }
0x7: {  	_ = 	snop  }
__scs_overlays_trampoline_lowered:
0x8: {  	[smem:$0x3F98] =	sst s0  }
0x9: {  	[smem:$0x3F99] =	sst s1  }
0xa: {  	[smem:$0x3F9A] =	sst s2  }
0xb: {  	[smem:$0x3F9B] =	sst s3  }
0xc: {  	[smem:$0x3F9C] =	sst s4  }
0xd: {  	[smem:$0x3F9D] =	sst s5  }
0xe: {  	[smem:$0x3F9E] =	sst s6  }
0xf: {  	[smem:$0x3F9F] =	sst s7  }
0x10: {  	[smem:$0x3FA0] =	sst s8  }
0x11: {  	[smem:$0x3FA1] =	sst s9;
	s0 =	simm.s32 @!p0 $0x0  }
0x12: {  	s1 =	sld [smem:$0x3F87];
	s0 =	simm.s32 @p0 $0x1  }
0x13: {  	[smem:$0x3FA2] =	sst s0;
	s0 =	simm.s32 @!p1 $0x0  }
0x14: {  	s2 =	sld [smem:$0x3F86];
	s0 =	simm.s32 @p1 $0x1  }
0x15: {  	[smem:$0x3FA3] =	sst s0;
	s0 =	simm.s32 @!p2 $0x0  }
0x16: {  	s3 =	sld [smem:$0x3FDB];
	s0 =	simm.s32 @p2 $0x1  }
0x17: {  	s4 =	simm.s32 $0x1BF5;
	[smem:$0x3FA5] =	sst s0  }
0x18: {  	s0 =	sld [smem:$0x3F88];
	_ =	swait.ge [sflag:s4], $0x0  }
0x19: {  	s7 =	sld [smem:$0x3F89]  }
0x1a: {  	s8 =	sadd.s32 $0xFFFFE003, lr  }
0x1b: {  	s9 =	sadd.s32 $0xFFFFFEF7, lr;
	s5 =	simm.s32 $0xFFFFFFFF;
	p2 =	slt.u32 s8, $0xFFFFF086  }
0x1c: {  	p1 =	slt.u32 s9, $0xF7A;
	s5 =	simm.s32 @!p2 $0x0  }
0x1d: {  	s5 =	simm.s32 @p1 $0x1;
	p0 =	seq.s32 s7, s2  }
0x1e: {  	s7 =	smul.u32 @!p0 $0xF7A, s2;
	p2 =	seq.s32 @!p0 s5, $0x0  }
0x1f: {  	s9 =	smul.u32 $0xF7A, s1;
	s8 =	simm.s32 @!p0 $0x1BF5;
	p2 =	por !p2, p0  }
0x20: {  	[sflag:s8] =	ssyncset.s32 @!p0 $0xFFFFF086;
	s6 =	sadd.s32 @!p0 s3, s7;
	s7 =	simm.s32 @!p0 $0x108  }
0x21: {  	s3 =	sadd.s32 s3, s9;
	s6 =	sadd.s32 @!p0 $0x88, s6;
	s7 =	simm.s32 @p2 $0x1082  }
0x22: {  	[simem:s7], [sflag:s8] =	dma.local @!p0 [hbm:s6], $0xF7A  }
0x23: {  	s9 =	sor.u32 $0xD0000000, s2;
	s6 =	simm.s32 $0x108;
	_ =	swait.ge @!p0 [sflag:s8], $0x0  }
0x24: {  	s3 =	sadd.s32 $0x88, s3;
	s6 =	simm.s32 @!p1 $0x1082;
	[sflag:s4] =	ssyncset.s32 $0xFFFFF086  }
0x25: {  	[simem:s6], [sflag:s4] =	dma.local [hbm:s3], $0xF7A  }
0x26: {  	[smem:$0x3F89] =	sst s1;
	(tag) =	ssettag s2;
	_ =	strace s9  }
0x27: {  	s1 =	sld [smem:$0x3F99]  }
0x28: {  	s2 =	sld [smem:$0x3F9A]  }
0x29: {  	s4 =	sld [smem:$0x3F9C]  }
0x2a: {  	p0 =	seq.s32 s5, $0x0;
	s5 =	sld [smem:$0x3F9D]  }
0x2b: {  	s6 =	sld [smem:$0x3F9E]  }
0x2c: {  	s7 =	sld [smem:$0x3F9F]  }
0x2d: {  	s3 =	simm.s32 $0x108;
	s8 =	sld [smem:$0x3FA0]  }
0x2e: {  	s3 =	simm.s32 @!p0 $0x1082;
	s9 =	sld [smem:$0x3FA1]  }
0x2f: {  	lr =	sadd.s32 s0, s3;
	s0 =	sld [smem:$0x3F98]  }
0x30: {  	s3 =	sld [smem:$0x3F9B]  }
0x31: {  	[smem:$0x3FA4] =	sst s10  }
0x32: {  	s10 =	sld [smem:$0x3FA2];
	_ =	sdelay $0x3  }
0x33: {  	p0 =	seq.s32 s10, $0x1;
	s10 =	sld [smem:$0x3FA4];
	_ =	sdelay $0x3  }
0x34: {  	[smem:$0x3FA4] =	sst s10  }
0x35: {  	s10 =	sld [smem:$0x3FA3];
	_ =	sdelay $0x3  }
0x36: {  	p1 =	seq.s32 s10, $0x1;
	s10 =	sld [smem:$0x3FA4];
	_ =	sdelay $0x3  }
0x37: {  	[smem:$0x3FA4] =	sst s10  }
0x38: {  	s10 =	sld [smem:$0x3FA5]  }
0x39: {  	_ = 	snop;
	(pc) =	sbr.ind lr, $3  }
0x3a: {  	_ = 	snop  }
0x3b: {  	_ = 	snop  }
0x3c: {  	p2 =	seq.s32 s10, $0x1;
	s10 =	sld [smem:$0x3FA4]  }
0x3d: {  	_ =	shalt  }
0x3e: {  	_ =	shalt  }
0x3f: {  	_ =	shalt  }
0x40: {  	_ =	shalt  }
0x41: {  	_ =	shalt  }
0x42: {  	_ =	shalt  }
0x43: {  	_ =	shalt  }
0x44: {  	_ =	shalt  }
0x45: {  	_ =	shalt  }
0x46: {  	_ =	shalt  }
0x47: {  	_ =	shalt  }
0x48: {  	_ =	shalt  }
0x49: {  	_ =	shalt  }
0x4a: {  	_ =	shalt  }
0x4b: {  	_ =	shalt  }
0x4c: {  	_ =	shalt  }
0x4d: {  	_ =	shalt  }
0x4e: {  	_ =	shalt  }
0x4f: {  	_ =	shalt  }
0x50: {  	_ =	shalt  }
0x51: {  	_ =	shalt  }
0x52: {  	_ =	shalt  }
0x53: {  	_ =	shalt  }
0x54: {  	_ =	shalt  }
0x55: {  	_ =	shalt  }
0x56: {  	_ =	shalt  }
0x57: {  	_ =	shalt  }
0x58: {  	_ =	shalt  }
0x59: {  	_ =	shalt  }
0x5a: {  	_ =	shalt  }
0x5b: {  	_ =	shalt  }
0x5c: {  	_ =	shalt  }
0x5d: {  	_ =	shalt  }
0x5e: {  	_ =	shalt  }
0x5f: {  	_ =	shalt  }
0x60: {  	_ =	shalt  }
0x61: {  	_ =	shalt  }
0x62: {  	_ =	shalt  }
0x63: {  	_ =	shalt  }
0x64: {  	_ =	shalt  }
0x65: {  	_ =	shalt  }
0x66: {  	_ =	shalt  }
0x67: {  	_ =	shalt  }
0x68: {  	_ =	shalt  }
0x69: {  	_ =	shalt  }
0x6a: {  	_ =	shalt  }
0x6b: {  	_ =	shalt  }
0x6c: {  	_ =	shalt  }
0x6d: {  	_ =	shalt  }
0x6e: {  	_ =	shalt  }
0x6f: {  	_ =	shalt  }
0x70: {  	_ =	shalt  }
0x71: {  	_ =	shalt  }
0x72: {  	_ =	shalt  }
0x73: {  	_ =	shalt  }
0x74: {  	_ =	shalt  }
0x75: {  	_ =	shalt  }
0x76: {  	_ =	shalt  }
0x77: {  	_ =	shalt  }
0x78: {  	_ =	shalt  }
0x79: {  	_ =	shalt  }
0x7a: {  	_ =	shalt  }
0x7b: {  	_ =	shalt  }
0x7c: {  	_ =	shalt  }
0x7d: {  	_ =	shalt  }
0x7e: {  	_ =	shalt  }
0x7f: {  	_ =	shalt  }
0x80: {  	_ =	shalt  }
0x81: {  	_ =	shalt  }
0x82: {  	_ =	shalt  }
0x83: {  	_ =	shalt  }
0x84: {  	_ =	shalt  }
0x85: {  	_ =	shalt  }
0x86: {  	_ =	shalt  }
0x87: {  	_ =	shalt  }
.Lfunc_end0:
.L_simem_size_0:
called_computation_lowered:
.L_overlay_start_0:
0x88: {  	s2 =	sld [smem:$0x3FD9]  }
0x89: {  	s3 =	sld [smem:$0x3FFE];
	_ =	sdelay $0x1  }
0x8a: {  	s1 =	srdreg.scid  }
0x8b: {  	s0 =	sand.u32 $0x1, s1  }
0x8c: {  	s16 =	sshll.u32 s0, $0xA;
	s2 =	sadd.s32 s3, s2  }
0x8d: {  	s2 =	sadd.s32 s2, s16  }
0x8e: {  	[smem:$0x3FB0] =	sst s2  }
0x8f: {  	_ = 	snop  }
0x90: {  	(tm) =	ssettm $0x1  }
0x91: {  	s17 =	sld [smem:$0x3FFB];
	_ =	sdelay $0x3  }
0x92: {  	_ =	strace s17  }
0x93: {  	s2 =	sld [smem:$0x3FFC];
	_ =	sdelay $0x3  }
0x94: {  	_ =	strace s2  }
0x95: {  	s2 =	sld [smem:$0x3FFD];
	_ =	sdelay $0x3  }
0x96: {  	_ =	strace s2  }
0x97: {  	_ =	strace $0x8FFFFFFF  }
0x98: {  	s18 =	sld [smem:$0x3FDB];
	_ =	sdelay $0x1  }
0x99: {  	s19 =	simm.s32 $_scs_section_size  }
0x9a: {  	s4 =	simm.s32 $_size__tile_overlayer_lowered;
	s5 =	simm.s32 $_tile_overlayer_lowered  }
0x9b: {  	s22 =	simm.s32 $0x1BFF;
	s21 =	sshll.u32 s5, $0x1;
	s2 =	sadd.s32 s19, s18  }
0x9c: {  	s6 =	simm.s32 $0x0;
	s20 =	sshll.u32 s4, $0x1;
	s4 =	sadd.s32 s21, s2  }
0x9d: {  	[timem:s6], [sflag:s22] =	dma.local [hbm:s4], s20  }
0x9e: {  	_ =	swait.ge [sflag:s22], s20  }
0x9f: {  	s3 =	ssub.s32 $0x0, s20;
	[sflag:s22] =	ssyncset.done $0x0  }
0xa0: {  	[sflag:s22] =	ssyncadd.s32 s3;
	_ =	sdelay $0x1  }
0xa1: {  	s23 =	simm.s32 $0x1B8B  }
0xa2: {  	_ =	swait.ge [sflag:s23], $0x1  }
0xa3: {  	[sflag:s23] =	ssyncset.done $0x0  }
0xa4: {  	s25 =	simm.s32 $0x1B8E;
	s24 =	sld [smem:$0x3FFE];
	[sflag:s23] =	ssyncadd.s32 $0xFFFFFFFF  }
0xa5: {  	s26 =	simm.s32 $execute0_lowered;
	[smem:$0x3FD2] =	sst s25  }
0xa6: {  	s4 =	sshll.u32 s26, $0x1;
	_ =	strace $0x80000046;
	[dreg:$0x1] =	wrdreg $0xFFFFFFFF  }
0xa7: {  	s28 =	simm.s32 $_size_execute0_lowered;
	s2 =	sadd.s32 s2, s4;
	[dreg:$0x0] =	wrdreg $0x0  }
0xa8: {  	s4 =	sshll.u32 s28, $0x1;
	[dreg:$0x2] =	wrdreg s2  }
0xa9: {  	[dreg:$0x3] =	wrdreg s4  }
0xaa: {  	[dreg:$0x4] =	wrdreg $0xC0  }
0xab: {  	_ =	task [dreg:s6], $0x5FFFF  }
0xac: {  	[dreg:$0x1] =	wrdreg $0xFFFFFFFF  }
0xad: {  	[dreg:$0x0] =	wrdreg $0x60  }
0xae: {  	[dreg:$0x2] =	wrdreg s24  }
0xaf: {  	[dreg:$0x3] =	wrdreg $0x43000  }
0xb0: {  	[dreg:$0x4] =	wrdreg $0x9  }
0xb1: {  	_ =	task.clear_ibuf [dreg:s6], $0x5FFFF;
	_ =	strace $0x90000046  }
0xb2: {  	s29 =	simm.s32 $0x9;
	_ =	strace $0x80000048  }
0xb3: {  	_ =	swait.ge [sflag:s29], $0x1  }
0xb4: {  	[sflag:s29] =	ssyncadd.s32 $0xFFFFFFFF  }
0xb5: {  	_ =	strace $0x90000048  }
0xb6: {  	_ =	sfence  }
0xb7: {  	s30 =	sld [smem:$0x0];
	_ =	sdelay $0x2  }
0xb8: {  	s31 =	sshll.u32 s1, $0xD;
	s1 =	sshrl.u32 s1, $0x2  }
0xb9: {  	s3 =	sand.u32 $0x4000, s31;
	s1 =	sadd.s32 s1, s30  }
0xba: {  	s0 =	sor.u32 s3, s0;
	s1 =	sshll.u32 s1, $0x11  }
0xbb: {  	s0 =	sor.u32 s1, s0  }
0xbc: {  	s0 =	sadd.s32 $0x8F2B, s0  }
0xbd: {  	[sflag:s0] =	ssyncadd.remote.s32 $0x1  }
0xbe: {  	_ =	sfence.sel $0xFFFF  }
0xbf: {  	[dreg:$0x0] =	wrdreg $0xFFFFFFFF;
	(pc) =	sbr.abs _section_cstart, $3  }
0xc0: {  	[dreg:$0x1] =	wrdreg $0xFFFFFFFF  }
0xc1: {  	_ =	task.clear_ibuf [dreg:s6], $0x2FFFF;
	_ =	strace $0x9FFFFFFF  }
0xc2: {  	(tm) =	ssettm $0x7FFFFFFF  }
0xc3: {  	_ =	shalt  }
tec
execute0_lowered:
.L_overlay_start_1:
0x0: {  	(tag) =	ssettag $0x1  }
0x1: {  	s4 =	rddreg [dreg:$0x0]  }
0x2: {  	s2 =	rddreg [dreg:$0x1]  }
0x3: {  	s0 =	rddreg [dreg:$0x2];
	s5 =	srdreg.scid  }
0x4: {  	s1 =	stileid.u32;
	s3 =	simm.s32 $0x0;
	s10 =	simm.s32 $0x50  }
0x5: {  	s11 =	simm.s32 $0x4000;
	s12 =	simm.s32 $0x80;
	s13 =	simm.s32 $0x100  }
0x6: {  	s14 =	simm.s32 $0x0;
	s5 =	sand.u32 $0x1, s5;
	s6 =	smul.u32 $0x500, s1  }
0x7: {  	[smem:$0x7FF] =	sst s3;
	s28 =	smul.u32 $0xA00, s1;
	s30 =	sshll.u32 s1, $0xC  }
0x8: {  	s7 =	sshll.u32 s5, $0x7;
	_ =	strace $0x80000047;
	s8 =	sshll.u32 s5, $0xB  }
0x9: {  	s29 =	ssub.s32 $0x2, s5;
	s6 =	sor.u32 s7, s6;
	s26 =	sadd.s32 s8, s4  }
0xa: {  	s9 =	sshrl.u32 s29, $0x1;
	s8 =	sshrl.u32 s28, $0x2;
	s6 =	sshrl.u32 s6, $0x3  }
0xb: {  	s5 =	sadd.s32 s30, s26;
	s31 =	ssub.s32 s29, s9;
	s9 =	simm.s32 $0x1  }
0xc: {  	s6 =	sadd.s32 s6, s4;
	s4 =	sadd.s32 s8, s2;
	s5 =	sadd.s32 $0x5400, s5  }
0xd: {  	v0 =	vimm.f32 $0.0e+00;
	v1 =	vimm.f32 $1.000000000e+00;
	s7 =	smax.u32 s31, $0x1;
	s8 =	simm.s32 $0x4080;
	s6 =	sadd.s32 $0x15400, s6  }
.LBB2_1:
0xe: {  	[tilespmem:$0x4080] =	vst v0  }
0xf: {  	[tilespmem:$0x4090] =	vst v0  }
0x10: {  	[tilespmem:$0x40A0] =	vst v0  }
0x11: {  	[tilespmem:$0x40B0] =	vst v0  }
0x12: {  	[tilespmem:$0x40C0] =	vst v0  }
0x13: {  	[tilespmem:$0x40D0] =	vst v0  }
0x14: {  	[tilespmem:$0x40E0] =	vst v0  }
0x15: {  	[tilespmem:$0x40F0] =	vst v0  }
0x16: {  	[tilespmem:$0x4100] =	vst v0  }
0x17: {  	[tilespmem:$0x4110] =	vst v0  }
0x18: {  	[tilespmem:$0x4120] =	vst v0  }
0x19: {  	[tilespmem:$0x4130] =	vst v0  }
0x1a: {  	[tilespmem:$0x4140] =	vst v0  }
0x1b: {  	[tilespmem:$0x4150] =	vst v0  }
0x1c: {  	[tilespmem:$0x4160] =	vst v0  }
0x1d: {  	[tilespmem:$0x4170] =	vst v0  }
0x1e: {  	[tilespmem:$0x4180] =	vst v0  }
0x1f: {  	[tilespmem:$0x4190] =	vst v0  }
0x20: {  	[tilespmem:$0x41A0] =	vst v0  }
0x21: {  	[tilespmem:$0x41B0] =	vst v0  }
0x22: {  	[tilespmem:$0x41C0] =	vst v0  }
0x23: {  	[tilespmem:$0x41D0] =	vst v0  }
0x24: {  	[tilespmem:$0x41E0] =	vst v0  }
0x25: {  	[tilespmem:$0x41F0] =	vst v0  }
0x26: {  	[tilespmem:$0x4200] =	vst v0  }
0x27: {  	[tilespmem:$0x4210] =	vst v0  }
0x28: {  	[tilespmem:$0x4220] =	vst v0  }
0x29: {  	[tilespmem:$0x4230] =	vst v0  }
0x2a: {  	[tilespmem:$0x4240] =	vst v0  }
0x2b: {  	[tilespmem:$0x4250] =	vst v0  }
0x2c: {  	[tilespmem:$0x4260] =	vst v0  }
0x2d: {  	[tilespmem:$0x4270] =	vst v0  }
0x2e: {  	[tilespmem:$0x4280] =	vst v0  }
0x2f: {  	[tilespmem:$0x4290] =	vst v0  }
0x30: {  	[tilespmem:$0x42A0] =	vst v0  }
0x31: {  	[tilespmem:$0x42B0] =	vst v0  }
0x32: {  	[tilespmem:$0x42C0] =	vst v0  }
0x33: {  	[tilespmem:$0x42D0] =	vst v0  }
0x34: {  	[tilespmem:$0x42E0] =	vst v0  }
0x35: {  	[tilespmem:$0x42F0] =	vst v0  }
0x36: {  	[spmem:s4] =	stream.linear.scatter [tilespmem:s8], [sflag:$0x1], $0x280, $0x38;
	[tilespmem:$0x4580] =	vst v63  }
0x37: {  	_ =	swait.ge [sflag:s9], $0x280  }
0x38: {  	[sflag:s9] =	ssyncset.done $0x0  }
0x39: {  	[sflag:s9] =	ssyncadd.s32 $0xFFFFFD80  }
0x3a: {  	[tilespmem:$0x4000] =	vst v1  }
0x3b: {  	[tilespmem:$0x4010] =	vst v1  }
0x3c: {  	[tilespmem:$0x4020] =	vst v1  }
0x3d: {  	[tilespmem:$0x4030] =	vst v1  }
0x3e: {  	[tilespmem:$0x4040] =	vst v1  }
0x3f: {  	[bflag:$0x0] =	sbarrier.arrive $0xFFFF  }
0x40: {  	[tilespmem:s3], [sflag:$0x1] =	stream.linear.gather [hbm4b:s5+s3], $0x3E80, $0x38;
	[tilespmem:$0x4580] =	vst v63  }
0x41: {  	_ =	swait.ge [sflag:s9], $0x3E80  }
0x42: {  	[sflag:s9] =	ssyncset.done $0x0  }
0x43: {  	s15 =	simm.s32 $0x0;
	[sflag:s9] =	ssyncadd.s32 $0xFFFFC180  }
0x44: {  	[spmem:s2] =	stream.indirect.scatter.add.f32 [tilespmem:s11], [sflag:$0x1], $0x1, s15, s10, $0xb8;
	[tilespmem:$0x4580] =	vst v63  }
0x45: {  	_ =	swait.ge [sflag:s9], $0x50  }
0x46: {  	s15 =	simm.s32 $0x200;
	[sflag:s9] =	ssyncset.done $0x0  }
.LBB2_2:
0x47: {  	s16 =	sshra.s32 s15, $0x2;
	[sflag:s9] =	ssyncadd.s32 $0xFFFFFFB0;
	p0 =	sne.s32 s15, $0xF800  }
0x48: {  	[spmem:s2] =	stream.indirect.scatter.add.f32 [tilespmem:s11], [sflag:$0x1], $0x1, s16, s10, $0xb8;
	[tilespmem:$0x4580] =	vst v63  }
.Ltmp0:
0x49: {  	_ = 	snop;
	(pc) =	sbr.rel @p0 .LBB2_2-.Ltmp0, $4  }
0x4a: {  	_ = 	snop  }
0x4b: {  	s15 =	sadd.s32 $0x200, s15  }
0x4c: {  	_ =	swait.ge [sflag:s9], $0x50  }
0x4d: {  	[sflag:s9] =	ssyncset.done $0x0  }
0x4e: {  	[sflag:s9] =	ssyncadd.s32 $0xFFFFFFB0  }
0x4f: {  	[bflag:$0x0] =	sbarrier.arrive $0xFFFF  }
0x50: {  	[tilespmem:s8], [sflag:$0x1] =	stream.linear.gather [spmem:s4], $0x280, $0x38;
	[tilespmem:$0x4580] =	vst v63  }
0x51: {  	s14 =	sadd.s32 $0x1, s14;
	_ =	swait.ge [sflag:s9], $0x280  }
0x52: {  	p0 =	sne.s32 s14, s7;
	[sflag:s9] =	ssyncset.done $0x0  }
.Ltmp1:
0x53: {  	[sflag:s9] =	ssyncadd.s32 $0xFFFFFD80;
	(pc) =	sbr.rel @p0 .LBB2_1-.Ltmp1, $4  }
0x54: {  	[hbm4b:s6+s12] =	stream.strided.scatter [tilespmem:s8], [sflag:$0x1], $0x280, s13, s12, $0x38;
	[tilespmem:$0x4580] =	vst v63  }
0x55: {  	_ =	swait.ge [sflag:s9], $0x280  }
0x56: {  	[sflag:s9] =	ssyncset.done $0x0  }
0x57: {  	[sflag:s9] =	ssyncadd.s32 $0xFFFFFD80  }
0x58: {  	_ =	sfence.sel $0x180000  }
0x59: {  	[bflag:$0x0] =	sbarrier.arrive $0xFFFF  }
0x5a: {  	p0 =	sne.s32 s1, $0x0;
	_ =	strace $0x90000047  }
0x5b: {  	s0 =	sadd.s32 @!p0 $0x100000, s0;
	[bflag:$0x2] =	sbarrier.arrive $0xFFFF  }
0x5c: {  	[sflag:s0] =	ssyncadd.tile.s32 @!p0 $0x1;
	_ =	shalt  }
.Lfunc_end2:
_tile_overlayer_lowered:
.L_overlay_start_2:
0x5d: {  	(tag) =	ssettag $0x2  }
0x5e: {  	s0 =	rddreg [dreg:$0x0];
	s2 =	stileid.u32  }
0x5f: {  	s1 =	rddreg [dreg:$0x1];
	p0 =	sne.s32 s2, $0x0  }
0x60: {  	s3 =	rddreg [dreg:$0x2];
	[bflag:$0x3] =	sbarrier.arrive $0xFFFF;
	s2 =	simm.s32 @!p0 $0x1C01  }
0x61: {  	[timem:s3], [sflag:s2] =	dma.local @!p0 [hbm:s0], s1  }
0x62: {  	s0 =	simm.s32 @!p0 $0x1  }
0x63: {  	_ =	swait.ge @!p0 [sflag:s0], s1  }
0x64: {  	s1 =	ssub.s32 @!p0 $0x0, s1;
	[sflag:s0] =	ssyncset.done @!p0 $0x0  }
0x65: {  	[sflag:s0] =	ssyncadd.s32 @!p0 s1  }
0x66: {  	[bflag:$0x3] =	sbarrier.arrive $0xFFFF  }
0x67: {  	_ =	shalt  }

// kernel: kernel.13.cloned.1.call-start
scs
__scs_entry_jumppad:
0x0: {  	(pc) =	sbr.rel $0x88, $3  }
0x1: {  	(tag) =	ssettag $0x0;
	lr =	simm.s32 $0x1  }
0x2: {  	[smem:$0x3F89] =	sst lr;
	_ =	strace $0xD0000000  }
0x3: {  	_ = 	snop  }
0x4: {  	_ = 	snop  }
0x5: {  	_ = 	snop  }
0x6: {  	_ = 	snop  }
0x7: {  	_ = 	snop  }
__scs_overlays_trampoline_lowered:
0x8: {  	[smem:$0x3F98] =	sst s0  }
0x9: {  	[smem:$0x3F99] =	sst s1  }
0xa: {  	[smem:$0x3F9A] =	sst s2  }
0xb: {  	[smem:$0x3F9B] =	sst s3  }
0xc: {  	[smem:$0x3F9C] =	sst s4  }
0xd: {  	[smem:$0x3F9D] =	sst s5  }
0xe: {  	[smem:$0x3F9E] =	sst s6  }
0xf: {  	[smem:$0x3F9F] =	sst s7  }
0x10: {  	[smem:$0x3FA0] =	sst s8  }
0x11: {  	[smem:$0x3FA1] =	sst s9;
	s0 =	simm.s32 @!p0 $0x0  }
0x12: {  	s1 =	sld [smem:$0x3F87];
	s0 =	simm.s32 @p0 $0x1  }
0x13: {  	[smem:$0x3FA2] =	sst s0;
	s0 =	simm.s32 @!p1 $0x0  }
0x14: {  	s2 =	sld [smem:$0x3F86];
	s0 =	simm.s32 @p1 $0x1  }
0x15: {  	[smem:$0x3FA3] =	sst s0;
	s0 =	simm.s32 @!p2 $0x0  }
0x16: {  	s3 =	sld [smem:$0x3FDB];
	s0 =	simm.s32 @p2 $0x1  }
0x17: {  	s4 =	simm.s32 $0x1BF5;
	[smem:$0x3FA5] =	sst s0  }
0x18: {  	s0 =	sld [smem:$0x3F88];
	_ =	swait.ge [sflag:s4], $0x0  }
0x19: {  	s7 =	sld [smem:$0x3F89]  }
0x1a: {  	s8 =	sadd.s32 $0xFFFFE003, lr  }
0x1b: {  	s9 =	sadd.s32 $0xFFFFFEF7, lr;
	s5 =	simm.s32 $0xFFFFFFFF;
	p2 =	slt.u32 s8, $0xFFFFF086  }
0x1c: {  	p1 =	slt.u32 s9, $0xF7A;
	s5 =	simm.s32 @!p2 $0x0  }
0x1d: {  	s5 =	simm.s32 @p1 $0x1;
	p0 =	seq.s32 s7, s2  }
0x1e: {  	s7 =	smul.u32 @!p0 $0xF7A, s2;
	p2 =	seq.s32 @!p0 s5, $0x0  }
0x1f: {  	s9 =	smul.u32 $0xF7A, s1;
	s8 =	simm.s32 @!p0 $0x1BF5;
	p2 =	por !p2, p0  }
0x20: {  	[sflag:s8] =	ssyncset.s32 @!p0 $0xFFFFF086;
	s6 =	sadd.s32 @!p0 s3, s7;
	s7 =	simm.s32 @!p0 $0x108  }
0x21: {  	s3 =	sadd.s32 s3, s9;
	s6 =	sadd.s32 @!p0 $0x88, s6;
	s7 =	simm.s32 @p2 $0x1082  }
0x22: {  	[simem:s7], [sflag:s8] =	dma.local @!p0 [hbm:s6], $0xF7A  }
0x23: {  	s9 =	sor.u32 $0xD0000000, s2;
	s6 =	simm.s32 $0x108;
	_ =	swait.ge @!p0 [sflag:s8], $0x0  }
0x24: {  	s3 =	sadd.s32 $0x88, s3;
	s6 =	simm.s32 @!p1 $0x1082;
	[sflag:s4] =	ssyncset.s32 $0xFFFFF086  }
0x25: {  	[simem:s6], [sflag:s4] =	dma.local [hbm:s3], $0xF7A  }
0x26: {  	[smem:$0x3F89] =	sst s1;
	(tag) =	ssettag s2;
	_ =	strace s9  }
0x27: {  	s1 =	sld [smem:$0x3F99]  }
0x28: {  	s2 =	sld [smem:$0x3F9A]  }
0x29: {  	s4 =	sld [smem:$0x3F9C]  }
0x2a: {  	p0 =	seq.s32 s5, $0x0;
	s5 =	sld [smem:$0x3F9D]  }
0x2b: {  	s6 =	sld [smem:$0x3F9E]  }
0x2c: {  	s7 =	sld [smem:$0x3F9F]  }
0x2d: {  	s3 =	simm.s32 $0x108;
	s8 =	sld [smem:$0x3FA0]  }
0x2e: {  	s3 =	simm.s32 @!p0 $0x1082;
	s9 =	sld [smem:$0x3FA1]  }
0x2f: {  	lr =	sadd.s32 s0, s3;
	s0 =	sld [smem:$0x3F98]  }
0x30: {  	s3 =	sld [smem:$0x3F9B]  }
0x31: {  	[smem:$0x3FA4] =	sst s10  }
0x32: {  	s10 =	sld [smem:$0x3FA2];
	_ =	sdelay $0x3  }
0x33: {  	p0 =	seq.s32 s10, $0x1;
	s10 =	sld [smem:$0x3FA4];
	_ =	sdelay $0x3  }
0x34: {  	[smem:$0x3FA4] =	sst s10  }
0x35: {  	s10 =	sld [smem:$0x3FA3];
	_ =	sdelay $0x3  }
0x36: {  	p1 =	seq.s32 s10, $0x1;
	s10 =	sld [smem:$0x3FA4];
	_ =	sdelay $0x3  }
0x37: {  	[smem:$0x3FA4] =	sst s10  }
0x38: {  	s10 =	sld [smem:$0x3FA5]  }
0x39: {  	_ = 	snop;
	(pc) =	sbr.ind lr, $3  }
0x3a: {  	_ = 	snop  }
0x3b: {  	_ = 	snop  }
0x3c: {  	p2 =	seq.s32 s10, $0x1;
	s10 =	sld [smem:$0x3FA4]  }
0x3d: {  	_ =	shalt  }
0x3e: {  	_ =	shalt  }
0x3f: {  	_ =	shalt  }
0x40: {  	_ =	shalt  }
0x41: {  	_ =	shalt  }
0x42: {  	_ =	shalt  }
0x43: {  	_ =	shalt  }
0x44: {  	_ =	shalt  }
0x45: {  	_ =	shalt  }
0x46: {  	_ =	shalt  }
0x47: {  	_ =	shalt  }
0x48: {  	_ =	shalt  }
0x49: {  	_ =	shalt  }
0x4a: {  	_ =	shalt  }
0x4b: {  	_ =	shalt  }
0x4c: {  	_ =	shalt  }
0x4d: {  	_ =	shalt  }
0x4e: {  	_ =	shalt  }
0x4f: {  	_ =	shalt  }
0x50: {  	_ =	shalt  }
0x51: {  	_ =	shalt  }
0x52: {  	_ =	shalt  }
0x53: {  	_ =	shalt  }
0x54: {  	_ =	shalt  }
0x55: {  	_ =	shalt  }
0x56: {  	_ =	shalt  }
0x57: {  	_ =	shalt  }
0x58: {  	_ =	shalt  }
0x59: {  	_ =	shalt  }
0x5a: {  	_ =	shalt  }
0x5b: {  	_ =	shalt  }
0x5c: {  	_ =	shalt  }
0x5d: {  	_ =	shalt  }
0x5e: {  	_ =	shalt  }
0x5f: {  	_ =	shalt  }
0x60: {  	_ =	shalt  }
0x61: {  	_ =	shalt  }
0x62: {  	_ =	shalt  }
0x63: {  	_ =	shalt  }
0x64: {  	_ =	shalt  }
0x65: {  	_ =	shalt  }
0x66: {  	_ =	shalt  }
0x67: {  	_ =	shalt  }
0x68: {  	_ =	shalt  }
0x69: {  	_ =	shalt  }
0x6a: {  	_ =	shalt  }
0x6b: {  	_ =	shalt  }
0x6c: {  	_ =	shalt  }
0x6d: {  	_ =	shalt  }
0x6e: {  	_ =	shalt  }
0x6f: {  	_ =	shalt  }
0x70: {  	_ =	shalt  }
0x71: {  	_ =	shalt  }
0x72: {  	_ =	shalt  }
0x73: {  	_ =	shalt  }
0x74: {  	_ =	shalt  }
0x75: {  	_ =	shalt  }
0x76: {  	_ =	shalt  }
0x77: {  	_ =	shalt  }
0x78: {  	_ =	shalt  }
0x79: {  	_ =	shalt  }
0x7a: {  	_ =	shalt  }
0x7b: {  	_ =	shalt  }
0x7c: {  	_ =	shalt  }
0x7d: {  	_ =	shalt  }
0x7e: {  	_ =	shalt  }
0x7f: {  	_ =	shalt  }
0x80: {  	_ =	shalt  }
0x81: {  	_ =	shalt  }
0x82: {  	_ =	shalt  }
0x83: {  	_ =	shalt  }
0x84: {  	_ =	shalt  }
0x85: {  	_ =	shalt  }
0x86: {  	_ =	shalt  }
0x87: {  	_ =	shalt  }
.Lfunc_end0:
.L_simem_size_0:
called_computation.1_lowered:
.L_overlay_start_0:
0x88: {  	s2 =	sld [smem:$0x3FD9]  }
0x89: {  	s3 =	sld [smem:$0x3FFE];
	_ =	sdelay $0x1  }
0x8a: {  	s1 =	srdreg.scid  }
0x8b: {  	s0 =	sand.u32 $0x1, s1  }
0x8c: {  	s16 =	sshll.u32 s0, $0xA;
	s2 =	sadd.s32 s3, s2  }
0x8d: {  	s2 =	sadd.s32 s2, s16  }
0x8e: {  	[smem:$0x3FB0] =	sst s2  }
0x8f: {  	_ = 	snop  }
0x90: {  	(tm) =	ssettm $0x1  }
0x91: {  	s17 =	sld [smem:$0x3FFB];
	_ =	sdelay $0x3  }
0x92: {  	_ =	strace s17  }
0x93: {  	s2 =	sld [smem:$0x3FFC];
	_ =	sdelay $0x3  }
0x94: {  	_ =	strace s2  }
0x95: {  	s2 =	sld [smem:$0x3FFD];
	_ =	sdelay $0x3  }
0x96: {  	_ =	strace s2  }
0x97: {  	_ =	strace $0x8FFFFFFF  }
0x98: {  	s18 =	sld [smem:$0x3FDB];
	_ =	sdelay $0x1  }
0x99: {  	s19 =	simm.s32 $_scs_section_size  }
0x9a: {  	s4 =	simm.s32 $_size__tile_overlayer_lowered;
	s5 =	simm.s32 $_tile_overlayer_lowered  }
0x9b: {  	s22 =	simm.s32 $0x1BFF;
	s21 =	sshll.u32 s5, $0x1;
	s2 =	sadd.s32 s19, s18  }
0x9c: {  	s6 =	simm.s32 $0x0;
	s20 =	sshll.u32 s4, $0x1;
	s4 =	sadd.s32 s21, s2  }
0x9d: {  	[timem:s6], [sflag:s22] =	dma.local [hbm:s4], s20  }
0x9e: {  	_ =	swait.ge [sflag:s22], s20  }
0x9f: {  	s3 =	ssub.s32 $0x0, s20;
	[sflag:s22] =	ssyncset.done $0x0  }
0xa0: {  	[sflag:s22] =	ssyncadd.s32 s3;
	_ =	sdelay $0x1  }
0xa1: {  	s23 =	simm.s32 $0x1B8B  }
0xa2: {  	_ =	swait.ge [sflag:s23], $0x1  }
0xa3: {  	[sflag:s23] =	ssyncset.done $0x0  }
0xa4: {  	s25 =	simm.s32 $0x1B8E;
	s24 =	sld [smem:$0x3FFE];
	[sflag:s23] =	ssyncadd.s32 $0xFFFFFFFF  }
0xa5: {  	s26 =	simm.s32 $execute0_lowered;
	[smem:$0x3FD2] =	sst s25  }
0xa6: {  	s4 =	sshll.u32 s26, $0x1;
	_ =	strace $0x80000049;
	[dreg:$0x1] =	wrdreg $0xFFFFFFFF  }
0xa7: {  	s28 =	simm.s32 $_size_execute0_lowered;
	s2 =	sadd.s32 s2, s4;
	[dreg:$0x0] =	wrdreg $0x0  }
0xa8: {  	s4 =	sshll.u32 s28, $0x1;
	[dreg:$0x2] =	wrdreg s2  }
0xa9: {  	[dreg:$0x3] =	wrdreg s4  }
0xaa: {  	[dreg:$0x4] =	wrdreg $0xC0  }
0xab: {  	_ =	task [dreg:s6], $0x5FFFF  }
0xac: {  	[dreg:$0x1] =	wrdreg $0xFFFFFFFF  }
0xad: {  	[dreg:$0x0] =	wrdreg $0x60  }
0xae: {  	[dreg:$0x2] =	wrdreg s24  }
0xaf: {  	[dreg:$0x3] =	wrdreg $0x98000  }
0xb0: {  	[dreg:$0x4] =	wrdreg $0x9  }
0xb1: {  	_ =	task.clear_ibuf [dreg:s6], $0x5FFFF;
	_ =	strace $0x90000049  }
0xb2: {  	s29 =	simm.s32 $0x9;
	_ =	strace $0x8000004B  }
0xb3: {  	_ =	swait.ge [sflag:s29], $0x1  }
0xb4: {  	[sflag:s29] =	ssyncadd.s32 $0xFFFFFFFF  }
0xb5: {  	_ =	strace $0x9000004B  }
0xb6: {  	_ =	sfence  }
0xb7: {  	s30 =	sld [smem:$0x0];
	_ =	sdelay $0x2  }
0xb8: {  	s31 =	sshll.u32 s1, $0xD;
	s1 =	sshrl.u32 s1, $0x2  }
0xb9: {  	s3 =	sand.u32 $0x4000, s31;
	s1 =	sadd.s32 s1, s30  }
0xba: {  	s0 =	sor.u32 s3, s0;
	s1 =	sshll.u32 s1, $0x11  }
0xbb: {  	s0 =	sor.u32 s1, s0  }
0xbc: {  	s0 =	sadd.s32 $0x8F2B, s0  }
0xbd: {  	[sflag:s0] =	ssyncadd.remote.s32 $0x1  }
0xbe: {  	_ =	sfence.sel $0xFFFF  }
0xbf: {  	[dreg:$0x0] =	wrdreg $0xFFFFFFFF;
	(pc) =	sbr.abs _section_cstart, $3  }
0xc0: {  	[dreg:$0x1] =	wrdreg $0xFFFFFFFF  }
0xc1: {  	_ =	task.clear_ibuf [dreg:s6], $0x2FFFF;
	_ =	strace $0x9FFFFFFF  }
0xc2: {  	(tm) =	ssettm $0x7FFFFFFF  }
0xc3: {  	_ =	shalt  }
tec
execute0_lowered:
.L_overlay_start_1:
0x0: {  	(tag) =	ssettag $0x1  }
0x1: {  	s0 =	rddreg [dreg:$0x0]  }
0x2: {  	s1 =	rddreg [dreg:$0x1];
	s3 =	simm.s32 $0x0  }
0x3: {  	s2 =	srdreg.scid;
	s11 =	stileid.u32;
	s13 =	simm.s32 $0x9  }
0x4: {  	s14 =	simm.s32 $0x1400;
	s15 =	simm.s32 $0x32;
	s16 =	simm.s32 $0x2800  }
0x5: {  	s17 =	simm.s32 $0x80;
	s18 =	simm.s32 $0x4400;
	s19 =	simm.s32 $0x100  }
0x6: {  	s28 =	simm.s32 $0x1500;
	s29 =	simm.s32 $0x4;
	s30 =	simm.s32 $0x1580  }
0x7: {  	s31 =	simm.s32 $0x5;
	[smem:$0x7FF] =	sst s3;
	s2 =	sand.u32 $0x1, s2  }
0x8: {  	s8 =	smul.u32 $0x14000, s11;
	s4 =	sadd.s32 $0x47E00, s0;
	s5 =	sadd.s32 $0x2EE00, s0  }
0x9: {  	s6 =	sadd.s32 $0x15E00, s0;
	s9 =	sadd.s32 $0x5400, s0;
	s10 =	smul.u32 $0x50000, s11  }
0xa: {  	s23 =	sshll.u32 s11, $0x1;
	s25 =	sshll.u32 s11, $0x6;
	s7 =	smul.u32 $0x140000, s2  }
0xb: {  	_ =	strace $0x8000004A;
	[dreg:$0x3] =	wrdreg s9;
	s20 =	ssub.s32 $0x2, s2  }
0xc: {  	s2 =	sor.u32 s2, s23;
	s23 =	simm.s32 $0x1;
	s21 =	sshrl.u32 s20, $0x1  }
0xd: {  	s24 =	sshrl.u32 s10, $0x2;
	s10 =	sor.u32 $0x1C09, s25;
	s9 =	smul.u32 $0x6400, s2  }
0xe: {  	s25 =	simm.s32 $0x1480;
	s2 =	simm.s32 $0x7;
	s7 =	sadd.s32 s8, s7  }
0xf: {  	s22 =	ssub.s32 s20, s21;
	s8 =	sadd.s32 s24, s1;
	s20 =	simm.s32 $0x6000  }
0x10: {  	s21 =	simm.s32 $0x180;
	s24 =	simm.s32 $0x2;
	[dreg:$0x4] =	wrdreg s10  }
0x11: {  	s7 =	sshrl.u32 s7, $0x3;
	s26 =	smax.u32 s22, $0x1;
	s11 =	sshrl.u32 s8, $0x3  }
0x12: {  	s22 =	simm.s32 $0x7C00;
	s0 =	sadd.s32 s7, s0;
	[dreg:$0x6] =	wrdreg s26  }
0x13: {  	s26 =	simm.s32 $0x3;
	[dreg:$0x7] =	wrdreg s11;
	s0 =	sadd.s32 $0x6F000, s0  }
0x14: {  	s7 =	simm.s32 $0x8;
	[dreg:$0x5] =	wrdreg s0;
	s0 =	simm.s32 $0x6  }
.LBB2_1:
0x15: {  	s8 =	rddreg [dreg:$0x3]  }
0x16: {  	[spmem:s11], [sflag:s10] =	dma.local [hbm:s8], $0x2800  }
0x17: {  	_ =	swait.ge [sflag:s13], $0x2800  }
0x18: {  	[sflag:s13] =	ssyncset.done $0x0  }
0x19: {  	[sflag:s13] =	ssyncadd.s32 $0xFFFFD800  }
0x1a: {  	s10 =	simm.s32 $0x0;
	[bflag:$0x0] =	sbarrier.arrive $0xFFFF  }
.LBB2_2:
0x1b: {  	p0 =	seq.s32 s10, $0x0  }
0x1c: {  	s8 =	simm.s32 @!p0 $0x5  }
0x1d: {  	_ =	swait.ge @!p0 [sflag:s8], $0x1900  }
0x1e: {  	[sflag:s8] =	ssyncset.done @!p0 $0x0  }
0x1f: {  	[sflag:s8] =	ssyncadd.s32 @!p0 $0xFFFFE700;
	s8 =	simm.s32 @!p0 $0x6  }
0x20: {  	_ =	swait.ge @!p0 [sflag:s8], $0x1900  }
0x21: {  	[sflag:s8] =	ssyncset.done @!p0 $0x0  }
0x22: {  	[sflag:s8] =	ssyncadd.s32 @!p0 $0xFFFFE700;
	s8 =	simm.s32 @!p0 $0x7  }
0x23: {  	_ =	swait.ge @!p0 [sflag:s8], $0x1900  }
0x24: {  	s11 =	smul.u32 $0x1400, s10;
	[sflag:s8] =	ssyncset.done @!p0 $0x0  }
0x25: {  	[sflag:s8] =	ssyncadd.s32 @!p0 $0xFFFFE700;
	s8 =	simm.s32 @!p0 $0x8  }
0x26: {  	s11 =	sadd.s32 s9, s11;
	_ =	swait.ge @!p0 [sflag:s8], $0x1900  }
0x27: {  	s11 =	sshrl.u32 s11, $0x3;
	[sflag:s8] =	ssyncset.done @!p0 $0x0  }
0x28: {  	s12 =	simm.s32 $0x0;
	[sflag:s8] =	ssyncadd.s32 @!p0 $0xFFFFE700;
	s8 =	sadd.s32 s5, s11  }
0x29: {  	[tilespmem:s12], [sflag:$0x9] =	stream.linear.gather [hbm4b:s8+s12], $0x1400, $0x38;
	[tilespmem:$0x1D800] =	vst v63  }
0x2a: {  	_ =	swait.ge [sflag:s13], $0x1400  }
0x2b: {  	[sflag:s13] =	ssyncset.done $0x0  }
0x2c: {  	s11 =	sadd.s32 s6, s11;
	[sflag:s13] =	ssyncadd.s32 $0xFFFFEC00  }
0x2d: {  	[tilespmem:s14], [sflag:$0x9] =	stream.linear.gather [hbm4b:s11+s12], $0x1400, $0x38;
	[tilespmem:$0x1D800] =	vst v63  }
0x2e: {  	_ =	swait.ge [sflag:s13], $0x1400  }
0x2f: {  	[sflag:s13] =	ssyncset.done $0x0  }
0x30: {  	[sflag:s13] =	ssyncadd.s32 $0xFFFFEC00  }
0x31: {  	[tilespmem:s16], [sflag:$0x1] =	stream.indirect.gather [hbm4b:s4+s15], $0x80, s12, s15, $0xb8;
	[tilespmem:$0x1D800] =	vst v63  }
0x32: {  	_ = 	snop  }
0x33: {  	[tilespmem:s18], [sflag:$0x2] =	stream.indirect.gather [hbm4b:s4+s15], $0x80, s17, s15, $0xb8;
	[tilespmem:$0x1D800] =	vst v63  }
0x34: {  	_ = 	snop  }
0x35: {  	[tilespmem:s20], [sflag:$0x3] =	stream.indirect.gather [hbm4b:s4+s15], $0x80, s19, s15, $0xb8;
	[tilespmem:$0x1D800] =	vst v63  }
0x36: {  	_ = 	snop  }
0x37: {  	[tilespmem:s22], [sflag:$0x4] =	stream.indirect.gather [hbm4b:s4+s15], $0x80, s21, s15, $0xb8;
	[tilespmem:$0x1D800] =	vst v63  }
0x38: {  	_ =	swait.ge [sflag:s23], $0x1900  }
0x39: {  	[sflag:s23] =	ssyncset.done $0x0  }
0x3a: {  	[sflag:s23] =	ssyncadd.s32 $0xFFFFE700  }
0x3b: {  	[spmem:s1] =	stream.indirect.scatter.add.f32 [tilespmem:s16], [sflag:$0x5], $0x80, s14, s15, $0xb8;
	[tilespmem:$0x1D800] =	vst v63  }
0x3c: {  	_ =	swait.ge [sflag:s24], $0x1900  }
0x3d: {  	[sflag:s24] =	ssyncset.done $0x0  }
0x3e: {  	[sflag:s24] =	ssyncadd.s32 $0xFFFFE700  }
0x3f: {  	[spmem:s1] =	stream.indirect.scatter.add.f32 [tilespmem:s18], [sflag:$0x6], $0x80, s25, s15, $0xb8;
	[tilespmem:$0x1D800] =	vst v63  }
0x40: {  	_ =	swait.ge [sflag:s26], $0x1900  }
0x41: {  	[sflag:s26] =	ssyncset.done $0x0  }
0x42: {  	[sflag:s26] =	ssyncadd.s32 $0xFFFFE700  }
0x43: {  	[spmem:s1] =	stream.indirect.scatter.add.f32 [tilespmem:s20], [sflag:$0x7], $0x80, s28, s15, $0xb8;
	[tilespmem:$0x1D800] =	vst v63  }
0x44: {  	_ =	swait.ge [sflag:s29], $0x1900  }
0x45: {  	[sflag:s29] =	ssyncset.done $0x0  }
0x46: {  	[sflag:s29] =	ssyncadd.s32 $0xFFFFE700  }
0x47: {  	[spmem:s1] =	stream.indirect.scatter.add.f32 [tilespmem:s22], [sflag:$0x8], $0x80, s30, s15, $0xb8;
	[tilespmem:$0x1D800] =	vst v63  }
0x48: {  	_ =	swait.ge [sflag:s31], $0x1900  }
0x49: {  	[sflag:s31] =	ssyncset.done $0x0  }
0x4a: {  	s12 =	simm.s32 $0x200;
	[sflag:s31] =	ssyncadd.s32 $0xFFFFE700  }
0x4b: {  	[tilespmem:s16], [sflag:$0x1] =	stream.indirect.gather [hbm4b:s4+s15], $0x80, s12, s15, $0xb8;
	[tilespmem:$0x1D800] =	vst v63  }
0x4c: {  	_ =	swait.ge [sflag:s0], $0x1900  }
0x4d: {  	[sflag:s0] =	ssyncset.done $0x0  }
0x4e: {  	s11 =	simm.s32 $0x280;
	[sflag:s0] =	ssyncadd.s32 $0xFFFFE700  }
0x4f: {  	[tilespmem:s18], [sflag:$0x2] =	stream.indirect.gather [hbm4b:s4+s15], $0x80, s11, s15, $0xb8;
	[tilespmem:$0x1D800] =	vst v63  }
0x50: {  	_ =	swait.ge [sflag:s2], $0x1900  }
0x51: {  	[sflag:s2] =	ssyncset.done $0x0  }
0x52: {  	s12 =	simm.s32 $0x300;
	[sflag:s2] =	ssyncadd.s32 $0xFFFFE700  }
0x53: {  	[tilespmem:s20], [sflag:$0x3] =	stream.indirect.gather [hbm4b:s4+s15], $0x80, s12, s15, $0xb8;
	[tilespmem:$0x1D800] =	vst v63  }
0x54: {  	_ =	swait.ge [sflag:s7], $0x1900  }
0x55: {  	[sflag:s7] =	ssyncset.done $0x0  }
0x56: {  	s11 =	simm.s32 $0x380;
	[sflag:s7] =	ssyncadd.s32 $0xFFFFE700  }
0x57: {  	[tilespmem:s22], [sflag:$0x4] =	stream.indirect.gather [hbm4b:s4+s15], $0x80, s11, s15, $0xb8;
	[tilespmem:$0x1D800] =	vst v63  }
0x58: {  	_ =	swait.ge [sflag:s23], $0x1900  }
0x59: {  	[sflag:s23] =	ssyncset.done $0x0  }
0x5a: {  	s12 =	simm.s32 $0x1600;
	[sflag:s23] =	ssyncadd.s32 $0xFFFFE700  }
0x5b: {  	[spmem:s1] =	stream.indirect.scatter.add.f32 [tilespmem:s16], [sflag:$0x5], $0x80, s12, s15, $0xb8;
	[tilespmem:$0x1D800] =	vst v63  }
0x5c: {  	_ =	swait.ge [sflag:s24], $0x1900  }
0x5d: {  	[sflag:s24] =	ssyncset.done $0x0  }
0x5e: {  	s11 =	simm.s32 $0x1680;
	[sflag:s24] =	ssyncadd.s32 $0xFFFFE700  }
0x5f: {  	[spmem:s1] =	stream.indirect.scatter.add.f32 [tilespmem:s18], [sflag:$0x6], $0x80, s11, s15, $0xb8;
	[tilespmem:$0x1D800] =	vst v63  }
0x60: {  	_ =	swait.ge [sflag:s26], $0x1900  }
0x61: {  	[sflag:s26] =	ssyncset.done $0x0  }
0x62: {  	s12 =	simm.s32 $0x1700;
	[sflag:s26] =	ssyncadd.s32 $0xFFFFE700  }
0x63: {  	[spmem:s1] =	stream.indirect.scatter.add.f32 [tilespmem:s20], [sflag:$0x7], $0x80, s12, s15, $0xb8;
	[tilespmem:$0x1D800] =	vst v63  }
0x64: {  	_ =	swait.ge [sflag:s29], $0x1900  }
0x65: {  	[sflag:s29] =	ssyncset.done $0x0  }
0x66: {  	s8 =	simm.s32 $0x1780;
	s11 =	simm.s32 $0x800;
	[sflag:s29] =	ssyncadd.s32 $0xFFFFE700  }
.LBB2_3:
0x67: {  	[spmem:s1] =	stream.indirect.scatter.add.f32 [tilespmem:s22], [sflag:$0x8], $0x80, s8, s15, $0xb8;
	[tilespmem:$0x1D800] =	vst v63  }
0x68: {  	s8 =	smov.u32 s11  }
0x69: {  	p0 =	sne.s32 s11, $0x4000;
	s11 =	sadd.s32 $0x800, s11;
	_ =	swait.ge [sflag:s31], $0x1900  }
0x6a: {  	s8 =	sshra.s32 s8, $0x2;
	[sflag:s31] =	ssyncset.done $0x0  }
0x6b: {  	s12 =	sadd.s32 $0x200, s8;
	[sflag:s31] =	ssyncadd.s32 $0xFFFFE700  }
0x6c: {  	[tilespmem:s16], [sflag:$0x1] =	stream.indirect.gather [hbm4b:s4+s15], $0x80, s12, s15, $0xb8;
	[tilespmem:$0x1D800] =	vst v63  }
0x6d: {  	_ =	swait.ge [sflag:s0], $0x1900  }
0x6e: {  	[sflag:s0] =	ssyncset.done $0x0  }
0x6f: {  	s12 =	sadd.s32 $0x280, s8;
	[sflag:s0] =	ssyncadd.s32 $0xFFFFE700  }
0x70: {  	[tilespmem:s18], [sflag:$0x2] =	stream.indirect.gather [hbm4b:s4+s15], $0x80, s12, s15, $0xb8;
	[tilespmem:$0x1D800] =	vst v63  }
0x71: {  	_ =	swait.ge [sflag:s2], $0x1900  }
0x72: {  	[sflag:s2] =	ssyncset.done $0x0  }
0x73: {  	s12 =	sadd.s32 $0x300, s8;
	[sflag:s2] =	ssyncadd.s32 $0xFFFFE700  }
0x74: {  	[tilespmem:s20], [sflag:$0x3] =	stream.indirect.gather [hbm4b:s4+s15], $0x80, s12, s15, $0xb8;
	[tilespmem:$0x1D800] =	vst v63  }
0x75: {  	_ =	swait.ge [sflag:s7], $0x1900  }
0x76: {  	[sflag:s7] =	ssyncset.done $0x0  }
0x77: {  	s12 =	sadd.s32 $0x380, s8;
	[sflag:s7] =	ssyncadd.s32 $0xFFFFE700  }
0x78: {  	[tilespmem:s22], [sflag:$0x4] =	stream.indirect.gather [hbm4b:s4+s15], $0x80, s12, s15, $0xb8;
	[tilespmem:$0x1D800] =	vst v63  }
0x79: {  	_ =	swait.ge [sflag:s23], $0x1900  }
0x7a: {  	[sflag:s23] =	ssyncset.done $0x0  }
0x7b: {  	s12 =	sadd.s32 $0x1600, s8;
	[sflag:s23] =	ssyncadd.s32 $0xFFFFE700  }
0x7c: {  	[spmem:s1] =	stream.indirect.scatter.add.f32 [tilespmem:s16], [sflag:$0x5], $0x80, s12, s15, $0xb8;
	[tilespmem:$0x1D800] =	vst v63  }
0x7d: {  	_ =	swait.ge [sflag:s24], $0x1900  }
0x7e: {  	[sflag:s24] =	ssyncset.done $0x0  }
0x7f: {  	s12 =	sadd.s32 $0x1680, s8;
	[sflag:s24] =	ssyncadd.s32 $0xFFFFE700  }
0x80: {  	[spmem:s1] =	stream.indirect.scatter.add.f32 [tilespmem:s18], [sflag:$0x6], $0x80, s12, s15, $0xb8;
	[tilespmem:$0x1D800] =	vst v63  }
0x81: {  	_ =	swait.ge [sflag:s26], $0x1900  }
0x82: {  	[sflag:s26] =	ssyncset.done $0x0  }
.Ltmp0:
0x83: {  	s12 =	sadd.s32 $0x1700, s8;
	[sflag:s26] =	ssyncadd.s32 $0xFFFFE700;
	(pc) =	sbr.rel @p0 .LBB2_3-.Ltmp0, $4  }
0x84: {  	[spmem:s1] =	stream.indirect.scatter.add.f32 [tilespmem:s20], [sflag:$0x7], $0x80, s12, s15, $0xb8;
	[tilespmem:$0x1D800] =	vst v63  }
0x85: {  	_ =	swait.ge [sflag:s29], $0x1900  }
0x86: {  	[sflag:s29] =	ssyncset.done $0x0  }
0x87: {  	s8 =	sadd.s32 $0x1780, s8;
	[sflag:s29] =	ssyncadd.s32 $0xFFFFE700  }
0x88: {  	s10 =	sadd.s32 $0x1, s10  }
0x89: {  	p0 =	sne.s32 s10, $0x5  }
.Ltmp1:
0x8a: {  	_ = 	snop;
	(pc) =	sbr.rel @p0 .LBB2_2-.Ltmp1, $2  }
0x8b: {  	_ =	sdelay $0x2  }
0x8c: {  	[spmem:s1] =	stream.indirect.scatter.add.f32 [tilespmem:s22], [sflag:$0x8], $0x80, s8, s15, $0xb8;
	[tilespmem:$0x1D800] =	vst v63  }
0x8d: {  	_ =	swait.ge [sflag:s31], $0x1900  }
0x8e: {  	[sflag:s31] =	ssyncset.done $0x0  }
0x8f: {  	[sflag:s31] =	ssyncadd.s32 $0xFFFFE700  }
0x90: {  	_ =	swait.ge [sflag:s0], $0x1900  }
0x91: {  	[sflag:s0] =	ssyncset.done $0x0  }
0x92: {  	[sflag:s0] =	ssyncadd.s32 $0xFFFFE700  }
0x93: {  	_ =	swait.ge [sflag:s2], $0x1900  }
0x94: {  	[sflag:s2] =	ssyncset.done $0x0  }
0x95: {  	[sflag:s2] =	ssyncadd.s32 $0xFFFFE700  }
0x96: {  	_ =	swait.ge [sflag:s7], $0x1900  }
0x97: {  	[sflag:s7] =	ssyncset.done $0x0  }
0x98: {  	[sflag:s7] =	ssyncadd.s32 $0xFFFFE700  }
0x99: {  	[bflag:$0x0] =	sbarrier.arrive $0xFFFF  }
0x9a: {  	s10 =	rddreg [dreg:$0x4]  }
0x9b: {  	s8 =	rddreg [dreg:$0x5]  }
0x9c: {  	s11 =	rddreg [dreg:$0x7]  }
0x9d: {  	[hbm:s8], [sflag:s10] =	dma.local [spmem:s11], $0x2800  }
0x9e: {  	_ =	swait.ge [sflag:s13], $0x2800  }
0x9f: {  	s3 =	sadd.s32 $0x1, s3;
	s12 =	rddreg [dreg:$0x6]  }
0xa0: {  	p0 =	sne.s32 s3, s12  }
.Ltmp2:
0xa1: {  	_ = 	snop;
	(pc) =	sbr.rel @p0 .LBB2_1-.Ltmp2, $3  }
0xa2: {  	_ =	sdelay $0x1  }
0xa3: {  	[sflag:s13] =	ssyncset.done $0x0  }
0xa4: {  	[sflag:s13] =	ssyncadd.s32 $0xFFFFD800  }
0xa5: {  	_ =	sfence.sel $0x180000  }
0xa6: {  	[bflag:$0x0] =	sbarrier.arrive $0xFFFF  }
0xa7: {  	_ =	strace $0x9000004A  }
0xa8: {  	s0 =	stileid.u32;
	[bflag:$0x2] =	sbarrier.arrive $0xFFFF  }
0xa9: {  	p0 =	sne.s32 s0, $0x0;
	s0 =	rddreg [dreg:$0x2]  }
0xaa: {  	s0 =	sadd.s32 @!p0 $0x100000, s0  }
0xab: {  	[sflag:s0] =	ssyncadd.tile.s32 @!p0 $0x1;
	_ =	shalt  }
.Lfunc_end2:
_tile_overlayer_lowered:
.L_overlay_start_2:
0xac: {  	(tag) =	ssettag $0x2  }
0xad: {  	s0 =	rddreg [dreg:$0x0];
	s2 =	stileid.u32  }
0xae: {  	s1 =	rddreg [dreg:$0x1];
	p0 =	sne.s32 s2, $0x0  }
0xaf: {  	s3 =	rddreg [dreg:$0x2];
	[bflag:$0x3] =	sbarrier.arrive $0xFFFF;
	s2 =	simm.s32 @!p0 $0x1C09  }
0xb0: {  	[timem:s3], [sflag:s2] =	dma.local @!p0 [hbm:s0], s1  }
0xb1: {  	s0 =	simm.s32 @!p0 $0x9  }
0xb2: {  	_ =	swait.ge @!p0 [sflag:s0], s1  }
0xb3: {  	s1 =	ssub.s32 @!p0 $0x0, s1;
	[sflag:s0] =	ssyncset.done @!p0 $0x0  }
0xb4: {  	[sflag:s0] =	ssyncadd.s32 @!p0 s1  }
0xb5: {  	[bflag:$0x3] =	sbarrier.arrive $0xFFFF  }
0xb6: {  	_ =	shalt  }

// kernel: kernel.16.cloned.1.call-start
scs
__scs_entry_jumppad:
0x0: {  	(pc) =	sbr.rel $0x88, $3  }
0x1: {  	(tag) =	ssettag $0x0;
	lr =	simm.s32 $0x1  }
0x2: {  	[smem:$0x3F89] =	sst lr;
	_ =	strace $0xD0000000  }
0x3: {  	_ = 	snop  }
0x4: {  	_ = 	snop  }
0x5: {  	_ = 	snop  }
0x6: {  	_ = 	snop  }
0x7: {  	_ = 	snop  }
__scs_overlays_trampoline_lowered:
0x8: {  	[smem:$0x3F98] =	sst s0  }
0x9: {  	[smem:$0x3F99] =	sst s1  }
0xa: {  	[smem:$0x3F9A] =	sst s2  }
0xb: {  	[smem:$0x3F9B] =	sst s3  }
0xc: {  	[smem:$0x3F9C] =	sst s4  }
0xd: {  	[smem:$0x3F9D] =	sst s5  }
0xe: {  	[smem:$0x3F9E] =	sst s6  }
0xf: {  	[smem:$0x3F9F] =	sst s7  }
0x10: {  	[smem:$0x3FA0] =	sst s8  }
0x11: {  	[smem:$0x3FA1] =	sst s9;
	s0 =	simm.s32 @!p0 $0x0  }
0x12: {  	s1 =	sld [smem:$0x3F87];
	s0 =	simm.s32 @p0 $0x1  }
0x13: {  	[smem:$0x3FA2] =	sst s0;
	s0 =	simm.s32 @!p1 $0x0  }
0x14: {  	s2 =	sld [smem:$0x3F86];
	s0 =	simm.s32 @p1 $0x1  }
0x15: {  	[smem:$0x3FA3] =	sst s0;
	s0 =	simm.s32 @!p2 $0x0  }
0x16: {  	s3 =	sld [smem:$0x3FDB];
	s0 =	simm.s32 @p2 $0x1  }
0x17: {  	s4 =	simm.s32 $0x1BF5;
	[smem:$0x3FA5] =	sst s0  }
0x18: {  	s0 =	sld [smem:$0x3F88];
	_ =	swait.ge [sflag:s4], $0x0  }
0x19: {  	s7 =	sld [smem:$0x3F89]  }
0x1a: {  	s8 =	sadd.s32 $0xFFFFE003, lr  }
0x1b: {  	s9 =	sadd.s32 $0xFFFFFEF7, lr;
	s5 =	simm.s32 $0xFFFFFFFF;
	p2 =	slt.u32 s8, $0xFFFFF086  }
0x1c: {  	p1 =	slt.u32 s9, $0xF7A;
	s5 =	simm.s32 @!p2 $0x0  }
0x1d: {  	s5 =	simm.s32 @p1 $0x1;
	p0 =	seq.s32 s7, s2  }
0x1e: {  	s7 =	smul.u32 @!p0 $0xF7A, s2;
	p2 =	seq.s32 @!p0 s5, $0x0  }
0x1f: {  	s9 =	smul.u32 $0xF7A, s1;
	s8 =	simm.s32 @!p0 $0x1BF5;
	p2 =	por !p2, p0  }
0x20: {  	[sflag:s8] =	ssyncset.s32 @!p0 $0xFFFFF086;
	s6 =	sadd.s32 @!p0 s3, s7;
	s7 =	simm.s32 @!p0 $0x108  }
0x21: {  	s3 =	sadd.s32 s3, s9;
	s6 =	sadd.s32 @!p0 $0x88, s6;
	s7 =	simm.s32 @p2 $0x1082  }
0x22: {  	[simem:s7], [sflag:s8] =	dma.local @!p0 [hbm:s6], $0xF7A  }
0x23: {  	s9 =	sor.u32 $0xD0000000, s2;
	s6 =	simm.s32 $0x108;
	_ =	swait.ge @!p0 [sflag:s8], $0x0  }
0x24: {  	s3 =	sadd.s32 $0x88, s3;
	s6 =	simm.s32 @!p1 $0x1082;
	[sflag:s4] =	ssyncset.s32 $0xFFFFF086  }
0x25: {  	[simem:s6], [sflag:s4] =	dma.local [hbm:s3], $0xF7A  }
0x26: {  	[smem:$0x3F89] =	sst s1;
	(tag) =	ssettag s2;
	_ =	strace s9  }
0x27: {  	s1 =	sld [smem:$0x3F99]  }
0x28: {  	s2 =	sld [smem:$0x3F9A]  }
0x29: {  	s4 =	sld [smem:$0x3F9C]  }
0x2a: {  	p0 =	seq.s32 s5, $0x0;
	s5 =	sld [smem:$0x3F9D]  }
0x2b: {  	s6 =	sld [smem:$0x3F9E]  }
0x2c: {  	s7 =	sld [smem:$0x3F9F]  }
0x2d: {  	s3 =	simm.s32 $0x108;
	s8 =	sld [smem:$0x3FA0]  }
0x2e: {  	s3 =	simm.s32 @!p0 $0x1082;
	s9 =	sld [smem:$0x3FA1]  }
0x2f: {  	lr =	sadd.s32 s0, s3;
	s0 =	sld [smem:$0x3F98]  }
0x30: {  	s3 =	sld [smem:$0x3F9B]  }
0x31: {  	[smem:$0x3FA4] =	sst s10  }
0x32: {  	s10 =	sld [smem:$0x3FA2];
	_ =	sdelay $0x3  }
0x33: {  	p0 =	seq.s32 s10, $0x1;
	s10 =	sld [smem:$0x3FA4];
	_ =	sdelay $0x3  }
0x34: {  	[smem:$0x3FA4] =	sst s10  }
0x35: {  	s10 =	sld [smem:$0x3FA3];
	_ =	sdelay $0x3  }
0x36: {  	p1 =	seq.s32 s10, $0x1;
	s10 =	sld [smem:$0x3FA4];
	_ =	sdelay $0x3  }
0x37: {  	[smem:$0x3FA4] =	sst s10  }
0x38: {  	s10 =	sld [smem:$0x3FA5]  }
0x39: {  	_ = 	snop;
	(pc) =	sbr.ind lr, $3  }
0x3a: {  	_ = 	snop  }
0x3b: {  	_ = 	snop  }
0x3c: {  	p2 =	seq.s32 s10, $0x1;
	s10 =	sld [smem:$0x3FA4]  }
0x3d: {  	_ =	shalt  }
0x3e: {  	_ =	shalt  }
0x3f: {  	_ =	shalt  }
0x40: {  	_ =	shalt  }
0x41: {  	_ =	shalt  }
0x42: {  	_ =	shalt  }
0x43: {  	_ =	shalt  }
0x44: {  	_ =	shalt  }
0x45: {  	_ =	shalt  }
0x46: {  	_ =	shalt  }
0x47: {  	_ =	shalt  }
0x48: {  	_ =	shalt  }
0x49: {  	_ =	shalt  }
0x4a: {  	_ =	shalt  }
0x4b: {  	_ =	shalt  }
0x4c: {  	_ =	shalt  }
0x4d: {  	_ =	shalt  }
0x4e: {  	_ =	shalt  }
0x4f: {  	_ =	shalt  }
0x50: {  	_ =	shalt  }
0x51: {  	_ =	shalt  }
0x52: {  	_ =	shalt  }
0x53: {  	_ =	shalt  }
0x54: {  	_ =	shalt  }
0x55: {  	_ =	shalt  }
0x56: {  	_ =	shalt  }
0x57: {  	_ =	shalt  }
0x58: {  	_ =	shalt  }
0x59: {  	_ =	shalt  }
0x5a: {  	_ =	shalt  }
0x5b: {  	_ =	shalt  }
0x5c: {  	_ =	shalt  }
0x5d: {  	_ =	shalt  }
0x5e: {  	_ =	shalt  }
0x5f: {  	_ =	shalt  }
0x60: {  	_ =	shalt  }
0x61: {  	_ =	shalt  }
0x62: {  	_ =	shalt  }
0x63: {  	_ =	shalt  }
0x64: {  	_ =	shalt  }
0x65: {  	_ =	shalt  }
0x66: {  	_ =	shalt  }
0x67: {  	_ =	shalt  }
0x68: {  	_ =	shalt  }
0x69: {  	_ =	shalt  }
0x6a: {  	_ =	shalt  }
0x6b: {  	_ =	shalt  }
0x6c: {  	_ =	shalt  }
0x6d: {  	_ =	shalt  }
0x6e: {  	_ =	shalt  }
0x6f: {  	_ =	shalt  }
0x70: {  	_ =	shalt  }
0x71: {  	_ =	shalt  }
0x72: {  	_ =	shalt  }
0x73: {  	_ =	shalt  }
0x74: {  	_ =	shalt  }
0x75: {  	_ =	shalt  }
0x76: {  	_ =	shalt  }
0x77: {  	_ =	shalt  }
0x78: {  	_ =	shalt  }
0x79: {  	_ =	shalt  }
0x7a: {  	_ =	shalt  }
0x7b: {  	_ =	shalt  }
0x7c: {  	_ =	shalt  }
0x7d: {  	_ =	shalt  }
0x7e: {  	_ =	shalt  }
0x7f: {  	_ =	shalt  }
0x80: {  	_ =	shalt  }
0x81: {  	_ =	shalt  }
0x82: {  	_ =	shalt  }
0x83: {  	_ =	shalt  }
0x84: {  	_ =	shalt  }
0x85: {  	_ =	shalt  }
0x86: {  	_ =	shalt  }
0x87: {  	_ =	shalt  }
.Lfunc_end0:
.L_simem_size_0:
called_computation.2_lowered:
.L_overlay_start_0:
0x88: {  	s2 =	sld [smem:$0x3FD9]  }
0x89: {  	s3 =	sld [smem:$0x3FFE];
	_ =	sdelay $0x1  }
0x8a: {  	s1 =	srdreg.scid  }
0x8b: {  	s0 =	sand.u32 $0x1, s1  }
0x8c: {  	s16 =	sshll.u32 s0, $0xA;
	s2 =	sadd.s32 s3, s2  }
0x8d: {  	s2 =	sadd.s32 s2, s16  }
0x8e: {  	[smem:$0x3FB0] =	sst s2  }
0x8f: {  	_ = 	snop  }
0x90: {  	(tm) =	ssettm $0x1  }
0x91: {  	s17 =	sld [smem:$0x3FFB];
	_ =	sdelay $0x3  }
0x92: {  	_ =	strace s17  }
0x93: {  	s2 =	sld [smem:$0x3FFC];
	_ =	sdelay $0x3  }
0x94: {  	_ =	strace s2  }
0x95: {  	s2 =	sld [smem:$0x3FFD];
	_ =	sdelay $0x3  }
0x96: {  	_ =	strace s2  }
0x97: {  	_ =	strace $0x8FFFFFFF  }
0x98: {  	s18 =	sld [smem:$0x3FDB];
	_ =	sdelay $0x1  }
0x99: {  	s19 =	simm.s32 $_scs_section_size  }
0x9a: {  	s4 =	simm.s32 $_size__tile_overlayer_lowered;
	s5 =	simm.s32 $_tile_overlayer_lowered  }
0x9b: {  	s22 =	simm.s32 $0x1BFF;
	s21 =	sshll.u32 s5, $0x1;
	s2 =	sadd.s32 s19, s18  }
0x9c: {  	s6 =	simm.s32 $0x0;
	s20 =	sshll.u32 s4, $0x1;
	s4 =	sadd.s32 s21, s2  }
0x9d: {  	[timem:s6], [sflag:s22] =	dma.local [hbm:s4], s20  }
0x9e: {  	_ =	swait.ge [sflag:s22], s20  }
0x9f: {  	s3 =	ssub.s32 $0x0, s20;
	[sflag:s22] =	ssyncset.done $0x0  }
0xa0: {  	[sflag:s22] =	ssyncadd.s32 s3;
	_ =	sdelay $0x1  }
0xa1: {  	s23 =	simm.s32 $0x1B8B  }
0xa2: {  	_ =	swait.ge [sflag:s23], $0x1  }
0xa3: {  	[sflag:s23] =	ssyncset.done $0x0  }
0xa4: {  	s25 =	simm.s32 $0x1B8E;
	s24 =	sld [smem:$0x3FFE];
	[sflag:s23] =	ssyncadd.s32 $0xFFFFFFFF  }
0xa5: {  	s26 =	simm.s32 $execute0_lowered;
	[smem:$0x3FD2] =	sst s25  }
0xa6: {  	s4 =	sshll.u32 s26, $0x1;
	_ =	strace $0x8000004C;
	[dreg:$0x1] =	wrdreg $0xFFFFFFFF  }
0xa7: {  	s28 =	simm.s32 $_size_execute0_lowered;
	s2 =	sadd.s32 s2, s4;
	[dreg:$0x0] =	wrdreg $0x0  }
0xa8: {  	s4 =	sshll.u32 s28, $0x1;
	[dreg:$0x2] =	wrdreg s2  }
0xa9: {  	[dreg:$0x3] =	wrdreg s4  }
0xaa: {  	[dreg:$0x4] =	wrdreg $0xC0  }
0xab: {  	_ =	task [dreg:s6], $0x5FFFF  }
0xac: {  	[dreg:$0x1] =	wrdreg $0xFFFFFFFF  }
0xad: {  	[dreg:$0x0] =	wrdreg $0x60  }
0xae: {  	[dreg:$0x2] =	wrdreg s24  }
0xaf: {  	[dreg:$0x3] =	wrdreg $0x98000  }
0xb0: {  	[dreg:$0x4] =	wrdreg $0x9  }
0xb1: {  	_ =	task.clear_ibuf [dreg:s6], $0x5FFFF;
	_ =	strace $0x9000004C  }
0xb2: {  	s29 =	simm.s32 $0x9;
	_ =	strace $0x8000004E  }
0xb3: {  	_ =	swait.ge [sflag:s29], $0x1  }
0xb4: {  	[sflag:s29] =	ssyncadd.s32 $0xFFFFFFFF  }
0xb5: {  	_ =	strace $0x9000004E  }
0xb6: {  	_ =	sfence  }
0xb7: {  	s30 =	sld [smem:$0x0];
	_ =	sdelay $0x2  }
0xb8: {  	s31 =	sshll.u32 s1, $0xD;
	s1 =	sshrl.u32 s1, $0x2  }
0xb9: {  	s3 =	sand.u32 $0x4000, s31;
	s1 =	sadd.s32 s1, s30  }
0xba: {  	s0 =	sor.u32 s3, s0;
	s1 =	sshll.u32 s1, $0x11  }
0xbb: {  	s0 =	sor.u32 s1, s0  }
0xbc: {  	s0 =	sadd.s32 $0x8F2B, s0  }
0xbd: {  	[sflag:s0] =	ssyncadd.remote.s32 $0x1  }
0xbe: {  	_ =	sfence.sel $0xFFFF  }
0xbf: {  	[dreg:$0x0] =	wrdreg $0xFFFFFFFF;
	(pc) =	sbr.abs _section_cstart, $3  }
0xc0: {  	[dreg:$0x1] =	wrdreg $0xFFFFFFFF  }
0xc1: {  	_ =	task.clear_ibuf [dreg:s6], $0x2FFFF;
	_ =	strace $0x9FFFFFFF  }
0xc2: {  	(tm) =	ssettm $0x7FFFFFFF  }
0xc3: {  	_ =	shalt  }
tec
execute0_lowered:
.L_overlay_start_1:
0x0: {  	(tag) =	ssettag $0x1  }
0x1: {  	s0 =	rddreg [dreg:$0x0]  }
0x2: {  	s1 =	rddreg [dreg:$0x1];
	s3 =	simm.s32 $0x0  }
0x3: {  	s2 =	srdreg.scid;
	s11 =	stileid.u32;
	s13 =	simm.s32 $0x9  }
0x4: {  	s14 =	simm.s32 $0x1400;
	s15 =	simm.s32 $0x32;
	s16 =	simm.s32 $0x2800  }
0x5: {  	s17 =	simm.s32 $0x80;
	s18 =	simm.s32 $0x4400;
	s19 =	simm.s32 $0x100  }
0x6: {  	s28 =	simm.s32 $0x1500;
	s29 =	simm.s32 $0x4;
	s30 =	simm.s32 $0x1580  }
0x7: {  	s31 =	simm.s32 $0x5;
	[smem:$0x7FF] =	sst s3;
	s2 =	sand.u32 $0x1, s2  }
0x8: {  	s8 =	smul.u32 $0x14000, s11;
	s4 =	sadd.s32 $0x47E00, s0;
	s5 =	sadd.s32 $0x2EE00, s0  }
0x9: {  	s6 =	sadd.s32 $0x15E00, s0;
	s9 =	sadd.s32 $0x5400, s0;
	s10 =	smul.u32 $0x50000, s11  }
0xa: {  	s23 =	sshll.u32 s11, $0x1;
	s25 =	sshll.u32 s11, $0x6;
	s7 =	smul.u32 $0x140000, s2  }
0xb: {  	_ =	strace $0x8000004D;
	[dreg:$0x3] =	wrdreg s9;
	s20 =	ssub.s32 $0x2, s2  }
0xc: {  	s2 =	sor.u32 s2, s23;
	s23 =	simm.s32 $0x1;
	s21 =	sshrl.u32 s20, $0x1  }
0xd: {  	s24 =	sshrl.u32 s10, $0x2;
	s10 =	sor.u32 $0x1C09, s25;
	s9 =	smul.u32 $0x6400, s2  }
0xe: {  	s25 =	simm.s32 $0x1480;
	s2 =	simm.s32 $0x7;
	s7 =	sadd.s32 s8, s7  }
0xf: {  	s22 =	ssub.s32 s20, s21;
	s8 =	sadd.s32 s24, s1;
	s20 =	simm.s32 $0x6000  }
0x10: {  	s21 =	simm.s32 $0x180;
	s24 =	simm.s32 $0x2;
	[dreg:$0x4] =	wrdreg s10  }
0x11: {  	s7 =	sshrl.u32 s7, $0x3;
	s26 =	smax.u32 s22, $0x1;
	s11 =	sshrl.u32 s8, $0x3  }
0x12: {  	s22 =	simm.s32 $0x7C00;
	s0 =	sadd.s32 s7, s0;
	[dreg:$0x6] =	wrdreg s26  }
0x13: {  	s26 =	simm.s32 $0x3;
	[dreg:$0x7] =	wrdreg s11;
	s0 =	sadd.s32 $0x96200, s0  }
0x14: {  	s7 =	simm.s32 $0x8;
	[dreg:$0x5] =	wrdreg s0;
	s0 =	simm.s32 $0x6  }
.LBB2_1:
0x15: {  	s8 =	rddreg [dreg:$0x3]  }
0x16: {  	[spmem:s11], [sflag:s10] =	dma.local [hbm:s8], $0x2800  }
0x17: {  	_ =	swait.ge [sflag:s13], $0x2800  }
0x18: {  	[sflag:s13] =	ssyncset.done $0x0  }
0x19: {  	[sflag:s13] =	ssyncadd.s32 $0xFFFFD800  }
0x1a: {  	s10 =	simm.s32 $0x0;
	[bflag:$0x0] =	sbarrier.arrive $0xFFFF  }
.LBB2_2:
0x1b: {  	p0 =	seq.s32 s10, $0x0  }
0x1c: {  	s8 =	simm.s32 @!p0 $0x5  }
0x1d: {  	_ =	swait.ge @!p0 [sflag:s8], $0x1900  }
0x1e: {  	[sflag:s8] =	ssyncset.done @!p0 $0x0  }
0x1f: {  	[sflag:s8] =	ssyncadd.s32 @!p0 $0xFFFFE700;
	s8 =	simm.s32 @!p0 $0x6  }
0x20: {  	_ =	swait.ge @!p0 [sflag:s8], $0x1900  }
0x21: {  	[sflag:s8] =	ssyncset.done @!p0 $0x0  }
0x22: {  	[sflag:s8] =	ssyncadd.s32 @!p0 $0xFFFFE700;
	s8 =	simm.s32 @!p0 $0x7  }
0x23: {  	_ =	swait.ge @!p0 [sflag:s8], $0x1900  }
0x24: {  	s11 =	smul.u32 $0x1400, s10;
	[sflag:s8] =	ssyncset.done @!p0 $0x0  }
0x25: {  	[sflag:s8] =	ssyncadd.s32 @!p0 $0xFFFFE700;
	s8 =	simm.s32 @!p0 $0x8  }
0x26: {  	s11 =	sadd.s32 s9, s11;
	_ =	swait.ge @!p0 [sflag:s8], $0x1900  }
0x27: {  	s11 =	sshrl.u32 s11, $0x3;
	[sflag:s8] =	ssyncset.done @!p0 $0x0  }
0x28: {  	s12 =	simm.s32 $0x0;
	[sflag:s8] =	ssyncadd.s32 @!p0 $0xFFFFE700;
	s8 =	sadd.s32 s5, s11  }
0x29: {  	[tilespmem:s12], [sflag:$0x9] =	stream.linear.gather [hbm4b:s8+s12], $0x1400, $0x38;
	[tilespmem:$0x1D800] =	vst v63  }
0x2a: {  	_ =	swait.ge [sflag:s13], $0x1400  }
0x2b: {  	[sflag:s13] =	ssyncset.done $0x0  }
0x2c: {  	s11 =	sadd.s32 s6, s11;
	[sflag:s13] =	ssyncadd.s32 $0xFFFFEC00  }
0x2d: {  	[tilespmem:s14], [sflag:$0x9] =	stream.linear.gather [hbm4b:s11+s12], $0x1400, $0x38;
	[tilespmem:$0x1D800] =	vst v63  }
0x2e: {  	_ =	swait.ge [sflag:s13], $0x1400  }
0x2f: {  	[sflag:s13] =	ssyncset.done $0x0  }
0x30: {  	[sflag:s13] =	ssyncadd.s32 $0xFFFFEC00  }
0x31: {  	[tilespmem:s16], [sflag:$0x1] =	stream.indirect.gather [hbm4b:s4+s15], $0x80, s12, s15, $0xb8;
	[tilespmem:$0x1D800] =	vst v63  }
0x32: {  	_ = 	snop  }
0x33: {  	[tilespmem:s18], [sflag:$0x2] =	stream.indirect.gather [hbm4b:s4+s15], $0x80, s17, s15, $0xb8;
	[tilespmem:$0x1D800] =	vst v63  }
0x34: {  	_ = 	snop  }
0x35: {  	[tilespmem:s20], [sflag:$0x3] =	stream.indirect.gather [hbm4b:s4+s15], $0x80, s19, s15, $0xb8;
	[tilespmem:$0x1D800] =	vst v63  }
0x36: {  	_ = 	snop  }
0x37: {  	[tilespmem:s22], [sflag:$0x4] =	stream.indirect.gather [hbm4b:s4+s15], $0x80, s21, s15, $0xb8;
	[tilespmem:$0x1D800] =	vst v63  }
0x38: {  	_ =	swait.ge [sflag:s23], $0x1900  }
0x39: {  	[sflag:s23] =	ssyncset.done $0x0  }
0x3a: {  	[sflag:s23] =	ssyncadd.s32 $0xFFFFE700  }
0x3b: {  	[spmem:s1] =	stream.indirect.scatter.add.f32 [tilespmem:s16], [sflag:$0x5], $0x80, s14, s15, $0xb8;
	[tilespmem:$0x1D800] =	vst v63  }
0x3c: {  	_ =	swait.ge [sflag:s24], $0x1900  }
0x3d: {  	[sflag:s24] =	ssyncset.done $0x0  }
0x3e: {  	[sflag:s24] =	ssyncadd.s32 $0xFFFFE700  }
0x3f: {  	[spmem:s1] =	stream.indirect.scatter.add.f32 [tilespmem:s18], [sflag:$0x6], $0x80, s25, s15, $0xb8;
	[tilespmem:$0x1D800] =	vst v63  }
0x40: {  	_ =	swait.ge [sflag:s26], $0x1900  }
0x41: {  	[sflag:s26] =	ssyncset.done $0x0  }
0x42: {  	[sflag:s26] =	ssyncadd.s32 $0xFFFFE700  }
0x43: {  	[spmem:s1] =	stream.indirect.scatter.add.f32 [tilespmem:s20], [sflag:$0x7], $0x80, s28, s15, $0xb8;
	[tilespmem:$0x1D800] =	vst v63  }
0x44: {  	_ =	swait.ge [sflag:s29], $0x1900  }
0x45: {  	[sflag:s29] =	ssyncset.done $0x0  }
0x46: {  	[sflag:s29] =	ssyncadd.s32 $0xFFFFE700  }
0x47: {  	[spmem:s1] =	stream.indirect.scatter.add.f32 [tilespmem:s22], [sflag:$0x8], $0x80, s30, s15, $0xb8;
	[tilespmem:$0x1D800] =	vst v63  }
0x48: {  	_ =	swait.ge [sflag:s31], $0x1900  }
0x49: {  	[sflag:s31] =	ssyncset.done $0x0  }
0x4a: {  	s12 =	simm.s32 $0x200;
	[sflag:s31] =	ssyncadd.s32 $0xFFFFE700  }
0x4b: {  	[tilespmem:s16], [sflag:$0x1] =	stream.indirect.gather [hbm4b:s4+s15], $0x80, s12, s15, $0xb8;
	[tilespmem:$0x1D800] =	vst v63  }
0x4c: {  	_ =	swait.ge [sflag:s0], $0x1900  }
0x4d: {  	[sflag:s0] =	ssyncset.done $0x0  }
0x4e: {  	s11 =	simm.s32 $0x280;
	[sflag:s0] =	ssyncadd.s32 $0xFFFFE700  }
0x4f: {  	[tilespmem:s18], [sflag:$0x2] =	stream.indirect.gather [hbm4b:s4+s15], $0x80, s11, s15, $0xb8;
	[tilespmem:$0x1D800] =	vst v63  }
0x50: {  	_ =	swait.ge [sflag:s2], $0x1900  }
0x51: {  	[sflag:s2] =	ssyncset.done $0x0  }
0x52: {  	s12 =	simm.s32 $0x300;
	[sflag:s2] =	ssyncadd.s32 $0xFFFFE700  }
0x53: {  	[tilespmem:s20], [sflag:$0x3] =	stream.indirect.gather [hbm4b:s4+s15], $0x80, s12, s15, $0xb8;
	[tilespmem:$0x1D800] =	vst v63  }
0x54: {  	_ =	swait.ge [sflag:s7], $0x1900  }
0x55: {  	[sflag:s7] =	ssyncset.done $0x0  }
0x56: {  	s11 =	simm.s32 $0x380;
	[sflag:s7] =	ssyncadd.s32 $0xFFFFE700  }
0x57: {  	[tilespmem:s22], [sflag:$0x4] =	stream.indirect.gather [hbm4b:s4+s15], $0x80, s11, s15, $0xb8;
	[tilespmem:$0x1D800] =	vst v63  }
0x58: {  	_ =	swait.ge [sflag:s23], $0x1900  }
0x59: {  	[sflag:s23] =	ssyncset.done $0x0  }
0x5a: {  	s12 =	simm.s32 $0x1600;
	[sflag:s23] =	ssyncadd.s32 $0xFFFFE700  }
0x5b: {  	[spmem:s1] =	stream.indirect.scatter.add.f32 [tilespmem:s16], [sflag:$0x5], $0x80, s12, s15, $0xb8;
	[tilespmem:$0x1D800] =	vst v63  }
0x5c: {  	_ =	swait.ge [sflag:s24], $0x1900  }
0x5d: {  	[sflag:s24] =	ssyncset.done $0x0  }
0x5e: {  	s11 =	simm.s32 $0x1680;
	[sflag:s24] =	ssyncadd.s32 $0xFFFFE700  }
0x5f: {  	[spmem:s1] =	stream.indirect.scatter.add.f32 [tilespmem:s18], [sflag:$0x6], $0x80, s11, s15, $0xb8;
	[tilespmem:$0x1D800] =	vst v63  }
0x60: {  	_ =	swait.ge [sflag:s26], $0x1900  }
0x61: {  	[sflag:s26] =	ssyncset.done $0x0  }
0x62: {  	s12 =	simm.s32 $0x1700;
	[sflag:s26] =	ssyncadd.s32 $0xFFFFE700  }
0x63: {  	[spmem:s1] =	stream.indirect.scatter.add.f32 [tilespmem:s20], [sflag:$0x7], $0x80, s12, s15, $0xb8;
	[tilespmem:$0x1D800] =	vst v63  }
0x64: {  	_ =	swait.ge [sflag:s29], $0x1900  }
0x65: {  	[sflag:s29] =	ssyncset.done $0x0  }
0x66: {  	s8 =	simm.s32 $0x1780;
	s11 =	simm.s32 $0x800;
	[sflag:s29] =	ssyncadd.s32 $0xFFFFE700  }
.LBB2_3:
0x67: {  	[spmem:s1] =	stream.indirect.scatter.add.f32 [tilespmem:s22], [sflag:$0x8], $0x80, s8, s15, $0xb8;
	[tilespmem:$0x1D800] =	vst v63  }
0x68: {  	s8 =	smov.u32 s11  }
0x69: {  	p0 =	sne.s32 s11, $0x4000;
	s11 =	sadd.s32 $0x800, s11;
	_ =	swait.ge [sflag:s31], $0x1900  }
0x6a: {  	s8 =	sshra.s32 s8, $0x2;
	[sflag:s31] =	ssyncset.done $0x0  }
0x6b: {  	s12 =	sadd.s32 $0x200, s8;
	[sflag:s31] =	ssyncadd.s32 $0xFFFFE700  }
0x6c: {  	[tilespmem:s16], [sflag:$0x1] =	stream.indirect.gather [hbm4b:s4+s15], $0x80, s12, s15, $0xb8;
	[tilespmem:$0x1D800] =	vst v63  }
0x6d: {  	_ =	swait.ge [sflag:s0], $0x1900  }
0x6e: {  	[sflag:s0] =	ssyncset.done $0x0  }
0x6f: {  	s12 =	sadd.s32 $0x280, s8;
	[sflag:s0] =	ssyncadd.s32 $0xFFFFE700  }
0x70: {  	[tilespmem:s18], [sflag:$0x2] =	stream.indirect.gather [hbm4b:s4+s15], $0x80, s12, s15, $0xb8;
	[tilespmem:$0x1D800] =	vst v63  }
0x71: {  	_ =	swait.ge [sflag:s2], $0x1900  }
0x72: {  	[sflag:s2] =	ssyncset.done $0x0  }
0x73: {  	s12 =	sadd.s32 $0x300, s8;
	[sflag:s2] =	ssyncadd.s32 $0xFFFFE700  }
0x74: {  	[tilespmem:s20], [sflag:$0x3] =	stream.indirect.gather [hbm4b:s4+s15], $0x80, s12, s15, $0xb8;
	[tilespmem:$0x1D800] =	vst v63  }
0x75: {  	_ =	swait.ge [sflag:s7], $0x1900  }
0x76: {  	[sflag:s7] =	ssyncset.done $0x0  }
0x77: {  	s12 =	sadd.s32 $0x380, s8;
	[sflag:s7] =	ssyncadd.s32 $0xFFFFE700  }
0x78: {  	[tilespmem:s22], [sflag:$0x4] =	stream.indirect.gather [hbm4b:s4+s15], $0x80, s12, s15, $0xb8;
	[tilespmem:$0x1D800] =	vst v63  }
0x79: {  	_ =	swait.ge [sflag:s23], $0x1900  }
0x7a: {  	[sflag:s23] =	ssyncset.done $0x0  }
0x7b: {  	s12 =	sadd.s32 $0x1600, s8;
	[sflag:s23] =	ssyncadd.s32 $0xFFFFE700  }
0x7c: {  	[spmem:s1] =	stream.indirect.scatter.add.f32 [tilespmem:s16], [sflag:$0x5], $0x80, s12, s15, $0xb8;
	[tilespmem:$0x1D800] =	vst v63  }
0x7d: {  	_ =	swait.ge [sflag:s24], $0x1900  }
0x7e: {  	[sflag:s24] =	ssyncset.done $0x0  }
0x7f: {  	s12 =	sadd.s32 $0x1680, s8;
	[sflag:s24] =	ssyncadd.s32 $0xFFFFE700  }
0x80: {  	[spmem:s1] =	stream.indirect.scatter.add.f32 [tilespmem:s18], [sflag:$0x6], $0x80, s12, s15, $0xb8;
	[tilespmem:$0x1D800] =	vst v63  }
0x81: {  	_ =	swait.ge [sflag:s26], $0x1900  }
0x82: {  	[sflag:s26] =	ssyncset.done $0x0  }
.Ltmp0:
0x83: {  	s12 =	sadd.s32 $0x1700, s8;
	[sflag:s26] =	ssyncadd.s32 $0xFFFFE700;
	(pc) =	sbr.rel @p0 .LBB2_3-.Ltmp0, $4  }
0x84: {  	[spmem:s1] =	stream.indirect.scatter.add.f32 [tilespmem:s20], [sflag:$0x7], $0x80, s12, s15, $0xb8;
	[tilespmem:$0x1D800] =	vst v63  }
0x85: {  	_ =	swait.ge [sflag:s29], $0x1900  }
0x86: {  	[sflag:s29] =	ssyncset.done $0x0  }
0x87: {  	s8 =	sadd.s32 $0x1780, s8;
	[sflag:s29] =	ssyncadd.s32 $0xFFFFE700  }
0x88: {  	s10 =	sadd.s32 $0x1, s10  }
0x89: {  	p0 =	sne.s32 s10, $0x5  }
.Ltmp1:
0x8a: {  	_ = 	snop;
	(pc) =	sbr.rel @p0 .LBB2_2-.Ltmp1, $2  }
0x8b: {  	_ =	sdelay $0x2  }
0x8c: {  	[spmem:s1] =	stream.indirect.scatter.add.f32 [tilespmem:s22], [sflag:$0x8], $0x80, s8, s15, $0xb8;
	[tilespmem:$0x1D800] =	vst v63  }
0x8d: {  	_ =	swait.ge [sflag:s31], $0x1900  }
0x8e: {  	[sflag:s31] =	ssyncset.done $0x0  }
0x8f: {  	[sflag:s31] =	ssyncadd.s32 $0xFFFFE700  }
0x90: {  	_ =	swait.ge [sflag:s0], $0x1900  }
0x91: {  	[sflag:s0] =	ssyncset.done $0x0  }
0x92: {  	[sflag:s0] =	ssyncadd.s32 $0xFFFFE700  }
0x93: {  	_ =	swait.ge [sflag:s2], $0x1900  }
0x94: {  	[sflag:s2] =	ssyncset.done $0x0  }
0x95: {  	[sflag:s2] =	ssyncadd.s32 $0xFFFFE700  }
0x96: {  	_ =	swait.ge [sflag:s7], $0x1900  }
0x97: {  	[sflag:s7] =	ssyncset.done $0x0  }
0x98: {  	[sflag:s7] =	ssyncadd.s32 $0xFFFFE700  }
0x99: {  	[bflag:$0x0] =	sbarrier.arrive $0xFFFF  }
0x9a: {  	s10 =	rddreg [dreg:$0x4]  }
0x9b: {  	s8 =	rddreg [dreg:$0x5]  }
0x9c: {  	s11 =	rddreg [dreg:$0x7]  }
0x9d: {  	[hbm:s8], [sflag:s10] =	dma.local [spmem:s11], $0x2800  }
0x9e: {  	_ =	swait.ge [sflag:s13], $0x2800  }
0x9f: {  	s3 =	sadd.s32 $0x1, s3;
	s12 =	rddreg [dreg:$0x6]  }
0xa0: {  	p0 =	sne.s32 s3, s12  }
.Ltmp2:
0xa1: {  	_ = 	snop;
	(pc) =	sbr.rel @p0 .LBB2_1-.Ltmp2, $3  }
0xa2: {  	_ =	sdelay $0x1  }
0xa3: {  	[sflag:s13] =	ssyncset.done $0x0  }
0xa4: {  	[sflag:s13] =	ssyncadd.s32 $0xFFFFD800  }
0xa5: {  	_ =	sfence.sel $0x180000  }
0xa6: {  	[bflag:$0x0] =	sbarrier.arrive $0xFFFF  }
0xa7: {  	_ =	strace $0x9000004D  }
0xa8: {  	s0 =	stileid.u32;
	[bflag:$0x2] =	sbarrier.arrive $0xFFFF  }
0xa9: {  	p0 =	sne.s32 s0, $0x0;
	s0 =	rddreg [dreg:$0x2]  }
0xaa: {  	s0 =	sadd.s32 @!p0 $0x100000, s0  }
0xab: {  	[sflag:s0] =	ssyncadd.tile.s32 @!p0 $0x1;
	_ =	shalt  }
.Lfunc_end2:
_tile_overlayer_lowered:
.L_overlay_start_2:
0xac: {  	(tag) =	ssettag $0x2  }
0xad: {  	s0 =	rddreg [dreg:$0x0];
	s2 =	stileid.u32  }
0xae: {  	s1 =	rddreg [dreg:$0x1];
	p0 =	sne.s32 s2, $0x0  }
0xaf: {  	s3 =	rddreg [dreg:$0x2];
	[bflag:$0x3] =	sbarrier.arrive $0xFFFF;
	s2 =	simm.s32 @!p0 $0x1C09  }
0xb0: {  	[timem:s3], [sflag:s2] =	dma.local @!p0 [hbm:s0], s1  }
0xb1: {  	s0 =	simm.s32 @!p0 $0x9  }
0xb2: {  	_ =	swait.ge @!p0 [sflag:s0], s1  }
0xb3: {  	s1 =	ssub.s32 @!p0 $0x0, s1;
	[sflag:s0] =	ssyncset.done @!p0 $0x0  }
0xb4: {  	[sflag:s0] =	ssyncadd.s32 @!p0 s1  }
0xb5: {  	[bflag:$0x3] =	sbarrier.arrive $0xFFFF  }
0xb6: {  	_ =	shalt  }

// kernel: kernel.19.cloned.1.call-start
scs
__scs_entry_jumppad:
0x0: {  	(pc) =	sbr.rel $0x88, $3  }
0x1: {  	(tag) =	ssettag $0x0;
	lr =	simm.s32 $0x1  }
0x2: {  	[smem:$0x3F89] =	sst lr;
	_ =	strace $0xD0000000  }
0x3: {  	_ = 	snop  }
0x4: {  	_ = 	snop  }
0x5: {  	_ = 	snop  }
0x6: {  	_ = 	snop  }
0x7: {  	_ = 	snop  }
__scs_overlays_trampoline_lowered:
0x8: {  	[smem:$0x3F98] =	sst s0  }
0x9: {  	[smem:$0x3F99] =	sst s1  }
0xa: {  	[smem:$0x3F9A] =	sst s2  }
0xb: {  	[smem:$0x3F9B] =	sst s3  }
0xc: {  	[smem:$0x3F9C] =	sst s4  }
0xd: {  	[smem:$0x3F9D] =	sst s5  }
0xe: {  	[smem:$0x3F9E] =	sst s6  }
0xf: {  	[smem:$0x3F9F] =	sst s7  }
0x10: {  	[smem:$0x3FA0] =	sst s8  }
0x11: {  	[smem:$0x3FA1] =	sst s9;
	s0 =	simm.s32 @!p0 $0x0  }
0x12: {  	s1 =	sld [smem:$0x3F87];
	s0 =	simm.s32 @p0 $0x1  }
0x13: {  	[smem:$0x3FA2] =	sst s0;
	s0 =	simm.s32 @!p1 $0x0  }
0x14: {  	s2 =	sld [smem:$0x3F86];
	s0 =	simm.s32 @p1 $0x1  }
0x15: {  	[smem:$0x3FA3] =	sst s0;
	s0 =	simm.s32 @!p2 $0x0  }
0x16: {  	s3 =	sld [smem:$0x3FDB];
	s0 =	simm.s32 @p2 $0x1  }
0x17: {  	s4 =	simm.s32 $0x1BF5;
	[smem:$0x3FA5] =	sst s0  }
0x18: {  	s0 =	sld [smem:$0x3F88];
	_ =	swait.ge [sflag:s4], $0x0  }
0x19: {  	s7 =	sld [smem:$0x3F89]  }
0x1a: {  	s8 =	sadd.s32 $0xFFFFE003, lr  }
0x1b: {  	s9 =	sadd.s32 $0xFFFFFEF7, lr;
	s5 =	simm.s32 $0xFFFFFFFF;
	p2 =	slt.u32 s8, $0xFFFFF086  }
0x1c: {  	p1 =	slt.u32 s9, $0xF7A;
	s5 =	simm.s32 @!p2 $0x0  }
0x1d: {  	s5 =	simm.s32 @p1 $0x1;
	p0 =	seq.s32 s7, s2  }
0x1e: {  	s7 =	smul.u32 @!p0 $0xF7A, s2;
	p2 =	seq.s32 @!p0 s5, $0x0  }
0x1f: {  	s9 =	smul.u32 $0xF7A, s1;
	s8 =	simm.s32 @!p0 $0x1BF5;
	p2 =	por !p2, p0  }
0x20: {  	[sflag:s8] =	ssyncset.s32 @!p0 $0xFFFFF086;
	s6 =	sadd.s32 @!p0 s3, s7;
	s7 =	simm.s32 @!p0 $0x108  }
0x21: {  	s3 =	sadd.s32 s3, s9;
	s6 =	sadd.s32 @!p0 $0x88, s6;
	s7 =	simm.s32 @p2 $0x1082  }
0x22: {  	[simem:s7], [sflag:s8] =	dma.local @!p0 [hbm:s6], $0xF7A  }
0x23: {  	s9 =	sor.u32 $0xD0000000, s2;
	s6 =	simm.s32 $0x108;
	_ =	swait.ge @!p0 [sflag:s8], $0x0  }
0x24: {  	s3 =	sadd.s32 $0x88, s3;
	s6 =	simm.s32 @!p1 $0x1082;
	[sflag:s4] =	ssyncset.s32 $0xFFFFF086  }
0x25: {  	[simem:s6], [sflag:s4] =	dma.local [hbm:s3], $0xF7A  }
0x26: {  	[smem:$0x3F89] =	sst s1;
	(tag) =	ssettag s2;
	_ =	strace s9  }
0x27: {  	s1 =	sld [smem:$0x3F99]  }
0x28: {  	s2 =	sld [smem:$0x3F9A]  }
0x29: {  	s4 =	sld [smem:$0x3F9C]  }
0x2a: {  	p0 =	seq.s32 s5, $0x0;
	s5 =	sld [smem:$0x3F9D]  }
0x2b: {  	s6 =	sld [smem:$0x3F9E]  }
0x2c: {  	s7 =	sld [smem:$0x3F9F]  }
0x2d: {  	s3 =	simm.s32 $0x108;
	s8 =	sld [smem:$0x3FA0]  }
0x2e: {  	s3 =	simm.s32 @!p0 $0x1082;
	s9 =	sld [smem:$0x3FA1]  }
0x2f: {  	lr =	sadd.s32 s0, s3;
	s0 =	sld [smem:$0x3F98]  }
0x30: {  	s3 =	sld [smem:$0x3F9B]  }
0x31: {  	[smem:$0x3FA4] =	sst s10  }
0x32: {  	s10 =	sld [smem:$0x3FA2];
	_ =	sdelay $0x3  }
0x33: {  	p0 =	seq.s32 s10, $0x1;
	s10 =	sld [smem:$0x3FA4];
	_ =	sdelay $0x3  }
0x34: {  	[smem:$0x3FA4] =	sst s10  }
0x35: {  	s10 =	sld [smem:$0x3FA3];
	_ =	sdelay $0x3  }
0x36: {  	p1 =	seq.s32 s10, $0x1;
	s10 =	sld [smem:$0x3FA4];
	_ =	sdelay $0x3  }
0x37: {  	[smem:$0x3FA4] =	sst s10  }
0x38: {  	s10 =	sld [smem:$0x3FA5]  }
0x39: {  	_ = 	snop;
	(pc) =	sbr.ind lr, $3  }
0x3a: {  	_ = 	snop  }
0x3b: {  	_ = 	snop  }
0x3c: {  	p2 =	seq.s32 s10, $0x1;
	s10 =	sld [smem:$0x3FA4]  }
0x3d: {  	_ =	shalt  }
0x3e: {  	_ =	shalt  }
0x3f: {  	_ =	shalt  }
0x40: {  	_ =	shalt  }
0x41: {  	_ =	shalt  }
0x42: {  	_ =	shalt  }
0x43: {  	_ =	shalt  }
0x44: {  	_ =	shalt  }
0x45: {  	_ =	shalt  }
0x46: {  	_ =	shalt  }
0x47: {  	_ =	shalt  }
0x48: {  	_ =	shalt  }
0x49: {  	_ =	shalt  }
0x4a: {  	_ =	shalt  }
0x4b: {  	_ =	shalt  }
0x4c: {  	_ =	shalt  }
0x4d: {  	_ =	shalt  }
0x4e: {  	_ =	shalt  }
0x4f: {  	_ =	shalt  }
0x50: {  	_ =	shalt  }
0x51: {  	_ =	shalt  }
0x52: {  	_ =	shalt  }
0x53: {  	_ =	shalt  }
0x54: {  	_ =	shalt  }
0x55: {  	_ =	shalt  }
0x56: {  	_ =	shalt  }
0x57: {  	_ =	shalt  }
0x58: {  	_ =	shalt  }
0x59: {  	_ =	shalt  }
0x5a: {  	_ =	shalt  }
0x5b: {  	_ =	shalt  }
0x5c: {  	_ =	shalt  }
0x5d: {  	_ =	shalt  }
0x5e: {  	_ =	shalt  }
0x5f: {  	_ =	shalt  }
0x60: {  	_ =	shalt  }
0x61: {  	_ =	shalt  }
0x62: {  	_ =	shalt  }
0x63: {  	_ =	shalt  }
0x64: {  	_ =	shalt  }
0x65: {  	_ =	shalt  }
0x66: {  	_ =	shalt  }
0x67: {  	_ =	shalt  }
0x68: {  	_ =	shalt  }
0x69: {  	_ =	shalt  }
0x6a: {  	_ =	shalt  }
0x6b: {  	_ =	shalt  }
0x6c: {  	_ =	shalt  }
0x6d: {  	_ =	shalt  }
0x6e: {  	_ =	shalt  }
0x6f: {  	_ =	shalt  }
0x70: {  	_ =	shalt  }
0x71: {  	_ =	shalt  }
0x72: {  	_ =	shalt  }
0x73: {  	_ =	shalt  }
0x74: {  	_ =	shalt  }
0x75: {  	_ =	shalt  }
0x76: {  	_ =	shalt  }
0x77: {  	_ =	shalt  }
0x78: {  	_ =	shalt  }
0x79: {  	_ =	shalt  }
0x7a: {  	_ =	shalt  }
0x7b: {  	_ =	shalt  }
0x7c: {  	_ =	shalt  }
0x7d: {  	_ =	shalt  }
0x7e: {  	_ =	shalt  }
0x7f: {  	_ =	shalt  }
0x80: {  	_ =	shalt  }
0x81: {  	_ =	shalt  }
0x82: {  	_ =	shalt  }
0x83: {  	_ =	shalt  }
0x84: {  	_ =	shalt  }
0x85: {  	_ =	shalt  }
0x86: {  	_ =	shalt  }
0x87: {  	_ =	shalt  }
.Lfunc_end0:
.L_simem_size_0:
called_computation.3_lowered:
.L_overlay_start_0:
0x88: {  	s2 =	sld [smem:$0x3FD9]  }
0x89: {  	s3 =	sld [smem:$0x3FFE];
	_ =	sdelay $0x1  }
0x8a: {  	s1 =	srdreg.scid  }
0x8b: {  	s0 =	sand.u32 $0x1, s1  }
0x8c: {  	s16 =	sshll.u32 s0, $0xA;
	s2 =	sadd.s32 s3, s2  }
0x8d: {  	s2 =	sadd.s32 s2, s16  }
0x8e: {  	[smem:$0x3FB0] =	sst s2  }
0x8f: {  	_ = 	snop  }
0x90: {  	(tm) =	ssettm $0x1  }
0x91: {  	s17 =	sld [smem:$0x3FFB];
	_ =	sdelay $0x3  }
0x92: {  	_ =	strace s17  }
0x93: {  	s2 =	sld [smem:$0x3FFC];
	_ =	sdelay $0x3  }
0x94: {  	_ =	strace s2  }
0x95: {  	s2 =	sld [smem:$0x3FFD];
	_ =	sdelay $0x3  }
0x96: {  	_ =	strace s2  }
0x97: {  	_ =	strace $0x8FFFFFFF  }
0x98: {  	s18 =	sld [smem:$0x3FDB];
	_ =	sdelay $0x1  }
0x99: {  	s19 =	simm.s32 $_scs_section_size  }
0x9a: {  	s4 =	simm.s32 $_size__tile_overlayer_lowered;
	s5 =	simm.s32 $_tile_overlayer_lowered  }
0x9b: {  	s22 =	simm.s32 $0x1BFF;
	s21 =	sshll.u32 s5, $0x1;
	s2 =	sadd.s32 s19, s18  }
0x9c: {  	s6 =	simm.s32 $0x0;
	s20 =	sshll.u32 s4, $0x1;
	s4 =	sadd.s32 s21, s2  }
0x9d: {  	[timem:s6], [sflag:s22] =	dma.local [hbm:s4], s20  }
0x9e: {  	_ =	swait.ge [sflag:s22], s20  }
0x9f: {  	s3 =	ssub.s32 $0x0, s20;
	[sflag:s22] =	ssyncset.done $0x0  }
0xa0: {  	[sflag:s22] =	ssyncadd.s32 s3;
	_ =	sdelay $0x1  }
0xa1: {  	s23 =	simm.s32 $0x1B8B  }
0xa2: {  	_ =	swait.ge [sflag:s23], $0x1  }
0xa3: {  	[sflag:s23] =	ssyncset.done $0x0  }
0xa4: {  	s25 =	simm.s32 $0x1B8E;
	s24 =	sld [smem:$0x3FFE];
	[sflag:s23] =	ssyncadd.s32 $0xFFFFFFFF  }
0xa5: {  	s26 =	simm.s32 $execute0_lowered;
	[smem:$0x3FD2] =	sst s25  }
0xa6: {  	s4 =	sshll.u32 s26, $0x1;
	_ =	strace $0x8000004F;
	[dreg:$0x1] =	wrdreg $0xFFFFFFFF  }
0xa7: {  	s28 =	simm.s32 $_size_execute0_lowered;
	s2 =	sadd.s32 s2, s4;
	[dreg:$0x0] =	wrdreg $0x0  }
0xa8: {  	s4 =	sshll.u32 s28, $0x1;
	[dreg:$0x2] =	wrdreg s2  }
0xa9: {  	[dreg:$0x3] =	wrdreg s4  }
0xaa: {  	[dreg:$0x4] =	wrdreg $0xC0  }
0xab: {  	_ =	task [dreg:s6], $0x5FFFF  }
0xac: {  	[dreg:$0x1] =	wrdreg $0xFFFFFFFF  }
0xad: {  	[dreg:$0x0] =	wrdreg $0x60  }
0xae: {  	[dreg:$0x2] =	wrdreg s24  }
0xaf: {  	[dreg:$0x3] =	wrdreg $0x98000  }
0xb0: {  	[dreg:$0x4] =	wrdreg $0x9  }
0xb1: {  	_ =	task.clear_ibuf [dreg:s6], $0x5FFFF;
	_ =	strace $0x9000004F  }
0xb2: {  	s29 =	simm.s32 $0x9;
	_ =	strace $0x80000051  }
0xb3: {  	_ =	swait.ge [sflag:s29], $0x1  }
0xb4: {  	[sflag:s29] =	ssyncadd.s32 $0xFFFFFFFF  }
0xb5: {  	_ =	strace $0x90000051  }
0xb6: {  	_ =	sfence  }
0xb7: {  	s30 =	sld [smem:$0x0];
	_ =	sdelay $0x2  }
0xb8: {  	s31 =	sshll.u32 s1, $0xD;
	s1 =	sshrl.u32 s1, $0x2  }
0xb9: {  	s3 =	sand.u32 $0x4000, s31;
	s1 =	sadd.s32 s1, s30  }
0xba: {  	s0 =	sor.u32 s3, s0;
	s1 =	sshll.u32 s1, $0x11  }
0xbb: {  	s0 =	sor.u32 s1, s0  }
0xbc: {  	s0 =	sadd.s32 $0x8F2B, s0  }
0xbd: {  	[sflag:s0] =	ssyncadd.remote.s32 $0x1  }
0xbe: {  	_ =	sfence.sel $0xFFFF  }
0xbf: {  	[dreg:$0x0] =	wrdreg $0xFFFFFFFF;
	(pc) =	sbr.abs _section_cstart, $3  }
0xc0: {  	[dreg:$0x1] =	wrdreg $0xFFFFFFFF  }
0xc1: {  	_ =	task.clear_ibuf [dreg:s6], $0x2FFFF;
	_ =	strace $0x9FFFFFFF  }
0xc2: {  	(tm) =	ssettm $0x7FFFFFFF  }
0xc3: {  	_ =	shalt  }
tec
execute0_lowered:
.L_overlay_start_1:
0x0: {  	(tag) =	ssettag $0x1  }
0x1: {  	s0 =	rddreg [dreg:$0x0]  }
0x2: {  	s1 =	rddreg [dreg:$0x1];
	s3 =	simm.s32 $0x0  }
0x3: {  	s2 =	srdreg.scid;
	s11 =	stileid.u32;
	s13 =	simm.s32 $0x9  }
0x4: {  	s14 =	simm.s32 $0x1400;
	s15 =	simm.s32 $0x32;
	s16 =	simm.s32 $0x2800  }
0x5: {  	s17 =	simm.s32 $0x80;
	s18 =	simm.s32 $0x4400;
	s19 =	simm.s32 $0x100  }
0x6: {  	s28 =	simm.s32 $0x1500;
	s29 =	simm.s32 $0x4;
	s30 =	simm.s32 $0x1580  }
0x7: {  	s31 =	simm.s32 $0x5;
	[smem:$0x7FF] =	sst s3;
	s2 =	sand.u32 $0x1, s2  }
0x8: {  	s8 =	smul.u32 $0x14000, s11;
	s4 =	sadd.s32 $0x47E00, s0;
	s5 =	sadd.s32 $0x2EE00, s0  }
0x9: {  	s6 =	sadd.s32 $0x15E00, s0;
	s9 =	sadd.s32 $0x5400, s0;
	s10 =	smul.u32 $0x50000, s11  }
0xa: {  	s23 =	sshll.u32 s11, $0x1;
	s25 =	sshll.u32 s11, $0x6;
	s7 =	smul.u32 $0x140000, s2  }
0xb: {  	_ =	strace $0x80000050;
	[dreg:$0x3] =	wrdreg s9;
	s20 =	ssub.s32 $0x2, s2  }
0xc: {  	s2 =	sor.u32 s2, s23;
	s23 =	simm.s32 $0x1;
	s21 =	sshrl.u32 s20, $0x1  }
0xd: {  	s24 =	sshrl.u32 s10, $0x2;
	s10 =	sor.u32 $0x1C09, s25;
	s9 =	smul.u32 $0x6400, s2  }
0xe: {  	s25 =	simm.s32 $0x1480;
	s2 =	simm.s32 $0x7;
	s7 =	sadd.s32 s8, s7  }
0xf: {  	s22 =	ssub.s32 s20, s21;
	s8 =	sadd.s32 s24, s1;
	s20 =	simm.s32 $0x6000  }
0x10: {  	s21 =	simm.s32 $0x180;
	s24 =	simm.s32 $0x2;
	[dreg:$0x4] =	wrdreg s10  }
0x11: {  	s7 =	sshrl.u32 s7, $0x3;
	s26 =	smax.u32 s22, $0x1;
	s11 =	sshrl.u32 s8, $0x3  }
0x12: {  	s22 =	simm.s32 $0x7C00;
	s0 =	sadd.s32 s7, s0;
	[dreg:$0x6] =	wrdreg s26  }
0x13: {  	s26 =	simm.s32 $0x3;
	[dreg:$0x7] =	wrdreg s11;
	s0 =	sadd.s32 $0x6F000, s0  }
0x14: {  	s7 =	simm.s32 $0x8;
	[dreg:$0x5] =	wrdreg s0;
	s0 =	simm.s32 $0x6  }
.LBB2_1:
0x15: {  	s8 =	rddreg [dreg:$0x3]  }
0x16: {  	[spmem:s11], [sflag:s10] =	dma.local [hbm:s8], $0x2800  }
0x17: {  	_ =	swait.ge [sflag:s13], $0x2800  }
0x18: {  	[sflag:s13] =	ssyncset.done $0x0  }
0x19: {  	[sflag:s13] =	ssyncadd.s32 $0xFFFFD800  }
0x1a: {  	s10 =	simm.s32 $0x0;
	[bflag:$0x0] =	sbarrier.arrive $0xFFFF  }
.LBB2_2:
0x1b: {  	p0 =	seq.s32 s10, $0x0  }
0x1c: {  	s8 =	simm.s32 @!p0 $0x5  }
0x1d: {  	_ =	swait.ge @!p0 [sflag:s8], $0x1900  }
0x1e: {  	[sflag:s8] =	ssyncset.done @!p0 $0x0  }
0x1f: {  	[sflag:s8] =	ssyncadd.s32 @!p0 $0xFFFFE700;
	s8 =	simm.s32 @!p0 $0x6  }
0x20: {  	_ =	swait.ge @!p0 [sflag:s8], $0x1900  }
0x21: {  	[sflag:s8] =	ssyncset.done @!p0 $0x0  }
0x22: {  	[sflag:s8] =	ssyncadd.s32 @!p0 $0xFFFFE700;
	s8 =	simm.s32 @!p0 $0x7  }
0x23: {  	_ =	swait.ge @!p0 [sflag:s8], $0x1900  }
0x24: {  	s11 =	smul.u32 $0x1400, s10;
	[sflag:s8] =	ssyncset.done @!p0 $0x0  }
0x25: {  	[sflag:s8] =	ssyncadd.s32 @!p0 $0xFFFFE700;
	s8 =	simm.s32 @!p0 $0x8  }
0x26: {  	s11 =	sadd.s32 s9, s11;
	_ =	swait.ge @!p0 [sflag:s8], $0x1900  }
0x27: {  	s11 =	sshrl.u32 s11, $0x3;
	[sflag:s8] =	ssyncset.done @!p0 $0x0  }
0x28: {  	s12 =	simm.s32 $0x0;
	[sflag:s8] =	ssyncadd.s32 @!p0 $0xFFFFE700;
	s8 =	sadd.s32 s5, s11  }
0x29: {  	[tilespmem:s12], [sflag:$0x9] =	stream.linear.gather [hbm4b:s8+s12], $0x1400, $0x38;
	[tilespmem:$0x1D800] =	vst v63  }
0x2a: {  	_ =	swait.ge [sflag:s13], $0x1400  }
0x2b: {  	[sflag:s13] =	ssyncset.done $0x0  }
0x2c: {  	s11 =	sadd.s32 s6, s11;
	[sflag:s13] =	ssyncadd.s32 $0xFFFFEC00  }
0x2d: {  	[tilespmem:s14], [sflag:$0x9] =	stream.linear.gather [hbm4b:s11+s12], $0x1400, $0x38;
	[tilespmem:$0x1D800] =	vst v63  }
0x2e: {  	_ =	swait.ge [sflag:s13], $0x1400  }
0x2f: {  	[sflag:s13] =	ssyncset.done $0x0  }
0x30: {  	[sflag:s13] =	ssyncadd.s32 $0xFFFFEC00  }
0x31: {  	[tilespmem:s16], [sflag:$0x1] =	stream.indirect.gather [hbm4b:s4+s15], $0x80, s12, s15, $0xb8;
	[tilespmem:$0x1D800] =	vst v63  }
0x32: {  	_ = 	snop  }
0x33: {  	[tilespmem:s18], [sflag:$0x2] =	stream.indirect.gather [hbm4b:s4+s15], $0x80, s17, s15, $0xb8;
	[tilespmem:$0x1D800] =	vst v63  }
0x34: {  	_ = 	snop  }
0x35: {  	[tilespmem:s20], [sflag:$0x3] =	stream.indirect.gather [hbm4b:s4+s15], $0x80, s19, s15, $0xb8;
	[tilespmem:$0x1D800] =	vst v63  }
0x36: {  	_ = 	snop  }
0x37: {  	[tilespmem:s22], [sflag:$0x4] =	stream.indirect.gather [hbm4b:s4+s15], $0x80, s21, s15, $0xb8;
	[tilespmem:$0x1D800] =	vst v63  }
0x38: {  	_ =	swait.ge [sflag:s23], $0x1900  }
0x39: {  	[sflag:s23] =	ssyncset.done $0x0  }
0x3a: {  	[sflag:s23] =	ssyncadd.s32 $0xFFFFE700  }
0x3b: {  	[spmem:s1] =	stream.indirect.scatter.add.f32 [tilespmem:s16], [sflag:$0x5], $0x80, s14, s15, $0xb8;
	[tilespmem:$0x1D800] =	vst v63  }
0x3c: {  	_ =	swait.ge [sflag:s24], $0x1900  }
0x3d: {  	[sflag:s24] =	ssyncset.done $0x0  }
0x3e: {  	[sflag:s24] =	ssyncadd.s32 $0xFFFFE700  }
0x3f: {  	[spmem:s1] =	stream.indirect.scatter.add.f32 [tilespmem:s18], [sflag:$0x6], $0x80, s25, s15, $0xb8;
	[tilespmem:$0x1D800] =	vst v63  }
0x40: {  	_ =	swait.ge [sflag:s26], $0x1900  }
0x41: {  	[sflag:s26] =	ssyncset.done $0x0  }
0x42: {  	[sflag:s26] =	ssyncadd.s32 $0xFFFFE700  }
0x43: {  	[spmem:s1] =	stream.indirect.scatter.add.f32 [tilespmem:s20], [sflag:$0x7], $0x80, s28, s15, $0xb8;
	[tilespmem:$0x1D800] =	vst v63  }
0x44: {  	_ =	swait.ge [sflag:s29], $0x1900  }
0x45: {  	[sflag:s29] =	ssyncset.done $0x0  }
0x46: {  	[sflag:s29] =	ssyncadd.s32 $0xFFFFE700  }
0x47: {  	[spmem:s1] =	stream.indirect.scatter.add.f32 [tilespmem:s22], [sflag:$0x8], $0x80, s30, s15, $0xb8;
	[tilespmem:$0x1D800] =	vst v63  }
0x48: {  	_ =	swait.ge [sflag:s31], $0x1900  }
0x49: {  	[sflag:s31] =	ssyncset.done $0x0  }
0x4a: {  	s12 =	simm.s32 $0x200;
	[sflag:s31] =	ssyncadd.s32 $0xFFFFE700  }
0x4b: {  	[tilespmem:s16], [sflag:$0x1] =	stream.indirect.gather [hbm4b:s4+s15], $0x80, s12, s15, $0xb8;
	[tilespmem:$0x1D800] =	vst v63  }
0x4c: {  	_ =	swait.ge [sflag:s0], $0x1900  }
0x4d: {  	[sflag:s0] =	ssyncset.done $0x0  }
0x4e: {  	s11 =	simm.s32 $0x280;
	[sflag:s0] =	ssyncadd.s32 $0xFFFFE700  }
0x4f: {  	[tilespmem:s18], [sflag:$0x2] =	stream.indirect.gather [hbm4b:s4+s15], $0x80, s11, s15, $0xb8;
	[tilespmem:$0x1D800] =	vst v63  }
0x50: {  	_ =	swait.ge [sflag:s2], $0x1900  }
0x51: {  	[sflag:s2] =	ssyncset.done $0x0  }
0x52: {  	s12 =	simm.s32 $0x300;
	[sflag:s2] =	ssyncadd.s32 $0xFFFFE700  }
0x53: {  	[tilespmem:s20], [sflag:$0x3] =	stream.indirect.gather [hbm4b:s4+s15], $0x80, s12, s15, $0xb8;
	[tilespmem:$0x1D800] =	vst v63  }
0x54: {  	_ =	swait.ge [sflag:s7], $0x1900  }
0x55: {  	[sflag:s7] =	ssyncset.done $0x0  }
0x56: {  	s11 =	simm.s32 $0x380;
	[sflag:s7] =	ssyncadd.s32 $0xFFFFE700  }
0x57: {  	[tilespmem:s22], [sflag:$0x4] =	stream.indirect.gather [hbm4b:s4+s15], $0x80, s11, s15, $0xb8;
	[tilespmem:$0x1D800] =	vst v63  }
0x58: {  	_ =	swait.ge [sflag:s23], $0x1900  }
0x59: {  	[sflag:s23] =	ssyncset.done $0x0  }
0x5a: {  	s12 =	simm.s32 $0x1600;
	[sflag:s23] =	ssyncadd.s32 $0xFFFFE700  }
0x5b: {  	[spmem:s1] =	stream.indirect.scatter.add.f32 [tilespmem:s16], [sflag:$0x5], $0x80, s12, s15, $0xb8;
	[tilespmem:$0x1D800] =	vst v63  }
0x5c: {  	_ =	swait.ge [sflag:s24], $0x1900  }
0x5d: {  	[sflag:s24] =	ssyncset.done $0x0  }
0x5e: {  	s11 =	simm.s32 $0x1680;
	[sflag:s24] =	ssyncadd.s32 $0xFFFFE700  }
0x5f: {  	[spmem:s1] =	stream.indirect.scatter.add.f32 [tilespmem:s18], [sflag:$0x6], $0x80, s11, s15, $0xb8;
	[tilespmem:$0x1D800] =	vst v63  }
0x60: {  	_ =	swait.ge [sflag:s26], $0x1900  }
0x61: {  	[sflag:s26] =	ssyncset.done $0x0  }
0x62: {  	s12 =	simm.s32 $0x1700;
	[sflag:s26] =	ssyncadd.s32 $0xFFFFE700  }
0x63: {  	[spmem:s1] =	stream.indirect.scatter.add.f32 [tilespmem:s20], [sflag:$0x7], $0x80, s12, s15, $0xb8;
	[tilespmem:$0x1D800] =	vst v63  }
0x64: {  	_ =	swait.ge [sflag:s29], $0x1900  }
0x65: {  	[sflag:s29] =	ssyncset.done $0x0  }
0x66: {  	s8 =	simm.s32 $0x1780;
	s11 =	simm.s32 $0x800;
	[sflag:s29] =	ssyncadd.s32 $0xFFFFE700  }
.LBB2_3:
0x67: {  	[spmem:s1] =	stream.indirect.scatter.add.f32 [tilespmem:s22], [sflag:$0x8], $0x80, s8, s15, $0xb8;
	[tilespmem:$0x1D800] =	vst v63  }
0x68: {  	s8 =	smov.u32 s11  }
0x69: {  	p0 =	sne.s32 s11, $0x4000;
	s11 =	sadd.s32 $0x800, s11;
	_ =	swait.ge [sflag:s31], $0x1900  }
0x6a: {  	s8 =	sshra.s32 s8, $0x2;
	[sflag:s31] =	ssyncset.done $0x0  }
0x6b: {  	s12 =	sadd.s32 $0x200, s8;
	[sflag:s31] =	ssyncadd.s32 $0xFFFFE700  }
0x6c: {  	[tilespmem:s16], [sflag:$0x1] =	stream.indirect.gather [hbm4b:s4+s15], $0x80, s12, s15, $0xb8;
	[tilespmem:$0x1D800] =	vst v63  }
0x6d: {  	_ =	swait.ge [sflag:s0], $0x1900  }
0x6e: {  	[sflag:s0] =	ssyncset.done $0x0  }
0x6f: {  	s12 =	sadd.s32 $0x280, s8;
	[sflag:s0] =	ssyncadd.s32 $0xFFFFE700  }
0x70: {  	[tilespmem:s18], [sflag:$0x2] =	stream.indirect.gather [hbm4b:s4+s15], $0x80, s12, s15, $0xb8;
	[tilespmem:$0x1D800] =	vst v63  }
0x71: {  	_ =	swait.ge [sflag:s2], $0x1900  }
0x72: {  	[sflag:s2] =	ssyncset.done $0x0  }
0x73: {  	s12 =	sadd.s32 $0x300, s8;
	[sflag:s2] =	ssyncadd.s32 $0xFFFFE700  }
0x74: {  	[tilespmem:s20], [sflag:$0x3] =	stream.indirect.gather [hbm4b:s4+s15], $0x80, s12, s15, $0xb8;
	[tilespmem:$0x1D800] =	vst v63  }
0x75: {  	_ =	swait.ge [sflag:s7], $0x1900  }
0x76: {  	[sflag:s7] =	ssyncset.done $0x0  }
0x77: {  	s12 =	sadd.s32 $0x380, s8;
	[sflag:s7] =	ssyncadd.s32 $0xFFFFE700  }
0x78: {  	[tilespmem:s22], [sflag:$0x4] =	stream.indirect.gather [hbm4b:s4+s15], $0x80, s12, s15, $0xb8;
	[tilespmem:$0x1D800] =	vst v63  }
0x79: {  	_ =	swait.ge [sflag:s23], $0x1900  }
0x7a: {  	[sflag:s23] =	ssyncset.done $0x0  }
0x7b: {  	s12 =	sadd.s32 $0x1600, s8;
	[sflag:s23] =	ssyncadd.s32 $0xFFFFE700  }
0x7c: {  	[spmem:s1] =	stream.indirect.scatter.add.f32 [tilespmem:s16], [sflag:$0x5], $0x80, s12, s15, $0xb8;
	[tilespmem:$0x1D800] =	vst v63  }
0x7d: {  	_ =	swait.ge [sflag:s24], $0x1900  }
0x7e: {  	[sflag:s24] =	ssyncset.done $0x0  }
0x7f: {  	s12 =	sadd.s32 $0x1680, s8;
	[sflag:s24] =	ssyncadd.s32 $0xFFFFE700  }
0x80: {  	[spmem:s1] =	stream.indirect.scatter.add.f32 [tilespmem:s18], [sflag:$0x6], $0x80, s12, s15, $0xb8;
	[tilespmem:$0x1D800] =	vst v63  }
0x81: {  	_ =	swait.ge [sflag:s26], $0x1900  }
0x82: {  	[sflag:s26] =	ssyncset.done $0x0  }
.Ltmp0:
0x83: {  	s12 =	sadd.s32 $0x1700, s8;
	[sflag:s26] =	ssyncadd.s32 $0xFFFFE700;
	(pc) =	sbr.rel @p0 .LBB2_3-.Ltmp0, $4  }
0x84: {  	[spmem:s1] =	stream.indirect.scatter.add.f32 [tilespmem:s20], [sflag:$0x7], $0x80, s12, s15, $0xb8;
	[tilespmem:$0x1D800] =	vst v63  }
0x85: {  	_ =	swait.ge [sflag:s29], $0x1900  }
0x86: {  	[sflag:s29] =	ssyncset.done $0x0  }
0x87: {  	s8 =	sadd.s32 $0x1780, s8;
	[sflag:s29] =	ssyncadd.s32 $0xFFFFE700  }
0x88: {  	s10 =	sadd.s32 $0x1, s10  }
0x89: {  	p0 =	sne.s32 s10, $0x5  }
.Ltmp1:
0x8a: {  	_ = 	snop;
	(pc) =	sbr.rel @p0 .LBB2_2-.Ltmp1, $2  }
0x8b: {  	_ =	sdelay $0x2  }
0x8c: {  	[spmem:s1] =	stream.indirect.scatter.add.f32 [tilespmem:s22], [sflag:$0x8], $0x80, s8, s15, $0xb8;
	[tilespmem:$0x1D800] =	vst v63  }
0x8d: {  	_ =	swait.ge [sflag:s31], $0x1900  }
0x8e: {  	[sflag:s31] =	ssyncset.done $0x0  }
0x8f: {  	[sflag:s31] =	ssyncadd.s32 $0xFFFFE700  }
0x90: {  	_ =	swait.ge [sflag:s0], $0x1900  }
0x91: {  	[sflag:s0] =	ssyncset.done $0x0  }
0x92: {  	[sflag:s0] =	ssyncadd.s32 $0xFFFFE700  }
0x93: {  	_ =	swait.ge [sflag:s2], $0x1900  }
0x94: {  	[sflag:s2] =	ssyncset.done $0x0  }
0x95: {  	[sflag:s2] =	ssyncadd.s32 $0xFFFFE700  }
0x96: {  	_ =	swait.ge [sflag:s7], $0x1900  }
0x97: {  	[sflag:s7] =	ssyncset.done $0x0  }
0x98: {  	[sflag:s7] =	ssyncadd.s32 $0xFFFFE700  }
0x99: {  	[bflag:$0x0] =	sbarrier.arrive $0xFFFF  }
0x9a: {  	s10 =	rddreg [dreg:$0x4]  }
0x9b: {  	s8 =	rddreg [dreg:$0x5]  }
0x9c: {  	s11 =	rddreg [dreg:$0x7]  }
0x9d: {  	[hbm:s8], [sflag:s10] =	dma.local [spmem:s11], $0x2800  }
0x9e: {  	_ =	swait.ge [sflag:s13], $0x2800  }
0x9f: {  	s3 =	sadd.s32 $0x1, s3;
	s12 =	rddreg [dreg:$0x6]  }
0xa0: {  	p0 =	sne.s32 s3, s12  }
.Ltmp2:
0xa1: {  	_ = 	snop;
	(pc) =	sbr.rel @p0 .LBB2_1-.Ltmp2, $3  }
0xa2: {  	_ =	sdelay $0x1  }
0xa3: {  	[sflag:s13] =	ssyncset.done $0x0  }
0xa4: {  	[sflag:s13] =	ssyncadd.s32 $0xFFFFD800  }
0xa5: {  	_ =	sfence.sel $0x180000  }
0xa6: {  	[bflag:$0x0] =	sbarrier.arrive $0xFFFF  }
0xa7: {  	_ =	strace $0x90000050  }
0xa8: {  	s0 =	stileid.u32;
	[bflag:$0x2] =	sbarrier.arrive $0xFFFF  }
0xa9: {  	p0 =	sne.s32 s0, $0x0;
	s0 =	rddreg [dreg:$0x2]  }
0xaa: {  	s0 =	sadd.s32 @!p0 $0x100000, s0  }
0xab: {  	[sflag:s0] =	ssyncadd.tile.s32 @!p0 $0x1;
	_ =	shalt  }
.Lfunc_end2:
_tile_overlayer_lowered:
.L_overlay_start_2:
0xac: {  	(tag) =	ssettag $0x2  }
0xad: {  	s0 =	rddreg [dreg:$0x0];
	s2 =	stileid.u32  }
0xae: {  	s1 =	rddreg [dreg:$0x1];
	p0 =	sne.s32 s2, $0x0  }
0xaf: {  	s3 =	rddreg [dreg:$0x2];
	[bflag:$0x3] =	sbarrier.arrive $0xFFFF;
	s2 =	simm.s32 @!p0 $0x1C09  }
0xb0: {  	[timem:s3], [sflag:s2] =	dma.local @!p0 [hbm:s0], s1  }
0xb1: {  	s0 =	simm.s32 @!p0 $0x9  }
0xb2: {  	_ =	swait.ge @!p0 [sflag:s0], s1  }
0xb3: {  	s1 =	ssub.s32 @!p0 $0x0, s1;
	[sflag:s0] =	ssyncset.done @!p0 $0x0  }
0xb4: {  	[sflag:s0] =	ssyncadd.s32 @!p0 s1  }
0xb5: {  	[bflag:$0x3] =	sbarrier.arrive $0xFFFF  }
0xb6: {  	_ =	shalt  }

</sc_bundles>
